<compile_context>
chip_gen: v7x
topology: tpu7x:2x2x1
jax: 0.10.2.dev20260603
libtpu: 0.0.44.dev20260713+nightly
codegen_flags: <defaults>
</compile_context>

<pallas_src>
import functools

import jax
import jax.numpy as jnp
from jax import lax
from jax.experimental import pallas as pl
from jax.experimental.pallas import tpu as pltpu
from jax.experimental.pallas import tpu_sc as plsc

N = 10000
E = 320000
D = 128
NE = 2000
EH = 40000

NC = 2
NS = 16
NW = NC * NS
CH = 128
WR = 144

R_G = 10240
R_E = 2048
K_G = 80
K_E = 12


def _zero_vmem(z_v):
    def zrow(i, c):
        def zcol(j, c2):
            z_v[i, pl.ds(j * 16, 16)] = jnp.zeros((16,), jnp.float32)
            return c2
        return lax.fori_loop(0, WR // 16, zcol, c)
    lax.fori_loop(0, CH, zrow, 0)


def _sc_scatter(table, idx, *, R, K):
    rpt = R // NS
    mesh = plsc.VectorSubcoreMesh(core_axis_name="c", subcore_axis_name="s")

    P = K // 2

    @functools.partial(
        pl.kernel,
        mesh=mesh,
        compiler_params=pltpu.CompilerParams(use_tc_tiling_on_sc=False),
        out_type=jax.ShapeDtypeStruct((NC, R, WR), jnp.float32),
        scratch_types=[
            pltpu.VMEM((2, 2, CH), jnp.int32),
            pltpu.VMEM((2, 2, CH), jnp.int32),
            pltpu.VMEM((CH, WR), jnp.float32),
            pltpu.VMEM((CH, WR), jnp.float32),
            pltpu.VMEM_SHARED((R, WR), jnp.float32),
            pltpu.SemaphoreType.DMA,
            pltpu.SemaphoreType.DMA,
        ],
    )
    def k(table_h, idx_h, out_h, pb0, pb1, rows0, rows1, acc_s, sem0, sem1):
        cid = lax.axis_index("c")
        sid = lax.axis_index("s")
        wid = sid * NC + cid
        base = sid * rpt

        rows = (rows0, rows1)
        sems = (sem0, sem1)

        def fetch_pair(p, pb):
            pltpu.sync_copy(idx_h.at[wid, p], pb)

        def issue(pb, j):
            pltpu.async_copy(table_h.at[pb.at[j, 0]], rows[j], sems[j])

        def wait(pb, j):
            pltpu.make_async_copy(table_h.at[pb.at[j, 0]], rows[j],
                                  sems[j]).wait()

        def scatter(pb, j):
            pltpu.sync_copy(rows[j], acc_s.at[pb.at[j, 1]], add=True)

        fetch_pair(0, pb0)
        _zero_vmem(rows0)

        def zg(r, c):
            pltpu.sync_copy(rows0, acc_s.at[pl.ds(base + r * CH, CH)])
            return c
        lax.fori_loop(0, rpt // CH, zg, 0)

        issue(pb0, 0)
        issue(pb0, 1)
        plsc.subcore_barrier()

        @pl.loop(0, P, step=2)
        def _(p):
            fetch_pair(p + 1, pb1)
            wait(pb0, 0)
            scatter(pb0, 0)
            issue(pb1, 0)
            wait(pb0, 1)
            scatter(pb0, 1)
            issue(pb1, 1)
            fetch_pair(p + 2, pb0)
            wait(pb1, 0)
            scatter(pb1, 0)
            issue(pb0, 0)
            wait(pb1, 1)
            scatter(pb1, 1)
            issue(pb0, 1)

        wait(pb0, 0)
        scatter(pb0, 0)
        wait(pb0, 1)
        scatter(pb0, 1)
        plsc.subcore_barrier()

        def wb(r, c):
            pltpu.sync_copy(acc_s.at[pl.ds(base + r * CH, CH)],
                            out_h.at[cid, pl.ds(base + r * CH, CH)])
            return c
        lax.fori_loop(0, rpt // CH, wb, 0)

    return k(table, idx)


def _tc_matmul(Xp, Wz, b144):
    BR = 1024

    def mmk(x_ref, w_ref, b_ref, o_ref):
        o_ref[...] = lax.dot(
            x_ref[...], w_ref[...],
            precision=lax.Precision.HIGHEST,
            preferred_element_type=jnp.float32,
        ) + b_ref[0:1, :]

    return pl.pallas_call(
        mmk,
        grid=(R_G // BR,),
        in_specs=[
            pl.BlockSpec((BR, D), lambda i: (i, 0)),
            pl.BlockSpec((D, WR), lambda i: (0, 0)),
            pl.BlockSpec((8, WR), lambda i: (0, 0)),
        ],
        out_specs=pl.BlockSpec((BR, WR), lambda i: (i, 0)),
        out_shape=jax.ShapeDtypeStruct((R_G, WR), jnp.float32),
    )(Xp, Wz, b144)


def _tc_finalize_y(pe):
    def fk(p_ref, o_ref):
        s = p_ref[0] + p_ref[1]
        o_ref[...] = s / jnp.maximum(s[:, 128:129], 1.0)

    return pl.pallas_call(
        fk,
        out_shape=jax.ShapeDtypeStruct((R_E, WR), jnp.float32),
    )(pe)


def _tc_combine(pg, ph):
    BR = 1024

    def ck(pg_ref, ph_ref, o_ref):
        sg = pg_ref[0] + pg_ref[1]
        sh = ph_ref[0] + ph_ref[1]
        xg = sg[:, :D] / jnp.maximum(sg[:, 128:129], 1.0)
        xh = sh[:, :D] / jnp.maximum(sh[:, 128:129], 1.0)
        o_ref[...] = jnp.maximum(xg * 0.1 + xh * 0.9, 0.0)

    return pl.pallas_call(
        ck,
        grid=(R_G // BR,),
        in_specs=[
            pl.BlockSpec((2, BR, WR), lambda i: (0, i, 0)),
            pl.BlockSpec((2, BR, WR), lambda i: (0, i, 0)),
        ],
        out_specs=pl.BlockSpec((BR, D), lambda i: (i, 0)),
        out_shape=jax.ShapeDtypeStruct((R_G, D), jnp.float32),
    )(pg, ph)


def _pad_pairs(g, s, K, gpad, sbase, R):
    tot = NW * K * CH
    npad = tot - g.shape[0]
    swin = min(CH, R - sbase)
    cyc = jnp.arange(npad, dtype=jnp.int32)
    g = jnp.concatenate([g.astype(jnp.int32), gpad + cyc % CH])
    s = jnp.concatenate([s.astype(jnp.int32), sbase + cyc % swin])
    iv = jnp.stack([g.reshape(NW, K, CH), s.reshape(NW, K, CH)], axis=2)
    lane = jnp.arange(CH, dtype=jnp.int32)
    tail = jnp.stack(
        [jnp.broadcast_to(gpad + lane % CH, (NW, 2, CH)),
         jnp.broadcast_to(sbase + lane % swin, (NW, 2, CH))], axis=2)
    return jnp.concatenate([iv, tail], axis=1).reshape(
        NW, (K + 2) // 2, 2, 2, CH)


def kernel(X, edge_index, he_nodes, he_edges, W, b):
    Xp = jnp.pad(X, ((0, R_G - N), (0, 0)))
    Wz = jnp.pad(W.T, ((0, 0), (0, WR - D)))
    b144 = jnp.zeros((8, WR), jnp.float32).at[0, :D].set(b).at[0, D].set(1.0)

    H = _tc_matmul(Xp, Wz, b144)

    iv = _pad_pairs(edge_index[0], edge_index[1], K_G, N, R_G - CH, R_G)
    pg = _sc_scatter(H, iv, R=R_G, K=K_G)

    ie = _pad_pairs(he_nodes, he_edges, K_E, N, NE, R_E)
    pe = _sc_scatter(H, ie, R=R_E, K=K_E)

    Yp = _tc_finalize_y(pe)

    ih = _pad_pairs(he_edges, he_nodes, K_E, R_E - CH, R_G - CH, R_G)
    ph = _sc_scatter(Yp, ih, R=R_G, K=K_E)

    out = _tc_combine(pg, ph)
    return out[:N]

# --- scband reference (transcript-rebuilt; emitter-appended) ---
"""Pipeline reference for scband-hsmconv-31147102831211 (READ-ONLY COPY).

The authoritative reference and input builder live on the scoring server;
editing this copy changes nothing except your own understanding.
"""

import jax, jax.numpy as jnp
import numpy as np

N = 10000
E = 320000
D = 128
NE = 2000
EH = 40000


def setup_inputs(seed: int = 0) -> dict:
    key = jax.random.key(seed)
    k1, k2, k3, k4, k5, k6 = jax.random.split(key, 6)
    X = jax.random.normal(k1, (N, D), dtype=jnp.float32)
    edge_index = jax.random.randint(k2, (2, E), 0, N, dtype=jnp.int32)
    he_nodes = jax.random.randint(k3, (EH,), 0, N, dtype=jnp.int32)
    he_edges = jax.random.randint(k4, (EH,), 0, NE, dtype=jnp.int32)
    # Learned params of nn.Linear(in_channels=128, out_channels=128, bias=True)
    lim = 1.0 / np.sqrt(D)
    W = jax.random.uniform(k5, (D, D), dtype=jnp.float32, minval=-lim, maxval=lim)
    b = jax.random.uniform(k6, (D,), dtype=jnp.float32, minval=-lim, maxval=lim)
    return {"X": X, "edge_index": edge_index, "he_nodes": he_nodes, "he_edges": he_edges, "W": W, "b": b}


def reference(X, edge_index, he_nodes, he_edges, W, b):
    # theta: linear layer
    H = X @ W.T + b
    # g.v2v(H, aggr='mean'): mean over in-neighbors along graph edges (src -> dst)
    src = edge_index[0]
    dst = edge_index[1]
    deg = jnp.zeros((N,), dtype=jnp.float32).at[dst].add(1.0)
    agg = jnp.zeros((N, D), dtype=jnp.float32).at[dst].add(jnp.take(H, src, axis=0))
    X_g = agg / jnp.maximum(deg, 1.0)[:, None]
    # hg.v2e(H, aggr='mean'): mean of member-node features per hyperedge
    e_deg = jnp.zeros((NE,), dtype=jnp.float32).at[he_edges].add(1.0)
    Y = jnp.zeros((NE, D), dtype=jnp.float32).at[he_edges].add(jnp.take(H, he_nodes, axis=0))
    Y = Y / jnp.maximum(e_deg, 1.0)[:, None]
    # hg.e2v(Y, aggr='mean'): mean of incident-hyperedge features per node
    v_deg = jnp.zeros((N,), dtype=jnp.float32).at[he_nodes].add(1.0)
    X_hg = jnp.zeros((N, D), dtype=jnp.float32).at[he_nodes].add(jnp.take(Y, he_edges, axis=0))
    X_hg = X_hg / jnp.maximum(v_deg, 1.0)[:, None]
    X_ = X_g * 0.1 + X_hg * 0.9
    # ReLU; dropout is identity in eval mode
    return jax.nn.relu(X_)

if __name__ == "__main__":
    import jax
    _d = setup_inputs()
    print(jax.jit(kernel)(*tuple(_d.values())))

</pallas_src>

<mosaic_0001>
#map = affine_map<(d0, d1) -> (0, 0)>
#map1 = affine_map<(d0, d1) -> (0, 0, 0, 0, 0)>
#map2 = affine_map<(d0, d1) -> (0, 0, 0)>
module attributes {stable_mosaic.version = 14 : i64} {
  func.func @k(%arg0: i32, %arg1: i32, %arg2: memref<10240x144xf32, #tpu.memory_space<hbm>>, %arg3: memref<32x41x2x2x128xi32, #tpu.memory_space<hbm>>, %arg4: memref<2x10240x144xf32, #tpu.memory_space<hbm>>, %arg5: memref<2x2x128xi32, #tpu.memory_space<vmem>>, %arg6: memref<2x2x128xi32, #tpu.memory_space<vmem>>, %arg7: memref<128x144xf32, #tpu.memory_space<vmem>>, %arg8: memref<128x144xf32, #tpu.memory_space<vmem>>, %arg9: memref<10240x144xf32, #tpu.memory_space<vmem_shared>>, %arg10: memref<!tpu.dma_semaphore, #tpu.memory_space<semaphore_mem>>, %arg11: memref<!tpu.dma_semaphore, #tpu.memory_space<semaphore_mem>>) attributes {dimension_semantics = [#tpu.dimension_semantics<core_parallel>, #tpu.dimension_semantics<subcore_parallel>], iteration_bounds = array<i64: 2, 16>, scalar_prefetch = 0 : i64, scratch_operands = 7 : i64, tpu.core_type = #tpu.core_type<sc_vector_subcore>, window_params = [{transform_indices = #map}, {transform_indices = #map1}, {transform_indices = #map2}]} {
    %mul3A = arith.constant 2 : i32
    %mul3A_0 = arith.muli %arg1, %mul3A : i32
    %add3A = arith.addi %mul3A_0, %arg0 : i32
    %mul3A_1 = arith.constant 640 : i32
    %mul3A_2 = arith.muli %arg1, %mul3A_1 : i32
    %run_scoped3A = arith.constant 0 : i32
    "tpu.region"() ({
      %run_scoped3A_60 = tpu.sem_alloc : memref<!tpu.dma_semaphore, #tpu.memory_space<semaphore_mem>>
      %dma_start3A_61 = arith.constant 0 : i32
      %dma_start3A_62 = arith.constant 0 : i32
      %dma_start3A_63 = arith.constant 0 : i32
      %dma_start3A_64 = tpu.memref_slice %arg3[%add3A, %run_scoped3A, %dma_start3A_61, %dma_start3A_62, %dma_start3A_63] : memref<32x41x2x2x128xi32, #tpu.memory_space<hbm>> -> memref<1x1x2x2x128xi32, #tpu.memory_space<hbm>>
      %dma_start3A_65 = tpu.memref_squeeze %dma_start3A_64 : memref<1x1x2x2x128xi32, #tpu.memory_space<hbm>> -> memref<2x2x128xi32, #tpu.memory_space<hbm>>
      %dma_start3A_66 = arith.constant 0 : i32
      %dma_start3A_67 = arith.constant 0 : i32
      %dma_start3A_68 = arith.constant 0 : i32
      %dma_start3A_69 = tpu.memref_slice %arg3[%add3A, %run_scoped3A, %dma_start3A_66, %dma_start3A_67, %dma_start3A_68] : memref<32x41x2x2x128xi32, #tpu.memory_space<hbm>> -> memref<1x1x2x2x128xi32, #tpu.memory_space<hbm>>
      %dma_start3A_70 = tpu.memref_squeeze %dma_start3A_69 : memref<1x1x2x2x128xi32, #tpu.memory_space<hbm>> -> memref<2x2x128xi32, #tpu.memory_space<hbm>>
      tpu.enqueue_dma source(%dma_start3A_70 : memref<2x2x128xi32, #tpu.memory_space<hbm>>) target(%arg5 : memref<2x2x128xi32, #tpu.memory_space<vmem>>) target_semaphore(%run_scoped3A_60 : memref<!tpu.dma_semaphore, #tpu.memory_space<semaphore_mem>>)
      %dma_wait3A_71 = arith.constant 0 : i32
      %dma_wait3A_72 = arith.constant 0 : i32
      %dma_wait3A_73 = arith.constant 0 : i32
      %dma_wait3A_74 = tpu.memref_slice %arg3[%add3A, %run_scoped3A, %dma_wait3A_71, %dma_wait3A_72, %dma_wait3A_73] : memref<32x41x2x2x128xi32, #tpu.memory_space<hbm>> -> memref<1x1x2x2x128xi32, #tpu.memory_space<hbm>>
      %dma_wait3A_75 = tpu.memref_squeeze %dma_wait3A_74 : memref<1x1x2x2x128xi32, #tpu.memory_space<hbm>> -> memref<2x2x128xi32, #tpu.memory_space<hbm>>
      %dma_wait3A_76 = arith.constant 0 : i32
      %dma_wait3A_77 = arith.constant 0 : i32
      %dma_wait3A_78 = arith.constant 0 : i32
      %dma_wait3A_79 = tpu.memref_slice %arg3[%add3A, %run_scoped3A, %dma_wait3A_76, %dma_wait3A_77, %dma_wait3A_78] : memref<32x41x2x2x128xi32, #tpu.memory_space<hbm>> -> memref<1x1x2x2x128xi32, #tpu.memory_space<hbm>>
      %dma_wait3A_80 = tpu.memref_squeeze %dma_wait3A_79 : memref<1x1x2x2x128xi32, #tpu.memory_space<hbm>> -> memref<2x2x128xi32, #tpu.memory_space<hbm>>
      tpu.wait_dma2 semaphore(%run_scoped3A_60 : memref<!tpu.dma_semaphore, #tpu.memory_space<semaphore_mem>>) src(%dma_wait3A_80 : memref<2x2x128xi32, #tpu.memory_space<hbm>>) dst(%arg5 : memref<2x2x128xi32, #tpu.memory_space<vmem>>)
      tpu.yield
    }) : () -> ()
    %scan3A = arith.constant 0 : i32
    %scan3A_3 = arith.constant 0 : i32
    %scan3A_4 = arith.constant 128 : i32
    %scan3A_5 = arith.addi %scan3A_3, %scan3A_4 : i32
    %scan3A_6 = arith.constant 1 : i32
    scf.for %scan3A_60 = %scan3A_3 to %scan3A_5 step %scan3A_6  : i32 {
      %scan3A_61 = arith.constant 0 : i32
      %scan3A_62 = arith.constant 9 : i32
      %scan3A_63 = arith.addi %scan3A_61, %scan3A_62 : i32
      %scan3A_64 = arith.constant 1 : i32
      scf.for %scan3A_66 = %scan3A_61 to %scan3A_63 step %scan3A_64  : i32 {
        %broadcast_in_dim3A = arith.constant 0.000000e+00 : f32
        %broadcast_in_dim3A_67 = vector.broadcast %broadcast_in_dim3A : f32 to vector<16xf32>
        %mul3A_68 = arith.constant 16 : i32
        %mul3A_69 = arith.muli %scan3A_66, %mul3A_68 : i32
        %swap3A = arith.index_cast %scan3A_60 : i32 to index
        %swap3A_70 = arith.index_cast %mul3A_69 : i32 to index
        %swap3A_71 = tpu.vector_load %arg7[%swap3A, %swap3A_70] {strides = array<i32>} : memref<128x144xf32, #tpu.memory_space<vmem>>, vector<1x16xf32>,
        %swap3A_72 = vector.shape_cast %swap3A_71 : vector<1x16xf32> to vector<16xf32>
        %swap3A_73 = vector.shape_cast %broadcast_in_dim3A_67 : vector<16xf32> to vector<1x16xf32>
        tpu.vector_store %arg7[%swap3A, %swap3A_70], %swap3A_73 {strides = array<i32>} : memref<128x144xf32, #tpu.memory_space<vmem>>, vector<1x16xf32>,
      }
      %scan3A_65 = arith.constant 9 : i32
    }
    %scan3A_7 = arith.constant 128 : i32
    %scan3A_8 = arith.constant 0 : i32
    %scan3A_9 = arith.constant 0 : i32
    %scan3A_10 = arith.constant 5 : i32
    %scan3A_11 = arith.addi %scan3A_9, %scan3A_10 : i32
    %scan3A_12 = arith.constant 1 : i32
    scf.for %scan3A_60 = %scan3A_9 to %scan3A_11 step %scan3A_12  : i32 {
      %mul3A_61 = arith.constant 128 : i32
      %mul3A_62 = arith.muli %scan3A_60, %mul3A_61 : i32
      %add3A_63 = arith.addi %mul3A_2, %mul3A_62 : i32
      "tpu.region"() ({
        %run_scoped3A_64 = tpu.sem_alloc : memref<!tpu.dma_semaphore, #tpu.memory_space<semaphore_mem>>
        %dma_start3A_65 = arith.constant 0 : i32
        %dma_start3A_66 = tpu.memref_slice %arg9[%add3A_63, %dma_start3A_65] : memref<10240x144xf32, #tpu.memory_space<vmem_shared>> -> memref<128x144xf32, #tpu.memory_space<vmem_shared>>
        %dma_start3A_67 = arith.constant 0 : i32
        %dma_start3A_68 = tpu.memref_slice %arg9[%add3A_63, %dma_start3A_67] : memref<10240x144xf32, #tpu.memory_space<vmem_shared>> -> memref<128x144xf32, #tpu.memory_space<vmem_shared>>
        tpu.enqueue_dma source(%arg7 : memref<128x144xf32, #tpu.memory_space<vmem>>) target(%dma_start3A_68 : memref<128x144xf32, #tpu.memory_space<vmem_shared>>) target_semaphore(%run_scoped3A_64 : memref<!tpu.dma_semaphore, #tpu.memory_space<semaphore_mem>>)
        %dma_wait3A_69 = arith.constant 0 : i32
        %dma_wait3A_70 = tpu.memref_slice %arg9[%add3A_63, %dma_wait3A_69] : memref<10240x144xf32, #tpu.memory_space<vmem_shared>> -> memref<128x144xf32, #tpu.memory_space<vmem_shared>>
        %dma_wait3A_71 = arith.constant 0 : i32
        %dma_wait3A_72 = tpu.memref_slice %arg9[%add3A_63, %dma_wait3A_71] : memref<10240x144xf32, #tpu.memory_space<vmem_shared>> -> memref<128x144xf32, #tpu.memory_space<vmem_shared>>
        tpu.wait_dma2 semaphore(%run_scoped3A_64 : memref<!tpu.dma_semaphore, #tpu.memory_space<semaphore_mem>>) src(%arg7 : memref<128x144xf32, #tpu.memory_space<vmem>>) dst(%dma_wait3A_72 : memref<128x144xf32, #tpu.memory_space<vmem_shared>>)
        tpu.yield
      }) : () -> ()
    }
    %scan3A_13 = arith.constant 5 : i32
    %dma_start3A = arith.constant 0 : i32
    %dma_start3A_14 = arith.constant 0 : i32
    %dma_start3A_15 = arith.constant 0 : i32
    %dma_start3A_16 = tpu.memref_slice %arg5[%dma_start3A, %dma_start3A_14, %dma_start3A_15] : memref<2x2x128xi32, #tpu.memory_space<vmem>> -> memref<1x1x128xi32, #tpu.memory_space<vmem>>
    %dma_start3A_17 = tpu.memref_squeeze %dma_start3A_16 : memref<1x1x128xi32, #tpu.memory_space<vmem>> -> memref<128xi32, #tpu.memory_space<vmem>>
    %dma_start3A_18 = arith.constant 0 : i32
    %dma_start3A_19 = arith.constant 0 : i32
    %dma_start3A_20 = tpu.memref_slice %arg2[%dma_start3A_18, %dma_start3A_19] : memref<10240x144xf32, #tpu.memory_space<hbm>> -> memref<10240x144xf32, #tpu.memory_space<hbm>>
    tpu.enqueue_indirect_dma source(%dma_start3A_20 : memref<10240x144xf32, #tpu.memory_space<hbm>>) target(%arg7 : memref<128x144xf32, #tpu.memory_space<vmem>>) offsets(%dma_start3A_17 : memref<128xi32, #tpu.memory_space<vmem>>) semaphore(%arg10 : memref<!tpu.dma_semaphore, #tpu.memory_space<semaphore_mem>>)
    %dma_start3A_21 = arith.constant 1 : i32
    %dma_start3A_22 = arith.constant 0 : i32
    %dma_start3A_23 = arith.constant 0 : i32
    %dma_start3A_24 = tpu.memref_slice %arg5[%dma_start3A_21, %dma_start3A_22, %dma_start3A_23] : memref<2x2x128xi32, #tpu.memory_space<vmem>> -> memref<1x1x128xi32, #tpu.memory_space<vmem>>
    %dma_start3A_25 = tpu.memref_squeeze %dma_start3A_24 : memref<1x1x128xi32, #tpu.memory_space<vmem>> -> memref<128xi32, #tpu.memory_space<vmem>>
    %dma_start3A_26 = arith.constant 0 : i32
    %dma_start3A_27 = arith.constant 0 : i32
    %dma_start3A_28 = tpu.memref_slice %arg2[%dma_start3A_26, %dma_start3A_27] : memref<10240x144xf32, #tpu.memory_space<hbm>> -> memref<10240x144xf32, #tpu.memory_space<hbm>>
    tpu.enqueue_indirect_dma source(%dma_start3A_28 : memref<10240x144xf32, #tpu.memory_space<hbm>>) target(%arg8 : memref<128x144xf32, #tpu.memory_space<vmem>>) offsets(%dma_start3A_25 : memref<128xi32, #tpu.memory_space<vmem>>) semaphore(%arg11 : memref<!tpu.dma_semaphore, #tpu.memory_space<semaphore_mem>>)
    %barrier3A = arith.constant 0 : index
    tpu.barrier barrier_id(%barrier3A)
    %scan3A_29 = arith.constant 0 : i32
    %scan3A_30 = arith.constant 20 : i32
    %scan3A_31 = arith.addi %scan3A_29, %scan3A_30 : i32
    %scan3A_32 = arith.constant 1 : i32
    scf.for %scan3A_60 = %scan3A_29 to %scan3A_31 step %scan3A_32  : i32 {
      %mul3A_61 = arith.constant 2 : i32
      %mul3A_62 = arith.muli %scan3A_60, %mul3A_61 : i32
      %add3A_63 = arith.constant 0 : i32
      %add3A_64 = arith.addi %add3A_63, %mul3A_62 : i32
      %add3A_65 = arith.constant 1 : i32
      %add3A_66 = arith.addi %add3A_64, %add3A_65 : i32
      "tpu.region"() ({
        %run_scoped3A_141 = tpu.sem_alloc : memref<!tpu.dma_semaphore, #tpu.memory_space<semaphore_mem>>
        %dma_start3A_142 = arith.constant 0 : i32
        %dma_start3A_143 = arith.constant 0 : i32
        %dma_start3A_144 = arith.constant 0 : i32
        %dma_start3A_145 = tpu.memref_slice %arg3[%add3A, %add3A_66, %dma_start3A_142, %dma_start3A_143, %dma_start3A_144] : memref<32x41x2x2x128xi32, #tpu.memory_space<hbm>> -> memref<1x1x2x2x128xi32, #tpu.memory_space<hbm>>
        %dma_start3A_146 = tpu.memref_squeeze %dma_start3A_145 : memref<1x1x2x2x128xi32, #tpu.memory_space<hbm>> -> memref<2x2x128xi32, #tpu.memory_space<hbm>>
        %dma_start3A_147 = arith.constant 0 : i32
        %dma_start3A_148 = arith.constant 0 : i32
        %dma_start3A_149 = arith.constant 0 : i32
        %dma_start3A_150 = tpu.memref_slice %arg3[%add3A, %add3A_66, %dma_start3A_147, %dma_start3A_148, %dma_start3A_149] : memref<32x41x2x2x128xi32, #tpu.memory_space<hbm>> -> memref<1x1x2x2x128xi32, #tpu.memory_space<hbm>>
        %dma_start3A_151 = tpu.memref_squeeze %dma_start3A_150 : memref<1x1x2x2x128xi32, #tpu.memory_space<hbm>> -> memref<2x2x128xi32, #tpu.memory_space<hbm>>
        tpu.enqueue_dma source(%dma_start3A_151 : memref<2x2x128xi32, #tpu.memory_space<hbm>>) target(%arg6 : memref<2x2x128xi32, #tpu.memory_space<vmem>>) target_semaphore(%run_scoped3A_141 : memref<!tpu.dma_semaphore, #tpu.memory_space<semaphore_mem>>)
        %dma_wait3A_152 = arith.constant 0 : i32
        %dma_wait3A_153 = arith.constant 0 : i32
        %dma_wait3A_154 = arith.constant 0 : i32
        %dma_wait3A_155 = tpu.memref_slice %arg3[%add3A, %add3A_66, %dma_wait3A_152, %dma_wait3A_153, %dma_wait3A_154] : memref<32x41x2x2x128xi32, #tpu.memory_space<hbm>> -> memref<1x1x2x2x128xi32, #tpu.memory_space<hbm>>
        %dma_wait3A_156 = tpu.memref_squeeze %dma_wait3A_155 : memref<1x1x2x2x128xi32, #tpu.memory_space<hbm>> -> memref<2x2x128xi32, #tpu.memory_space<hbm>>
        %dma_wait3A_157 = arith.constant 0 : i32
        %dma_wait3A_158 = arith.constant 0 : i32
        %dma_wait3A_159 = arith.constant 0 : i32
        %dma_wait3A_160 = tpu.memref_slice %arg3[%add3A, %add3A_66, %dma_wait3A_157, %dma_wait3A_158, %dma_wait3A_159] : memref<32x41x2x2x128xi32, #tpu.memory_space<hbm>> -> memref<1x1x2x2x128xi32, #tpu.memory_space<hbm>>
        %dma_wait3A_161 = tpu.memref_squeeze %dma_wait3A_160 : memref<1x1x2x2x128xi32, #tpu.memory_space<hbm>> -> memref<2x2x128xi32, #tpu.memory_space<hbm>>
        tpu.wait_dma2 semaphore(%run_scoped3A_141 : memref<!tpu.dma_semaphore, #tpu.memory_space<semaphore_mem>>) src(%dma_wait3A_161 : memref<2x2x128xi32, #tpu.memory_space<hbm>>) dst(%arg6 : memref<2x2x128xi32, #tpu.memory_space<vmem>>)
        tpu.yield
      }) : () -> ()
      %dma_wait3A_67 = arith.constant 0 : i32
      %dma_wait3A_68 = arith.constant 0 : i32
      %dma_wait3A_69 = arith.constant 0 : i32
      %dma_wait3A_70 = tpu.memref_slice %arg5[%dma_wait3A_67, %dma_wait3A_68, %dma_wait3A_69] : memref<2x2x128xi32, #tpu.memory_space<vmem>> -> memref<1x1x128xi32, #tpu.memory_space<vmem>>
      %dma_wait3A_71 = tpu.memref_squeeze %dma_wait3A_70 : memref<1x1x128xi32, #tpu.memory_space<vmem>> -> memref<128xi32, #tpu.memory_space<vmem>>
      %dma_wait3A_72 = arith.constant 0 : i32
      %dma_wait3A_73 = arith.constant 0 : i32
      %dma_wait3A_74 = tpu.memref_slice %arg2[%dma_wait3A_72, %dma_wait3A_73] : memref<10240x144xf32, #tpu.memory_space<hbm>> -> memref<10240x144xf32, #tpu.memory_space<hbm>>
      tpu.wait_indirect_dma semaphore(%arg10 : memref<!tpu.dma_semaphore, #tpu.memory_space<semaphore_mem>>) src(%dma_wait3A_74 : memref<10240x144xf32, #tpu.memory_space<hbm>>) dst(%arg7 : memref<128x144xf32, #tpu.memory_space<vmem>>)
      %run_scoped3A_75 = arith.constant 0 : i32
      %run_scoped3A_76 = arith.constant 1 : i32
      "tpu.region"() ({
        %run_scoped3A_141 = tpu.sem_alloc : memref<!tpu.dma_semaphore, #tpu.memory_space<semaphore_mem>>
        %dma_start3A_142 = arith.constant 0 : i32
        %dma_start3A_143 = tpu.memref_slice %arg5[%run_scoped3A_75, %run_scoped3A_76, %dma_start3A_142] : memref<2x2x128xi32, #tpu.memory_space<vmem>> -> memref<1x1x128xi32, #tpu.memory_space<vmem>>
        %dma_start3A_144 = tpu.memref_squeeze %dma_start3A_143 : memref<1x1x128xi32, #tpu.memory_space<vmem>> -> memref<128xi32, #tpu.memory_space<vmem>>
        %dma_start3A_145 = arith.constant 0 : i32
        %dma_start3A_146 = arith.constant 0 : i32
        %dma_start3A_147 = tpu.memref_slice %arg9[%dma_start3A_145, %dma_start3A_146] : memref<10240x144xf32, #tpu.memory_space<vmem_shared>> -> memref<10240x144xf32, #tpu.memory_space<vmem_shared>>
        tpu.enqueue_indirect_dma source(%arg7 : memref<128x144xf32, #tpu.memory_space<vmem>>) target(%dma_start3A_147 : memref<10240x144xf32, #tpu.memory_space<vmem_shared>>) offsets(%dma_start3A_144 : memref<128xi32, #tpu.memory_space<vmem>>) semaphore(%run_scoped3A_141 : memref<!tpu.dma_semaphore, #tpu.memory_space<semaphore_mem>>) {add = true}
        %dma_wait3A_148 = arith.constant 0 : i32
        %dma_wait3A_149 = tpu.memref_slice %arg5[%run_scoped3A_75, %run_scoped3A_76, %dma_wait3A_148] : memref<2x2x128xi32, #tpu.memory_space<vmem>> -> memref<1x1x128xi32, #tpu.memory_space<vmem>>
        %dma_wait3A_150 = tpu.memref_squeeze %dma_wait3A_149 : memref<1x1x128xi32, #tpu.memory_space<vmem>> -> memref<128xi32, #tpu.memory_space<vmem>>
        %dma_wait3A_151 = arith.constant 0 : i32
        %dma_wait3A_152 = arith.constant 0 : i32
        %dma_wait3A_153 = tpu.memref_slice %arg9[%dma_wait3A_151, %dma_wait3A_152] : memref<10240x144xf32, #tpu.memory_space<vmem_shared>> -> memref<10240x144xf32, #tpu.memory_space<vmem_shared>>
        tpu.wait_indirect_dma semaphore(%run_scoped3A_141 : memref<!tpu.dma_semaphore, #tpu.memory_space<semaphore_mem>>) src(%arg7 : memref<128x144xf32, #tpu.memory_space<vmem>>) dst(%dma_wait3A_153 : memref<10240x144xf32, #tpu.memory_space<vmem_shared>>)
        tpu.yield
      }) : () -> ()
      %dma_start3A_77 = arith.constant 0 : i32
      %dma_start3A_78 = arith.constant 0 : i32
      %dma_start3A_79 = arith.constant 0 : i32
      %dma_start3A_80 = tpu.memref_slice %arg6[%dma_start3A_77, %dma_start3A_78, %dma_start3A_79] : memref<2x2x128xi32, #tpu.memory_space<vmem>> -> memref<1x1x128xi32, #tpu.memory_space<vmem>>
      %dma_start3A_81 = tpu.memref_squeeze %dma_start3A_80 : memref<1x1x128xi32, #tpu.memory_space<vmem>> -> memref<128xi32, #tpu.memory_space<vmem>>
      %dma_start3A_82 = arith.constant 0 : i32
      %dma_start3A_83 = arith.constant 0 : i32
      %dma_start3A_84 = tpu.memref_slice %arg2[%dma_start3A_82, %dma_start3A_83] : memref<10240x144xf32, #tpu.memory_space<hbm>> -> memref<10240x144xf32, #tpu.memory_space<hbm>>
      tpu.enqueue_indirect_dma source(%dma_start3A_84 : memref<10240x144xf32, #tpu.memory_space<hbm>>) target(%arg7 : memref<128x144xf32, #tpu.memory_space<vmem>>) offsets(%dma_start3A_81 : memref<128xi32, #tpu.memory_space<vmem>>) semaphore(%arg10 : memref<!tpu.dma_semaphore, #tpu.memory_space<semaphore_mem>>)
      %dma_wait3A_85 = arith.constant 1 : i32
      %dma_wait3A_86 = arith.constant 0 : i32
      %dma_wait3A_87 = arith.constant 0 : i32
      %dma_wait3A_88 = tpu.memref_slice %arg5[%dma_wait3A_85, %dma_wait3A_86, %dma_wait3A_87] : memref<2x2x128xi32, #tpu.memory_space<vmem>> -> memref<1x1x128xi32, #tpu.memory_space<vmem>>
      %dma_wait3A_89 = tpu.memref_squeeze %dma_wait3A_88 : memref<1x1x128xi32, #tpu.memory_space<vmem>> -> memref<128xi32, #tpu.memory_space<vmem>>
      %dma_wait3A_90 = arith.constant 0 : i32
      %dma_wait3A_91 = arith.constant 0 : i32
      %dma_wait3A_92 = tpu.memref_slice %arg2[%dma_wait3A_90, %dma_wait3A_91] : memref<10240x144xf32, #tpu.memory_space<hbm>> -> memref<10240x144xf32, #tpu.memory_space<hbm>>
      tpu.wait_indirect_dma semaphore(%arg11 : memref<!tpu.dma_semaphore, #tpu.memory_space<semaphore_mem>>) src(%dma_wait3A_92 : memref<10240x144xf32, #tpu.memory_space<hbm>>) dst(%arg8 : memref<128x144xf32, #tpu.memory_space<vmem>>)
      %run_scoped3A_93 = arith.constant 1 : i32
      %run_scoped3A_94 = arith.constant 1 : i32
      "tpu.region"() ({
        %run_scoped3A_141 = tpu.sem_alloc : memref<!tpu.dma_semaphore, #tpu.memory_space<semaphore_mem>>
        %dma_start3A_142 = arith.constant 0 : i32
        %dma_start3A_143 = tpu.memref_slice %arg5[%run_scoped3A_93, %run_scoped3A_94, %dma_start3A_142] : memref<2x2x128xi32, #tpu.memory_space<vmem>> -> memref<1x1x128xi32, #tpu.memory_space<vmem>>
        %dma_start3A_144 = tpu.memref_squeeze %dma_start3A_143 : memref<1x1x128xi32, #tpu.memory_space<vmem>> -> memref<128xi32, #tpu.memory_space<vmem>>
        %dma_start3A_145 = arith.constant 0 : i32
        %dma_start3A_146 = arith.constant 0 : i32
        %dma_start3A_147 = tpu.memref_slice %arg9[%dma_start3A_145, %dma_start3A_146] : memref<10240x144xf32, #tpu.memory_space<vmem_shared>> -> memref<10240x144xf32, #tpu.memory_space<vmem_shared>>
        tpu.enqueue_indirect_dma source(%arg8 : memref<128x144xf32, #tpu.memory_space<vmem>>) target(%dma_start3A_147 : memref<10240x144xf32, #tpu.memory_space<vmem_shared>>) offsets(%dma_start3A_144 : memref<128xi32, #tpu.memory_space<vmem>>) semaphore(%run_scoped3A_141 : memref<!tpu.dma_semaphore, #tpu.memory_space<semaphore_mem>>) {add = true}
        %dma_wait3A_148 = arith.constant 0 : i32
        %dma_wait3A_149 = tpu.memref_slice %arg5[%run_scoped3A_93, %run_scoped3A_94, %dma_wait3A_148] : memref<2x2x128xi32, #tpu.memory_space<vmem>> -> memref<1x1x128xi32, #tpu.memory_space<vmem>>
        %dma_wait3A_150 = tpu.memref_squeeze %dma_wait3A_149 : memref<1x1x128xi32, #tpu.memory_space<vmem>> -> memref<128xi32, #tpu.memory_space<vmem>>
        %dma_wait3A_151 = arith.constant 0 : i32
        %dma_wait3A_152 = arith.constant 0 : i32
        %dma_wait3A_153 = tpu.memref_slice %arg9[%dma_wait3A_151, %dma_wait3A_152] : memref<10240x144xf32, #tpu.memory_space<vmem_shared>> -> memref<10240x144xf32, #tpu.memory_space<vmem_shared>>
        tpu.wait_indirect_dma semaphore(%run_scoped3A_141 : memref<!tpu.dma_semaphore, #tpu.memory_space<semaphore_mem>>) src(%arg8 : memref<128x144xf32, #tpu.memory_space<vmem>>) dst(%dma_wait3A_153 : memref<10240x144xf32, #tpu.memory_space<vmem_shared>>)
        tpu.yield
      }) : () -> ()
      %dma_start3A_95 = arith.constant 1 : i32
      %dma_start3A_96 = arith.constant 0 : i32
      %dma_start3A_97 = arith.constant 0 : i32
      %dma_start3A_98 = tpu.memref_slice %arg6[%dma_start3A_95, %dma_start3A_96, %dma_start3A_97] : memref<2x2x128xi32, #tpu.memory_space<vmem>> -> memref<1x1x128xi32, #tpu.memory_space<vmem>>
      %dma_start3A_99 = tpu.memref_squeeze %dma_start3A_98 : memref<1x1x128xi32, #tpu.memory_space<vmem>> -> memref<128xi32, #tpu.memory_space<vmem>>
      %dma_start3A_100 = arith.constant 0 : i32
      %dma_start3A_101 = arith.constant 0 : i32
      %dma_start3A_102 = tpu.memref_slice %arg2[%dma_start3A_100, %dma_start3A_101] : memref<10240x144xf32, #tpu.memory_space<hbm>> -> memref<10240x144xf32, #tpu.memory_space<hbm>>
      tpu.enqueue_indirect_dma source(%dma_start3A_102 : memref<10240x144xf32, #tpu.memory_space<hbm>>) target(%arg8 : memref<128x144xf32, #tpu.memory_space<vmem>>) offsets(%dma_start3A_99 : memref<128xi32, #tpu.memory_space<vmem>>) semaphore(%arg11 : memref<!tpu.dma_semaphore, #tpu.memory_space<semaphore_mem>>)
      %add3A_103 = arith.constant 2 : i32
      %add3A_104 = arith.addi %add3A_64, %add3A_103 : i32
      "tpu.region"() ({
        %run_scoped3A_141 = tpu.sem_alloc : memref<!tpu.dma_semaphore, #tpu.memory_space<semaphore_mem>>
        %dma_start3A_142 = arith.constant 0 : i32
        %dma_start3A_143 = arith.constant 0 : i32
        %dma_start3A_144 = arith.constant 0 : i32
        %dma_start3A_145 = tpu.memref_slice %arg3[%add3A, %add3A_104, %dma_start3A_142, %dma_start3A_143, %dma_start3A_144] : memref<32x41x2x2x128xi32, #tpu.memory_space<hbm>> -> memref<1x1x2x2x128xi32, #tpu.memory_space<hbm>>
        %dma_start3A_146 = tpu.memref_squeeze %dma_start3A_145 : memref<1x1x2x2x128xi32, #tpu.memory_space<hbm>> -> memref<2x2x128xi32, #tpu.memory_space<hbm>>
        %dma_start3A_147 = arith.constant 0 : i32
        %dma_start3A_148 = arith.constant 0 : i32
        %dma_start3A_149 = arith.constant 0 : i32
        %dma_start3A_150 = tpu.memref_slice %arg3[%add3A, %add3A_104, %dma_start3A_147, %dma_start3A_148, %dma_start3A_149] : memref<32x41x2x2x128xi32, #tpu.memory_space<hbm>> -> memref<1x1x2x2x128xi32, #tpu.memory_space<hbm>>
        %dma_start3A_151 = tpu.memref_squeeze %dma_start3A_150 : memref<1x1x2x2x128xi32, #tpu.memory_space<hbm>> -> memref<2x2x128xi32, #tpu.memory_space<hbm>>
        tpu.enqueue_dma source(%dma_start3A_151 : memref<2x2x128xi32, #tpu.memory_space<hbm>>) target(%arg5 : memref<2x2x128xi32, #tpu.memory_space<vmem>>) target_semaphore(%run_scoped3A_141 : memref<!tpu.dma_semaphore, #tpu.memory_space<semaphore_mem>>)
        %dma_wait3A_152 = arith.constant 0 : i32
        %dma_wait3A_153 = arith.constant 0 : i32
        %dma_wait3A_154 = arith.constant 0 : i32
        %dma_wait3A_155 = tpu.memref_slice %arg3[%add3A, %add3A_104, %dma_wait3A_152, %dma_wait3A_153, %dma_wait3A_154] : memref<32x41x2x2x128xi32, #tpu.memory_space<hbm>> -> memref<1x1x2x2x128xi32, #tpu.memory_space<hbm>>
        %dma_wait3A_156 = tpu.memref_squeeze %dma_wait3A_155 : memref<1x1x2x2x128xi32, #tpu.memory_space<hbm>> -> memref<2x2x128xi32, #tpu.memory_space<hbm>>
        %dma_wait3A_157 = arith.constant 0 : i32
        %dma_wait3A_158 = arith.constant 0 : i32
        %dma_wait3A_159 = arith.constant 0 : i32
        %dma_wait3A_160 = tpu.memref_slice %arg3[%add3A, %add3A_104, %dma_wait3A_157, %dma_wait3A_158, %dma_wait3A_159] : memref<32x41x2x2x128xi32, #tpu.memory_space<hbm>> -> memref<1x1x2x2x128xi32, #tpu.memory_space<hbm>>
        %dma_wait3A_161 = tpu.memref_squeeze %dma_wait3A_160 : memref<1x1x2x2x128xi32, #tpu.memory_space<hbm>> -> memref<2x2x128xi32, #tpu.memory_space<hbm>>
        tpu.wait_dma2 semaphore(%run_scoped3A_141 : memref<!tpu.dma_semaphore, #tpu.memory_space<semaphore_mem>>) src(%dma_wait3A_161 : memref<2x2x128xi32, #tpu.memory_space<hbm>>) dst(%arg5 : memref<2x2x128xi32, #tpu.memory_space<vmem>>)
        tpu.yield
      }) : () -> ()
      %dma_wait3A_105 = arith.constant 0 : i32
      %dma_wait3A_106 = arith.constant 0 : i32
      %dma_wait3A_107 = arith.constant 0 : i32
      %dma_wait3A_108 = tpu.memref_slice %arg6[%dma_wait3A_105, %dma_wait3A_106, %dma_wait3A_107] : memref<2x2x128xi32, #tpu.memory_space<vmem>> -> memref<1x1x128xi32, #tpu.memory_space<vmem>>
      %dma_wait3A_109 = tpu.memref_squeeze %dma_wait3A_108 : memref<1x1x128xi32, #tpu.memory_space<vmem>> -> memref<128xi32, #tpu.memory_space<vmem>>
      %dma_wait3A_110 = arith.constant 0 : i32
      %dma_wait3A_111 = arith.constant 0 : i32
      %dma_wait3A_112 = tpu.memref_slice %arg2[%dma_wait3A_110, %dma_wait3A_111] : memref<10240x144xf32, #tpu.memory_space<hbm>> -> memref<10240x144xf32, #tpu.memory_space<hbm>>
      tpu.wait_indirect_dma semaphore(%arg10 : memref<!tpu.dma_semaphore, #tpu.memory_space<semaphore_mem>>) src(%dma_wait3A_112 : memref<10240x144xf32, #tpu.memory_space<hbm>>) dst(%arg7 : memref<128x144xf32, #tpu.memory_space<vmem>>)
      %run_scoped3A_113 = arith.constant 0 : i32
      %run_scoped3A_114 = arith.constant 1 : i32
      "tpu.region"() ({
        %run_scoped3A_141 = tpu.sem_alloc : memref<!tpu.dma_semaphore, #tpu.memory_space<semaphore_mem>>
        %dma_start3A_142 = arith.constant 0 : i32
        %dma_start3A_143 = tpu.memref_slice %arg6[%run_scoped3A_113, %run_scoped3A_114, %dma_start3A_142] : memref<2x2x128xi32, #tpu.memory_space<vmem>> -> memref<1x1x128xi32, #tpu.memory_space<vmem>>
        %dma_start3A_144 = tpu.memref_squeeze %dma_start3A_143 : memref<1x1x128xi32, #tpu.memory_space<vmem>> -> memref<128xi32, #tpu.memory_space<vmem>>
        %dma_start3A_145 = arith.constant 0 : i32
        %dma_start3A_146 = arith.constant 0 : i32
        %dma_start3A_147 = tpu.memref_slice %arg9[%dma_start3A_145, %dma_start3A_146] : memref<10240x144xf32, #tpu.memory_space<vmem_shared>> -> memref<10240x144xf32, #tpu.memory_space<vmem_shared>>
        tpu.enqueue_indirect_dma source(%arg7 : memref<128x144xf32, #tpu.memory_space<vmem>>) target(%dma_start3A_147 : memref<10240x144xf32, #tpu.memory_space<vmem_shared>>) offsets(%dma_start3A_144 : memref<128xi32, #tpu.memory_space<vmem>>) semaphore(%run_scoped3A_141 : memref<!tpu.dma_semaphore, #tpu.memory_space<semaphore_mem>>) {add = true}
        %dma_wait3A_148 = arith.constant 0 : i32
        %dma_wait3A_149 = tpu.memref_slice %arg6[%run_scoped3A_113, %run_scoped3A_114, %dma_wait3A_148] : memref<2x2x128xi32, #tpu.memory_space<vmem>> -> memref<1x1x128xi32, #tpu.memory_space<vmem>>
        %dma_wait3A_150 = tpu.memref_squeeze %dma_wait3A_149 : memref<1x1x128xi32, #tpu.memory_space<vmem>> -> memref<128xi32, #tpu.memory_space<vmem>>
        %dma_wait3A_151 = arith.constant 0 : i32
        %dma_wait3A_152 = arith.constant 0 : i32
        %dma_wait3A_153 = tpu.memref_slice %arg9[%dma_wait3A_151, %dma_wait3A_152] : memref<10240x144xf32, #tpu.memory_space<vmem_shared>> -> memref<10240x144xf32, #tpu.memory_space<vmem_shared>>
        tpu.wait_indirect_dma semaphore(%run_scoped3A_141 : memref<!tpu.dma_semaphore, #tpu.memory_space<semaphore_mem>>) src(%arg7 : memref<128x144xf32, #tpu.memory_space<vmem>>) dst(%dma_wait3A_153 : memref<10240x144xf32, #tpu.memory_space<vmem_shared>>)
        tpu.yield
      }) : () -> ()
      %dma_start3A_115 = arith.constant 0 : i32
      %dma_start3A_116 = arith.constant 0 : i32
      %dma_start3A_117 = arith.constant 0 : i32
      %dma_start3A_118 = tpu.memref_slice %arg5[%dma_start3A_115, %dma_start3A_116, %dma_start3A_117] : memref<2x2x128xi32, #tpu.memory_space<vmem>> -> memref<1x1x128xi32, #tpu.memory_space<vmem>>
      %dma_start3A_119 = tpu.memref_squeeze %dma_start3A_118 : memref<1x1x128xi32, #tpu.memory_space<vmem>> -> memref<128xi32, #tpu.memory_space<vmem>>
      %dma_start3A_120 = arith.constant 0 : i32
      %dma_start3A_121 = arith.constant 0 : i32
      %dma_start3A_122 = tpu.memref_slice %arg2[%dma_start3A_120, %dma_start3A_121] : memref<10240x144xf32, #tpu.memory_space<hbm>> -> memref<10240x144xf32, #tpu.memory_space<hbm>>
      tpu.enqueue_indirect_dma source(%dma_start3A_122 : memref<10240x144xf32, #tpu.memory_space<hbm>>) target(%arg7 : memref<128x144xf32, #tpu.memory_space<vmem>>) offsets(%dma_start3A_119 : memref<128xi32, #tpu.memory_space<vmem>>) semaphore(%arg10 : memref<!tpu.dma_semaphore, #tpu.memory_space<semaphore_mem>>)
      %dma_wait3A_123 = arith.constant 1 : i32
      %dma_wait3A_124 = arith.constant 0 : i32
      %dma_wait3A_125 = arith.constant 0 : i32
      %dma_wait3A_126 = tpu.memref_slice %arg6[%dma_wait3A_123, %dma_wait3A_124, %dma_wait3A_125] : memref<2x2x128xi32, #tpu.memory_space<vmem>> -> memref<1x1x128xi32, #tpu.memory_space<vmem>>
      %dma_wait3A_127 = tpu.memref_squeeze %dma_wait3A_126 : memref<1x1x128xi32, #tpu.memory_space<vmem>> -> memref<128xi32, #tpu.memory_space<vmem>>
      %dma_wait3A_128 = arith.constant 0 : i32
      %dma_wait3A_129 = arith.constant 0 : i32
      %dma_wait3A_130 = tpu.memref_slice %arg2[%dma_wait3A_128, %dma_wait3A_129] : memref<10240x144xf32, #tpu.memory_space<hbm>> -> memref<10240x144xf32, #tpu.memory_space<hbm>>
      tpu.wait_indirect_dma semaphore(%arg11 : memref<!tpu.dma_semaphore, #tpu.memory_space<semaphore_mem>>) src(%dma_wait3A_130 : memref<10240x144xf32, #tpu.memory_space<hbm>>) dst(%arg8 : memref<128x144xf32, #tpu.memory_space<vmem>>)
      %run_scoped3A_131 = arith.constant 1 : i32
      %run_scoped3A_132 = arith.constant 1 : i32
      "tpu.region"() ({
        %run_scoped3A_141 = tpu.sem_alloc : memref<!tpu.dma_semaphore, #tpu.memory_space<semaphore_mem>>
        %dma_start3A_142 = arith.constant 0 : i32
        %dma_start3A_143 = tpu.memref_slice %arg6[%run_scoped3A_131, %run_scoped3A_132, %dma_start3A_142] : memref<2x2x128xi32, #tpu.memory_space<vmem>> -> memref<1x1x128xi32, #tpu.memory_space<vmem>>
        %dma_start3A_144 = tpu.memref_squeeze %dma_start3A_143 : memref<1x1x128xi32, #tpu.memory_space<vmem>> -> memref<128xi32, #tpu.memory_space<vmem>>
        %dma_start3A_145 = arith.constant 0 : i32
        %dma_start3A_146 = arith.constant 0 : i32
        %dma_start3A_147 = tpu.memref_slice %arg9[%dma_start3A_145, %dma_start3A_146] : memref<10240x144xf32, #tpu.memory_space<vmem_shared>> -> memref<10240x144xf32, #tpu.memory_space<vmem_shared>>
        tpu.enqueue_indirect_dma source(%arg8 : memref<128x144xf32, #tpu.memory_space<vmem>>) target(%dma_start3A_147 : memref<10240x144xf32, #tpu.memory_space<vmem_shared>>) offsets(%dma_start3A_144 : memref<128xi32, #tpu.memory_space<vmem>>) semaphore(%run_scoped3A_141 : memref<!tpu.dma_semaphore, #tpu.memory_space<semaphore_mem>>) {add = true}
        %dma_wait3A_148 = arith.constant 0 : i32
        %dma_wait3A_149 = tpu.memref_slice %arg6[%run_scoped3A_131, %run_scoped3A_132, %dma_wait3A_148] : memref<2x2x128xi32, #tpu.memory_space<vmem>> -> memref<1x1x128xi32, #tpu.memory_space<vmem>>
        %dma_wait3A_150 = tpu.memref_squeeze %dma_wait3A_149 : memref<1x1x128xi32, #tpu.memory_space<vmem>> -> memref<128xi32, #tpu.memory_space<vmem>>
        %dma_wait3A_151 = arith.constant 0 : i32
        %dma_wait3A_152 = arith.constant 0 : i32
        %dma_wait3A_153 = tpu.memref_slice %arg9[%dma_wait3A_151, %dma_wait3A_152] : memref<10240x144xf32, #tpu.memory_space<vmem_shared>> -> memref<10240x144xf32, #tpu.memory_space<vmem_shared>>
        tpu.wait_indirect_dma semaphore(%run_scoped3A_141 : memref<!tpu.dma_semaphore, #tpu.memory_space<semaphore_mem>>) src(%arg8 : memref<128x144xf32, #tpu.memory_space<vmem>>) dst(%dma_wait3A_153 : memref<10240x144xf32, #tpu.memory_space<vmem_shared>>)
        tpu.yield
      }) : () -> ()
      %dma_start3A_133 = arith.constant 1 : i32
      %dma_start3A_134 = arith.constant 0 : i32
      %dma_start3A_135 = arith.constant 0 : i32
      %dma_start3A_136 = tpu.memref_slice %arg5[%dma_start3A_133, %dma_start3A_134, %dma_start3A_135] : memref<2x2x128xi32, #tpu.memory_space<vmem>> -> memref<1x1x128xi32, #tpu.memory_space<vmem>>
      %dma_start3A_137 = tpu.memref_squeeze %dma_start3A_136 : memref<1x1x128xi32, #tpu.memory_space<vmem>> -> memref<128xi32, #tpu.memory_space<vmem>>
      %dma_start3A_138 = arith.constant 0 : i32
      %dma_start3A_139 = arith.constant 0 : i32
      %dma_start3A_140 = tpu.memref_slice %arg2[%dma_start3A_138, %dma_start3A_139] : memref<10240x144xf32, #tpu.memory_space<hbm>> -> memref<10240x144xf32, #tpu.memory_space<hbm>>
      tpu.enqueue_indirect_dma source(%dma_start3A_140 : memref<10240x144xf32, #tpu.memory_space<hbm>>) target(%arg8 : memref<128x144xf32, #tpu.memory_space<vmem>>) offsets(%dma_start3A_137 : memref<128xi32, #tpu.memory_space<vmem>>) semaphore(%arg11 : memref<!tpu.dma_semaphore, #tpu.memory_space<semaphore_mem>>)
    }
    %scan3A_33 = arith.constant 20 : i32
    %dma_wait3A = arith.constant 0 : i32
    %dma_wait3A_34 = arith.constant 0 : i32
    %dma_wait3A_35 = arith.constant 0 : i32
    %dma_wait3A_36 = tpu.memref_slice %arg5[%dma_wait3A, %dma_wait3A_34, %dma_wait3A_35] : memref<2x2x128xi32, #tpu.memory_space<vmem>> -> memref<1x1x128xi32, #tpu.memory_space<vmem>>
    %dma_wait3A_37 = tpu.memref_squeeze %dma_wait3A_36 : memref<1x1x128xi32, #tpu.memory_space<vmem>> -> memref<128xi32, #tpu.memory_space<vmem>>
    %dma_wait3A_38 = arith.constant 0 : i32
    %dma_wait3A_39 = arith.constant 0 : i32
    %dma_wait3A_40 = tpu.memref_slice %arg2[%dma_wait3A_38, %dma_wait3A_39] : memref<10240x144xf32, #tpu.memory_space<hbm>> -> memref<10240x144xf32, #tpu.memory_space<hbm>>
    tpu.wait_indirect_dma semaphore(%arg10 : memref<!tpu.dma_semaphore, #tpu.memory_space<semaphore_mem>>) src(%dma_wait3A_40 : memref<10240x144xf32, #tpu.memory_space<hbm>>) dst(%arg7 : memref<128x144xf32, #tpu.memory_space<vmem>>)
    %run_scoped3A_41 = arith.constant 0 : i32
    %run_scoped3A_42 = arith.constant 1 : i32
    "tpu.region"() ({
      %run_scoped3A_60 = tpu.sem_alloc : memref<!tpu.dma_semaphore, #tpu.memory_space<semaphore_mem>>
      %dma_start3A_61 = arith.constant 0 : i32
      %dma_start3A_62 = tpu.memref_slice %arg5[%run_scoped3A_41, %run_scoped3A_42, %dma_start3A_61] : memref<2x2x128xi32, #tpu.memory_space<vmem>> -> memref<1x1x128xi32, #tpu.memory_space<vmem>>
      %dma_start3A_63 = tpu.memref_squeeze %dma_start3A_62 : memref<1x1x128xi32, #tpu.memory_space<vmem>> -> memref<128xi32, #tpu.memory_space<vmem>>
      %dma_start3A_64 = arith.constant 0 : i32
      %dma_start3A_65 = arith.constant 0 : i32
      %dma_start3A_66 = tpu.memref_slice %arg9[%dma_start3A_64, %dma_start3A_65] : memref<10240x144xf32, #tpu.memory_space<vmem_shared>> -> memref<10240x144xf32, #tpu.memory_space<vmem_shared>>
      tpu.enqueue_indirect_dma source(%arg7 : memref<128x144xf32, #tpu.memory_space<vmem>>) target(%dma_start3A_66 : memref<10240x144xf32, #tpu.memory_space<vmem_shared>>) offsets(%dma_start3A_63 : memref<128xi32, #tpu.memory_space<vmem>>) semaphore(%run_scoped3A_60 : memref<!tpu.dma_semaphore, #tpu.memory_space<semaphore_mem>>) {add = true}
      %dma_wait3A_67 = arith.constant 0 : i32
      %dma_wait3A_68 = tpu.memref_slice %arg5[%run_scoped3A_41, %run_scoped3A_42, %dma_wait3A_67] : memref<2x2x128xi32, #tpu.memory_space<vmem>> -> memref<1x1x128xi32, #tpu.memory_space<vmem>>
      %dma_wait3A_69 = tpu.memref_squeeze %dma_wait3A_68 : memref<1x1x128xi32, #tpu.memory_space<vmem>> -> memref<128xi32, #tpu.memory_space<vmem>>
      %dma_wait3A_70 = arith.constant 0 : i32
      %dma_wait3A_71 = arith.constant 0 : i32
      %dma_wait3A_72 = tpu.memref_slice %arg9[%dma_wait3A_70, %dma_wait3A_71] : memref<10240x144xf32, #tpu.memory_space<vmem_shared>> -> memref<10240x144xf32, #tpu.memory_space<vmem_shared>>
      tpu.wait_indirect_dma semaphore(%run_scoped3A_60 : memref<!tpu.dma_semaphore, #tpu.memory_space<semaphore_mem>>) src(%arg7 : memref<128x144xf32, #tpu.memory_space<vmem>>) dst(%dma_wait3A_72 : memref<10240x144xf32, #tpu.memory_space<vmem_shared>>)
      tpu.yield
    }) : () -> ()
    %dma_wait3A_43 = arith.constant 1 : i32
    %dma_wait3A_44 = arith.constant 0 : i32
    %dma_wait3A_45 = arith.constant 0 : i32
    %dma_wait3A_46 = tpu.memref_slice %arg5[%dma_wait3A_43, %dma_wait3A_44, %dma_wait3A_45] : memref<2x2x128xi32, #tpu.memory_space<vmem>> -> memref<1x1x128xi32, #tpu.memory_space<vmem>>
    %dma_wait3A_47 = tpu.memref_squeeze %dma_wait3A_46 : memref<1x1x128xi32, #tpu.memory_space<vmem>> -> memref<128xi32, #tpu.memory_space<vmem>>
    %dma_wait3A_48 = arith.constant 0 : i32
    %dma_wait3A_49 = arith.constant 0 : i32
    %dma_wait3A_50 = tpu.memref_slice %arg2[%dma_wait3A_48, %dma_wait3A_49] : memref<10240x144xf32, #tpu.memory_space<hbm>> -> memref<10240x144xf32, #tpu.memory_space<hbm>>
    tpu.wait_indirect_dma semaphore(%arg11 : memref<!tpu.dma_semaphore, #tpu.memory_space<semaphore_mem>>) src(%dma_wait3A_50 : memref<10240x144xf32, #tpu.memory_space<hbm>>) dst(%arg8 : memref<128x144xf32, #tpu.memory_space<vmem>>)
    %run_scoped3A_51 = arith.constant 1 : i32
    %run_scoped3A_52 = arith.constant 1 : i32
    "tpu.region"() ({
      %run_scoped3A_60 = tpu.sem_alloc : memref<!tpu.dma_semaphore, #tpu.memory_space<semaphore_mem>>
      %dma_start3A_61 = arith.constant 0 : i32
      %dma_start3A_62 = tpu.memref_slice %arg5[%run_scoped3A_51, %run_scoped3A_52, %dma_start3A_61] : memref<2x2x128xi32, #tpu.memory_space<vmem>> -> memref<1x1x128xi32, #tpu.memory_space<vmem>>
      %dma_start3A_63 = tpu.memref_squeeze %dma_start3A_62 : memref<1x1x128xi32, #tpu.memory_space<vmem>> -> memref<128xi32, #tpu.memory_space<vmem>>
      %dma_start3A_64 = arith.constant 0 : i32
      %dma_start3A_65 = arith.constant 0 : i32
      %dma_start3A_66 = tpu.memref_slice %arg9[%dma_start3A_64, %dma_start3A_65] : memref<10240x144xf32, #tpu.memory_space<vmem_shared>> -> memref<10240x144xf32, #tpu.memory_space<vmem_shared>>
      tpu.enqueue_indirect_dma source(%arg8 : memref<128x144xf32, #tpu.memory_space<vmem>>) target(%dma_start3A_66 : memref<10240x144xf32, #tpu.memory_space<vmem_shared>>) offsets(%dma_start3A_63 : memref<128xi32, #tpu.memory_space<vmem>>) semaphore(%run_scoped3A_60 : memref<!tpu.dma_semaphore, #tpu.memory_space<semaphore_mem>>) {add = true}
      %dma_wait3A_67 = arith.constant 0 : i32
      %dma_wait3A_68 = tpu.memref_slice %arg5[%run_scoped3A_51, %run_scoped3A_52, %dma_wait3A_67] : memref<2x2x128xi32, #tpu.memory_space<vmem>> -> memref<1x1x128xi32, #tpu.memory_space<vmem>>
      %dma_wait3A_69 = tpu.memref_squeeze %dma_wait3A_68 : memref<1x1x128xi32, #tpu.memory_space<vmem>> -> memref<128xi32, #tpu.memory_space<vmem>>
      %dma_wait3A_70 = arith.constant 0 : i32
      %dma_wait3A_71 = arith.constant 0 : i32
      %dma_wait3A_72 = tpu.memref_slice %arg9[%dma_wait3A_70, %dma_wait3A_71] : memref<10240x144xf32, #tpu.memory_space<vmem_shared>> -> memref<10240x144xf32, #tpu.memory_space<vmem_shared>>
      tpu.wait_indirect_dma semaphore(%run_scoped3A_60 : memref<!tpu.dma_semaphore, #tpu.memory_space<semaphore_mem>>) src(%arg8 : memref<128x144xf32, #tpu.memory_space<vmem>>) dst(%dma_wait3A_72 : memref<10240x144xf32, #tpu.memory_space<vmem_shared>>)
      tpu.yield
    }) : () -> ()
    %barrier3A_53 = arith.constant 0 : index
    tpu.barrier barrier_id(%barrier3A_53)
    %scan3A_54 = arith.constant 0 : i32
    %scan3A_55 = arith.constant 0 : i32
    %scan3A_56 = arith.constant 5 : i32
    %scan3A_57 = arith.addi %scan3A_55, %scan3A_56 : i32
    %scan3A_58 = arith.constant 1 : i32
    scf.for %scan3A_60 = %scan3A_55 to %scan3A_57 step %scan3A_58  : i32 {
      %mul3A_61 = arith.constant 128 : i32
      %mul3A_62 = arith.muli %scan3A_60, %mul3A_61 : i32
      %add3A_63 = arith.addi %mul3A_2, %mul3A_62 : i32
      %mul3A_64 = arith.constant 128 : i32
      %mul3A_65 = arith.muli %scan3A_60, %mul3A_64 : i32
      %add3A_66 = arith.addi %mul3A_2, %mul3A_65 : i32
      "tpu.region"() ({
        %run_scoped3A_67 = tpu.sem_alloc : memref<!tpu.dma_semaphore, #tpu.memory_space<semaphore_mem>>
        %dma_start3A_68 = arith.constant 0 : i32
        %dma_start3A_69 = tpu.memref_slice %arg4[%arg0, %add3A_66, %dma_start3A_68] : memref<2x10240x144xf32, #tpu.memory_space<hbm>> -> memref<1x128x144xf32, #tpu.memory_space<hbm>>
        %dma_start3A_70 = tpu.memref_squeeze %dma_start3A_69 : memref<1x128x144xf32, #tpu.memory_space<hbm>> -> memref<128x144xf32, #tpu.memory_space<hbm>>
        %dma_start3A_71 = arith.constant 0 : i32
        %dma_start3A_72 = tpu.memref_slice %arg9[%add3A_63, %dma_start3A_71] : memref<10240x144xf32, #tpu.memory_space<vmem_shared>> -> memref<128x144xf32, #tpu.memory_space<vmem_shared>>
        tpu.enqueue_dma source(%dma_start3A_72 : memref<128x144xf32, #tpu.memory_space<vmem_shared>>) target(%dma_start3A_70 : memref<128x144xf32, #tpu.memory_space<hbm>>) target_semaphore(%run_scoped3A_67 : memref<!tpu.dma_semaphore, #tpu.memory_space<semaphore_mem>>)
        %dma_wait3A_73 = arith.constant 0 : i32
        %dma_wait3A_74 = tpu.memref_slice %arg4[%arg0, %add3A_66, %dma_wait3A_73] : memref<2x10240x144xf32, #tpu.memory_space<hbm>> -> memref<1x128x144xf32, #tpu.memory_space<hbm>>
        %dma_wait3A_75 = tpu.memref_squeeze %dma_wait3A_74 : memref<1x128x144xf32, #tpu.memory_space<hbm>> -> memref<128x144xf32, #tpu.memory_space<hbm>>
        %dma_wait3A_76 = arith.constant 0 : i32
        %dma_wait3A_77 = tpu.memref_slice %arg9[%add3A_63, %dma_wait3A_76] : memref<10240x144xf32, #tpu.memory_space<vmem_shared>> -> memref<128x144xf32, #tpu.memory_space<vmem_shared>>
        tpu.wait_dma2 semaphore(%run_scoped3A_67 : memref<!tpu.dma_semaphore, #tpu.memory_space<semaphore_mem>>) src(%dma_wait3A_77 : memref<128x144xf32, #tpu.memory_space<vmem_shared>>) dst(%dma_wait3A_75 : memref<128x144xf32, #tpu.memory_space<hbm>>)
        tpu.yield
      }) : () -> ()
    }
    %scan3A_59 = arith.constant 5 : i32
    return
  }
}

#map = affine_map<(d0, d1) -> (0, 0)>
#map1 = affine_map<(d0, d1) -> (0, 0, 0, 0, 0)>
#map2 = affine_map<(d0, d1) -> (0, 0, 0)>
module attributes {stable_mosaic.version = 14 : i64} {
  func.func @k(%arg0: i32, %arg1: i32, %arg2: memref<2048x144xf32, #tpu.memory_space<hbm>>, %arg3: memref<32x7x2x2x128xi32, #tpu.memory_space<hbm>>, %arg4: memref<2x10240x144xf32, #tpu.memory_space<hbm>>, %arg5: memref<2x2x128xi32, #tpu.memory_space<vmem>>, %arg6: memref<2x2x128xi32, #tpu.memory_space<vmem>>, %arg7: memref<128x144xf32, #tpu.memory_space<vmem>>, %arg8: memref<128x144xf32, #tpu.memory_space<vmem>>, %arg9: memref<10240x144xf32, #tpu.memory_space<vmem_shared>>, %arg10: memref<!tpu.dma_semaphore, #tpu.memory_space<semaphore_mem>>, %arg11: memref<!tpu.dma_semaphore, #tpu.memory_space<semaphore_mem>>) attributes {dimension_semantics = [#tpu.dimension_semantics<core_parallel>, #tpu.dimension_semantics<subcore_parallel>], iteration_bounds = array<i64: 2, 16>, scalar_prefetch = 0 : i64, scratch_operands = 7 : i64, tpu.core_type = #tpu.core_type<sc_vector_subcore>, window_params = [{transform_indices = #map}, {transform_indices = #map1}, {transform_indices = #map2}]} {
    %mul3A = arith.constant 2 : i32
    %mul3A_0 = arith.muli %arg1, %mul3A : i32
    %add3A = arith.addi %mul3A_0, %arg0 : i32
    %mul3A_1 = arith.constant 640 : i32
    %mul3A_2 = arith.muli %arg1, %mul3A_1 : i32
    %run_scoped3A = arith.constant 0 : i32
    "tpu.region"() ({
      %run_scoped3A_60 = tpu.sem_alloc : memref<!tpu.dma_semaphore, #tpu.memory_space<semaphore_mem>>
      %dma_start3A_61 = arith.constant 0 : i32
      %dma_start3A_62 = arith.constant 0 : i32
      %dma_start3A_63 = arith.constant 0 : i32
      %dma_start3A_64 = tpu.memref_slice %arg3[%add3A, %run_scoped3A, %dma_start3A_61, %dma_start3A_62, %dma_start3A_63] : memref<32x7x2x2x128xi32, #tpu.memory_space<hbm>> -> memref<1x1x2x2x128xi32, #tpu.memory_space<hbm>>
      %dma_start3A_65 = tpu.memref_squeeze %dma_start3A_64 : memref<1x1x2x2x128xi32, #tpu.memory_space<hbm>> -> memref<2x2x128xi32, #tpu.memory_space<hbm>>
      %dma_start3A_66 = arith.constant 0 : i32
      %dma_start3A_67 = arith.constant 0 : i32
      %dma_start3A_68 = arith.constant 0 : i32
      %dma_start3A_69 = tpu.memref_slice %arg3[%add3A, %run_scoped3A, %dma_start3A_66, %dma_start3A_67, %dma_start3A_68] : memref<32x7x2x2x128xi32, #tpu.memory_space<hbm>> -> memref<1x1x2x2x128xi32, #tpu.memory_space<hbm>>
      %dma_start3A_70 = tpu.memref_squeeze %dma_start3A_69 : memref<1x1x2x2x128xi32, #tpu.memory_space<hbm>> -> memref<2x2x128xi32, #tpu.memory_space<hbm>>
      tpu.enqueue_dma source(%dma_start3A_70 : memref<2x2x128xi32, #tpu.memory_space<hbm>>) target(%arg5 : memref<2x2x128xi32, #tpu.memory_space<vmem>>) target_semaphore(%run_scoped3A_60 : memref<!tpu.dma_semaphore, #tpu.memory_space<semaphore_mem>>)
      %dma_wait3A_71 = arith.constant 0 : i32
      %dma_wait3A_72 = arith.constant 0 : i32
      %dma_wait3A_73 = arith.constant 0 : i32
      %dma_wait3A_74 = tpu.memref_slice %arg3[%add3A, %run_scoped3A, %dma_wait3A_71, %dma_wait3A_72, %dma_wait3A_73] : memref<32x7x2x2x128xi32, #tpu.memory_space<hbm>> -> memref<1x1x2x2x128xi32, #tpu.memory_space<hbm>>
      %dma_wait3A_75 = tpu.memref_squeeze %dma_wait3A_74 : memref<1x1x2x2x128xi32, #tpu.memory_space<hbm>> -> memref<2x2x128xi32, #tpu.memory_space<hbm>>
      %dma_wait3A_76 = arith.constant 0 : i32
      %dma_wait3A_77 = arith.constant 0 : i32
      %dma_wait3A_78 = arith.constant 0 : i32
      %dma_wait3A_79 = tpu.memref_slice %arg3[%add3A, %run_scoped3A, %dma_wait3A_76, %dma_wait3A_77, %dma_wait3A_78] : memref<32x7x2x2x128xi32, #tpu.memory_space<hbm>> -> memref<1x1x2x2x128xi32, #tpu.memory_space<hbm>>
      %dma_wait3A_80 = tpu.memref_squeeze %dma_wait3A_79 : memref<1x1x2x2x128xi32, #tpu.memory_space<hbm>> -> memref<2x2x128xi32, #tpu.memory_space<hbm>>
      tpu.wait_dma2 semaphore(%run_scoped3A_60 : memref<!tpu.dma_semaphore, #tpu.memory_space<semaphore_mem>>) src(%dma_wait3A_80 : memref<2x2x128xi32, #tpu.memory_space<hbm>>) dst(%arg5 : memref<2x2x128xi32, #tpu.memory_space<vmem>>)
      tpu.yield
    }) : () -> ()
    %scan3A = arith.constant 0 : i32
    %scan3A_3 = arith.constant 0 : i32
    %scan3A_4 = arith.constant 128 : i32
    %scan3A_5 = arith.addi %scan3A_3, %scan3A_4 : i32
    %scan3A_6 = arith.constant 1 : i32
    scf.for %scan3A_60 = %scan3A_3 to %scan3A_5 step %scan3A_6  : i32 {
      %scan3A_61 = arith.constant 0 : i32
      %scan3A_62 = arith.constant 9 : i32
      %scan3A_63 = arith.addi %scan3A_61, %scan3A_62 : i32
      %scan3A_64 = arith.constant 1 : i32
      scf.for %scan3A_66 = %scan3A_61 to %scan3A_63 step %scan3A_64  : i32 {
        %broadcast_in_dim3A = arith.constant 0.000000e+00 : f32
        %broadcast_in_dim3A_67 = vector.broadcast %broadcast_in_dim3A : f32 to vector<16xf32>
        %mul3A_68 = arith.constant 16 : i32
        %mul3A_69 = arith.muli %scan3A_66, %mul3A_68 : i32
        %swap3A = arith.index_cast %scan3A_60 : i32 to index
        %swap3A_70 = arith.index_cast %mul3A_69 : i32 to index
        %swap3A_71 = tpu.vector_load %arg7[%swap3A, %swap3A_70] {strides = array<i32>} : memref<128x144xf32, #tpu.memory_space<vmem>>, vector<1x16xf32>,
        %swap3A_72 = vector.shape_cast %swap3A_71 : vector<1x16xf32> to vector<16xf32>
        %swap3A_73 = vector.shape_cast %broadcast_in_dim3A_67 : vector<16xf32> to vector<1x16xf32>
        tpu.vector_store %arg7[%swap3A, %swap3A_70], %swap3A_73 {strides = array<i32>} : memref<128x144xf32, #tpu.memory_space<vmem>>, vector<1x16xf32>,
      }
      %scan3A_65 = arith.constant 9 : i32
    }
    %scan3A_7 = arith.constant 128 : i32
    %scan3A_8 = arith.constant 0 : i32
    %scan3A_9 = arith.constant 0 : i32
    %scan3A_10 = arith.constant 5 : i32
    %scan3A_11 = arith.addi %scan3A_9, %scan3A_10 : i32
    %scan3A_12 = arith.constant 1 : i32
    scf.for %scan3A_60 = %scan3A_9 to %scan3A_11 step %scan3A_12  : i32 {
      %mul3A_61 = arith.constant 128 : i32
      %mul3A_62 = arith.muli %scan3A_60, %mul3A_61 : i32
      %add3A_63 = arith.addi %mul3A_2, %mul3A_62 : i32
      "tpu.region"() ({
        %run_scoped3A_64 = tpu.sem_alloc : memref<!tpu.dma_semaphore, #tpu.memory_space<semaphore_mem>>
        %dma_start3A_65 = arith.constant 0 : i32
        %dma_start3A_66 = tpu.memref_slice %arg9[%add3A_63, %dma_start3A_65] : memref<10240x144xf32, #tpu.memory_space<vmem_shared>> -> memref<128x144xf32, #tpu.memory_space<vmem_shared>>
        %dma_start3A_67 = arith.constant 0 : i32
        %dma_start3A_68 = tpu.memref_slice %arg9[%add3A_63, %dma_start3A_67] : memref<10240x144xf32, #tpu.memory_space<vmem_shared>> -> memref<128x144xf32, #tpu.memory_space<vmem_shared>>
        tpu.enqueue_dma source(%arg7 : memref<128x144xf32, #tpu.memory_space<vmem>>) target(%dma_start3A_68 : memref<128x144xf32, #tpu.memory_space<vmem_shared>>) target_semaphore(%run_scoped3A_64 : memref<!tpu.dma_semaphore, #tpu.memory_space<semaphore_mem>>)
        %dma_wait3A_69 = arith.constant 0 : i32
        %dma_wait3A_70 = tpu.memref_slice %arg9[%add3A_63, %dma_wait3A_69] : memref<10240x144xf32, #tpu.memory_space<vmem_shared>> -> memref<128x144xf32, #tpu.memory_space<vmem_shared>>
        %dma_wait3A_71 = arith.constant 0 : i32
        %dma_wait3A_72 = tpu.memref_slice %arg9[%add3A_63, %dma_wait3A_71] : memref<10240x144xf32, #tpu.memory_space<vmem_shared>> -> memref<128x144xf32, #tpu.memory_space<vmem_shared>>
        tpu.wait_dma2 semaphore(%run_scoped3A_64 : memref<!tpu.dma_semaphore, #tpu.memory_space<semaphore_mem>>) src(%arg7 : memref<128x144xf32, #tpu.memory_space<vmem>>) dst(%dma_wait3A_72 : memref<128x144xf32, #tpu.memory_space<vmem_shared>>)
        tpu.yield
      }) : () -> ()
    }
    %scan3A_13 = arith.constant 5 : i32
    %dma_start3A = arith.constant 0 : i32
    %dma_start3A_14 = arith.constant 0 : i32
    %dma_start3A_15 = arith.constant 0 : i32
    %dma_start3A_16 = tpu.memref_slice %arg5[%dma_start3A, %dma_start3A_14, %dma_start3A_15] : memref<2x2x128xi32, #tpu.memory_space<vmem>> -> memref<1x1x128xi32, #tpu.memory_space<vmem>>
    %dma_start3A_17 = tpu.memref_squeeze %dma_start3A_16 : memref<1x1x128xi32, #tpu.memory_space<vmem>> -> memref<128xi32, #tpu.memory_space<vmem>>
    %dma_start3A_18 = arith.constant 0 : i32
    %dma_start3A_19 = arith.constant 0 : i32
    %dma_start3A_20 = tpu.memref_slice %arg2[%dma_start3A_18, %dma_start3A_19] : memref<2048x144xf32, #tpu.memory_space<hbm>> -> memref<2048x144xf32, #tpu.memory_space<hbm>>
    tpu.enqueue_indirect_dma source(%dma_start3A_20 : memref<2048x144xf32, #tpu.memory_space<hbm>>) target(%arg7 : memref<128x144xf32, #tpu.memory_space<vmem>>) offsets(%dma_start3A_17 : memref<128xi32, #tpu.memory_space<vmem>>) semaphore(%arg10 : memref<!tpu.dma_semaphore, #tpu.memory_space<semaphore_mem>>)
    %dma_start3A_21 = arith.constant 1 : i32
    %dma_start3A_22 = arith.constant 0 : i32
    %dma_start3A_23 = arith.constant 0 : i32
    %dma_start3A_24 = tpu.memref_slice %arg5[%dma_start3A_21, %dma_start3A_22, %dma_start3A_23] : memref<2x2x128xi32, #tpu.memory_space<vmem>> -> memref<1x1x128xi32, #tpu.memory_space<vmem>>
    %dma_start3A_25 = tpu.memref_squeeze %dma_start3A_24 : memref<1x1x128xi32, #tpu.memory_space<vmem>> -> memref<128xi32, #tpu.memory_space<vmem>>
    %dma_start3A_26 = arith.constant 0 : i32
    %dma_start3A_27 = arith.constant 0 : i32
    %dma_start3A_28 = tpu.memref_slice %arg2[%dma_start3A_26, %dma_start3A_27] : memref<2048x144xf32, #tpu.memory_space<hbm>> -> memref<2048x144xf32, #tpu.memory_space<hbm>>
    tpu.enqueue_indirect_dma source(%dma_start3A_28 : memref<2048x144xf32, #tpu.memory_space<hbm>>) target(%arg8 : memref<128x144xf32, #tpu.memory_space<vmem>>) offsets(%dma_start3A_25 : memref<128xi32, #tpu.memory_space<vmem>>) semaphore(%arg11 : memref<!tpu.dma_semaphore, #tpu.memory_space<semaphore_mem>>)
    %barrier3A = arith.constant 0 : index
    tpu.barrier barrier_id(%barrier3A)
    %scan3A_29 = arith.constant 0 : i32
    %scan3A_30 = arith.constant 3 : i32
    %scan3A_31 = arith.addi %scan3A_29, %scan3A_30 : i32
    %scan3A_32 = arith.constant 1 : i32
    scf.for %scan3A_60 = %scan3A_29 to %scan3A_31 step %scan3A_32  : i32 {
      %mul3A_61 = arith.constant 2 : i32
      %mul3A_62 = arith.muli %scan3A_60, %mul3A_61 : i32
      %add3A_63 = arith.constant 0 : i32
      %add3A_64 = arith.addi %add3A_63, %mul3A_62 : i32
      %add3A_65 = arith.constant 1 : i32
      %add3A_66 = arith.addi %add3A_64, %add3A_65 : i32
      "tpu.region"() ({
        %run_scoped3A_141 = tpu.sem_alloc : memref<!tpu.dma_semaphore, #tpu.memory_space<semaphore_mem>>
        %dma_start3A_142 = arith.constant 0 : i32
        %dma_start3A_143 = arith.constant 0 : i32
        %dma_start3A_144 = arith.constant 0 : i32
        %dma_start3A_145 = tpu.memref_slice %arg3[%add3A, %add3A_66, %dma_start3A_142, %dma_start3A_143, %dma_start3A_144] : memref<32x7x2x2x128xi32, #tpu.memory_space<hbm>> -> memref<1x1x2x2x128xi32, #tpu.memory_space<hbm>>
        %dma_start3A_146 = tpu.memref_squeeze %dma_start3A_145 : memref<1x1x2x2x128xi32, #tpu.memory_space<hbm>> -> memref<2x2x128xi32, #tpu.memory_space<hbm>>
        %dma_start3A_147 = arith.constant 0 : i32
        %dma_start3A_148 = arith.constant 0 : i32
        %dma_start3A_149 = arith.constant 0 : i32
        %dma_start3A_150 = tpu.memref_slice %arg3[%add3A, %add3A_66, %dma_start3A_147, %dma_start3A_148, %dma_start3A_149] : memref<32x7x2x2x128xi32, #tpu.memory_space<hbm>> -> memref<1x1x2x2x128xi32, #tpu.memory_space<hbm>>
        %dma_start3A_151 = tpu.memref_squeeze %dma_start3A_150 : memref<1x1x2x2x128xi32, #tpu.memory_space<hbm>> -> memref<2x2x128xi32, #tpu.memory_space<hbm>>
        tpu.enqueue_dma source(%dma_start3A_151 : memref<2x2x128xi32, #tpu.memory_space<hbm>>) target(%arg6 : memref<2x2x128xi32, #tpu.memory_space<vmem>>) target_semaphore(%run_scoped3A_141 : memref<!tpu.dma_semaphore, #tpu.memory_space<semaphore_mem>>)
        %dma_wait3A_152 = arith.constant 0 : i32
        %dma_wait3A_153 = arith.constant 0 : i32
        %dma_wait3A_154 = arith.constant 0 : i32
        %dma_wait3A_155 = tpu.memref_slice %arg3[%add3A, %add3A_66, %dma_wait3A_152, %dma_wait3A_153, %dma_wait3A_154] : memref<32x7x2x2x128xi32, #tpu.memory_space<hbm>> -> memref<1x1x2x2x128xi32, #tpu.memory_space<hbm>>
        %dma_wait3A_156 = tpu.memref_squeeze %dma_wait3A_155 : memref<1x1x2x2x128xi32, #tpu.memory_space<hbm>> -> memref<2x2x128xi32, #tpu.memory_space<hbm>>
        %dma_wait3A_157 = arith.constant 0 : i32
        %dma_wait3A_158 = arith.constant 0 : i32
        %dma_wait3A_159 = arith.constant 0 : i32
        %dma_wait3A_160 = tpu.memref_slice %arg3[%add3A, %add3A_66, %dma_wait3A_157, %dma_wait3A_158, %dma_wait3A_159] : memref<32x7x2x2x128xi32, #tpu.memory_space<hbm>> -> memref<1x1x2x2x128xi32, #tpu.memory_space<hbm>>
        %dma_wait3A_161 = tpu.memref_squeeze %dma_wait3A_160 : memref<1x1x2x2x128xi32, #tpu.memory_space<hbm>> -> memref<2x2x128xi32, #tpu.memory_space<hbm>>
        tpu.wait_dma2 semaphore(%run_scoped3A_141 : memref<!tpu.dma_semaphore, #tpu.memory_space<semaphore_mem>>) src(%dma_wait3A_161 : memref<2x2x128xi32, #tpu.memory_space<hbm>>) dst(%arg6 : memref<2x2x128xi32, #tpu.memory_space<vmem>>)
        tpu.yield
      }) : () -> ()
      %dma_wait3A_67 = arith.constant 0 : i32
      %dma_wait3A_68 = arith.constant 0 : i32
      %dma_wait3A_69 = arith.constant 0 : i32
      %dma_wait3A_70 = tpu.memref_slice %arg5[%dma_wait3A_67, %dma_wait3A_68, %dma_wait3A_69] : memref<2x2x128xi32, #tpu.memory_space<vmem>> -> memref<1x1x128xi32, #tpu.memory_space<vmem>>
      %dma_wait3A_71 = tpu.memref_squeeze %dma_wait3A_70 : memref<1x1x128xi32, #tpu.memory_space<vmem>> -> memref<128xi32, #tpu.memory_space<vmem>>
      %dma_wait3A_72 = arith.constant 0 : i32
      %dma_wait3A_73 = arith.constant 0 : i32
      %dma_wait3A_74 = tpu.memref_slice %arg2[%dma_wait3A_72, %dma_wait3A_73] : memref<2048x144xf32, #tpu.memory_space<hbm>> -> memref<2048x144xf32, #tpu.memory_space<hbm>>
      tpu.wait_indirect_dma semaphore(%arg10 : memref<!tpu.dma_semaphore, #tpu.memory_space<semaphore_mem>>) src(%dma_wait3A_74 : memref<2048x144xf32, #tpu.memory_space<hbm>>) dst(%arg7 : memref<128x144xf32, #tpu.memory_space<vmem>>)
      %run_scoped3A_75 = arith.constant 0 : i32
      %run_scoped3A_76 = arith.constant 1 : i32
      "tpu.region"() ({
        %run_scoped3A_141 = tpu.sem_alloc : memref<!tpu.dma_semaphore, #tpu.memory_space<semaphore_mem>>
        %dma_start3A_142 = arith.constant 0 : i32
        %dma_start3A_143 = tpu.memref_slice %arg5[%run_scoped3A_75, %run_scoped3A_76, %dma_start3A_142] : memref<2x2x128xi32, #tpu.memory_space<vmem>> -> memref<1x1x128xi32, #tpu.memory_space<vmem>>
        %dma_start3A_144 = tpu.memref_squeeze %dma_start3A_143 : memref<1x1x128xi32, #tpu.memory_space<vmem>> -> memref<128xi32, #tpu.memory_space<vmem>>
        %dma_start3A_145 = arith.constant 0 : i32
        %dma_start3A_146 = arith.constant 0 : i32
        %dma_start3A_147 = tpu.memref_slice %arg9[%dma_start3A_145, %dma_start3A_146] : memref<10240x144xf32, #tpu.memory_space<vmem_shared>> -> memref<10240x144xf32, #tpu.memory_space<vmem_shared>>
        tpu.enqueue_indirect_dma source(%arg7 : memref<128x144xf32, #tpu.memory_space<vmem>>) target(%dma_start3A_147 : memref<10240x144xf32, #tpu.memory_space<vmem_shared>>) offsets(%dma_start3A_144 : memref<128xi32, #tpu.memory_space<vmem>>) semaphore(%run_scoped3A_141 : memref<!tpu.dma_semaphore, #tpu.memory_space<semaphore_mem>>) {add = true}
        %dma_wait3A_148 = arith.constant 0 : i32
        %dma_wait3A_149 = tpu.memref_slice %arg5[%run_scoped3A_75, %run_scoped3A_76, %dma_wait3A_148] : memref<2x2x128xi32, #tpu.memory_space<vmem>> -> memref<1x1x128xi32, #tpu.memory_space<vmem>>
        %dma_wait3A_150 = tpu.memref_squeeze %dma_wait3A_149 : memref<1x1x128xi32, #tpu.memory_space<vmem>> -> memref<128xi32, #tpu.memory_space<vmem>>
        %dma_wait3A_151 = arith.constant 0 : i32
        %dma_wait3A_152 = arith.constant 0 : i32
        %dma_wait3A_153 = tpu.memref_slice %arg9[%dma_wait3A_151, %dma_wait3A_152] : memref<10240x144xf32, #tpu.memory_space<vmem_shared>> -> memref<10240x144xf32, #tpu.memory_space<vmem_shared>>
        tpu.wait_indirect_dma semaphore(%run_scoped3A_141 : memref<!tpu.dma_semaphore, #tpu.memory_space<semaphore_mem>>) src(%arg7 : memref<128x144xf32, #tpu.memory_space<vmem>>) dst(%dma_wait3A_153 : memref<10240x144xf32, #tpu.memory_space<vmem_shared>>)
        tpu.yield
      }) : () -> ()
      %dma_start3A_77 = arith.constant 0 : i32
      %dma_start3A_78 = arith.constant 0 : i32
      %dma_start3A_79 = arith.constant 0 : i32
      %dma_start3A_80 = tpu.memref_slice %arg6[%dma_start3A_77, %dma_start3A_78, %dma_start3A_79] : memref<2x2x128xi32, #tpu.memory_space<vmem>> -> memref<1x1x128xi32, #tpu.memory_space<vmem>>
      %dma_start3A_81 = tpu.memref_squeeze %dma_start3A_80 : memref<1x1x128xi32, #tpu.memory_space<vmem>> -> memref<128xi32, #tpu.memory_space<vmem>>
      %dma_start3A_82 = arith.constant 0 : i32
      %dma_start3A_83 = arith.constant 0 : i32
      %dma_start3A_84 = tpu.memref_slice %arg2[%dma_start3A_82, %dma_start3A_83] : memref<2048x144xf32, #tpu.memory_space<hbm>> -> memref<2048x144xf32, #tpu.memory_space<hbm>>
      tpu.enqueue_indirect_dma source(%dma_start3A_84 : memref<2048x144xf32, #tpu.memory_space<hbm>>) target(%arg7 : memref<128x144xf32, #tpu.memory_space<vmem>>) offsets(%dma_start3A_81 : memref<128xi32, #tpu.memory_space<vmem>>) semaphore(%arg10 : memref<!tpu.dma_semaphore, #tpu.memory_space<semaphore_mem>>)
      %dma_wait3A_85 = arith.constant 1 : i32
      %dma_wait3A_86 = arith.constant 0 : i32
      %dma_wait3A_87 = arith.constant 0 : i32
      %dma_wait3A_88 = tpu.memref_slice %arg5[%dma_wait3A_85, %dma_wait3A_86, %dma_wait3A_87] : memref<2x2x128xi32, #tpu.memory_space<vmem>> -> memref<1x1x128xi32, #tpu.memory_space<vmem>>
      %dma_wait3A_89 = tpu.memref_squeeze %dma_wait3A_88 : memref<1x1x128xi32, #tpu.memory_space<vmem>> -> memref<128xi32, #tpu.memory_space<vmem>>
      %dma_wait3A_90 = arith.constant 0 : i32
      %dma_wait3A_91 = arith.constant 0 : i32
      %dma_wait3A_92 = tpu.memref_slice %arg2[%dma_wait3A_90, %dma_wait3A_91] : memref<2048x144xf32, #tpu.memory_space<hbm>> -> memref<2048x144xf32, #tpu.memory_space<hbm>>
      tpu.wait_indirect_dma semaphore(%arg11 : memref<!tpu.dma_semaphore, #tpu.memory_space<semaphore_mem>>) src(%dma_wait3A_92 : memref<2048x144xf32, #tpu.memory_space<hbm>>) dst(%arg8 : memref<128x144xf32, #tpu.memory_space<vmem>>)
      %run_scoped3A_93 = arith.constant 1 : i32
      %run_scoped3A_94 = arith.constant 1 : i32
      "tpu.region"() ({
        %run_scoped3A_141 = tpu.sem_alloc : memref<!tpu.dma_semaphore, #tpu.memory_space<semaphore_mem>>
        %dma_start3A_142 = arith.constant 0 : i32
        %dma_start3A_143 = tpu.memref_slice %arg5[%run_scoped3A_93, %run_scoped3A_94, %dma_start3A_142] : memref<2x2x128xi32, #tpu.memory_space<vmem>> -> memref<1x1x128xi32, #tpu.memory_space<vmem>>
        %dma_start3A_144 = tpu.memref_squeeze %dma_start3A_143 : memref<1x1x128xi32, #tpu.memory_space<vmem>> -> memref<128xi32, #tpu.memory_space<vmem>>
        %dma_start3A_145 = arith.constant 0 : i32
        %dma_start3A_146 = arith.constant 0 : i32
        %dma_start3A_147 = tpu.memref_slice %arg9[%dma_start3A_145, %dma_start3A_146] : memref<10240x144xf32, #tpu.memory_space<vmem_shared>> -> memref<10240x144xf32, #tpu.memory_space<vmem_shared>>
        tpu.enqueue_indirect_dma source(%arg8 : memref<128x144xf32, #tpu.memory_space<vmem>>) target(%dma_start3A_147 : memref<10240x144xf32, #tpu.memory_space<vmem_shared>>) offsets(%dma_start3A_144 : memref<128xi32, #tpu.memory_space<vmem>>) semaphore(%run_scoped3A_141 : memref<!tpu.dma_semaphore, #tpu.memory_space<semaphore_mem>>) {add = true}
        %dma_wait3A_148 = arith.constant 0 : i32
        %dma_wait3A_149 = tpu.memref_slice %arg5[%run_scoped3A_93, %run_scoped3A_94, %dma_wait3A_148] : memref<2x2x128xi32, #tpu.memory_space<vmem>> -> memref<1x1x128xi32, #tpu.memory_space<vmem>>
        %dma_wait3A_150 = tpu.memref_squeeze %dma_wait3A_149 : memref<1x1x128xi32, #tpu.memory_space<vmem>> -> memref<128xi32, #tpu.memory_space<vmem>>
        %dma_wait3A_151 = arith.constant 0 : i32
        %dma_wait3A_152 = arith.constant 0 : i32
        %dma_wait3A_153 = tpu.memref_slice %arg9[%dma_wait3A_151, %dma_wait3A_152] : memref<10240x144xf32, #tpu.memory_space<vmem_shared>> -> memref<10240x144xf32, #tpu.memory_space<vmem_shared>>
        tpu.wait_indirect_dma semaphore(%run_scoped3A_141 : memref<!tpu.dma_semaphore, #tpu.memory_space<semaphore_mem>>) src(%arg8 : memref<128x144xf32, #tpu.memory_space<vmem>>) dst(%dma_wait3A_153 : memref<10240x144xf32, #tpu.memory_space<vmem_shared>>)
        tpu.yield
      }) : () -> ()
      %dma_start3A_95 = arith.constant 1 : i32
      %dma_start3A_96 = arith.constant 0 : i32
      %dma_start3A_97 = arith.constant 0 : i32
      %dma_start3A_98 = tpu.memref_slice %arg6[%dma_start3A_95, %dma_start3A_96, %dma_start3A_97] : memref<2x2x128xi32, #tpu.memory_space<vmem>> -> memref<1x1x128xi32, #tpu.memory_space<vmem>>
      %dma_start3A_99 = tpu.memref_squeeze %dma_start3A_98 : memref<1x1x128xi32, #tpu.memory_space<vmem>> -> memref<128xi32, #tpu.memory_space<vmem>>
      %dma_start3A_100 = arith.constant 0 : i32
      %dma_start3A_101 = arith.constant 0 : i32
      %dma_start3A_102 = tpu.memref_slice %arg2[%dma_start3A_100, %dma_start3A_101] : memref<2048x144xf32, #tpu.memory_space<hbm>> -> memref<2048x144xf32, #tpu.memory_space<hbm>>
      tpu.enqueue_indirect_dma source(%dma_start3A_102 : memref<2048x144xf32, #tpu.memory_space<hbm>>) target(%arg8 : memref<128x144xf32, #tpu.memory_space<vmem>>) offsets(%dma_start3A_99 : memref<128xi32, #tpu.memory_space<vmem>>) semaphore(%arg11 : memref<!tpu.dma_semaphore, #tpu.memory_space<semaphore_mem>>)
      %add3A_103 = arith.constant 2 : i32
      %add3A_104 = arith.addi %add3A_64, %add3A_103 : i32
      "tpu.region"() ({
        %run_scoped3A_141 = tpu.sem_alloc : memref<!tpu.dma_semaphore, #tpu.memory_space<semaphore_mem>>
        %dma_start3A_142 = arith.constant 0 : i32
        %dma_start3A_143 = arith.constant 0 : i32
        %dma_start3A_144 = arith.constant 0 : i32
        %dma_start3A_145 = tpu.memref_slice %arg3[%add3A, %add3A_104, %dma_start3A_142, %dma_start3A_143, %dma_start3A_144] : memref<32x7x2x2x128xi32, #tpu.memory_space<hbm>> -> memref<1x1x2x2x128xi32, #tpu.memory_space<hbm>>
        %dma_start3A_146 = tpu.memref_squeeze %dma_start3A_145 : memref<1x1x2x2x128xi32, #tpu.memory_space<hbm>> -> memref<2x2x128xi32, #tpu.memory_space<hbm>>
        %dma_start3A_147 = arith.constant 0 : i32
        %dma_start3A_148 = arith.constant 0 : i32
        %dma_start3A_149 = arith.constant 0 : i32
        %dma_start3A_150 = tpu.memref_slice %arg3[%add3A, %add3A_104, %dma_start3A_147, %dma_start3A_148, %dma_start3A_149] : memref<32x7x2x2x128xi32, #tpu.memory_space<hbm>> -> memref<1x1x2x2x128xi32, #tpu.memory_space<hbm>>
        %dma_start3A_151 = tpu.memref_squeeze %dma_start3A_150 : memref<1x1x2x2x128xi32, #tpu.memory_space<hbm>> -> memref<2x2x128xi32, #tpu.memory_space<hbm>>
        tpu.enqueue_dma source(%dma_start3A_151 : memref<2x2x128xi32, #tpu.memory_space<hbm>>) target(%arg5 : memref<2x2x128xi32, #tpu.memory_space<vmem>>) target_semaphore(%run_scoped3A_141 : memref<!tpu.dma_semaphore, #tpu.memory_space<semaphore_mem>>)
        %dma_wait3A_152 = arith.constant 0 : i32
        %dma_wait3A_153 = arith.constant 0 : i32
        %dma_wait3A_154 = arith.constant 0 : i32
        %dma_wait3A_155 = tpu.memref_slice %arg3[%add3A, %add3A_104, %dma_wait3A_152, %dma_wait3A_153, %dma_wait3A_154] : memref<32x7x2x2x128xi32, #tpu.memory_space<hbm>> -> memref<1x1x2x2x128xi32, #tpu.memory_space<hbm>>
        %dma_wait3A_156 = tpu.memref_squeeze %dma_wait3A_155 : memref<1x1x2x2x128xi32, #tpu.memory_space<hbm>> -> memref<2x2x128xi32, #tpu.memory_space<hbm>>
        %dma_wait3A_157 = arith.constant 0 : i32
        %dma_wait3A_158 = arith.constant 0 : i32
        %dma_wait3A_159 = arith.constant 0 : i32
        %dma_wait3A_160 = tpu.memref_slice %arg3[%add3A, %add3A_104, %dma_wait3A_157, %dma_wait3A_158, %dma_wait3A_159] : memref<32x7x2x2x128xi32, #tpu.memory_space<hbm>> -> memref<1x1x2x2x128xi32, #tpu.memory_space<hbm>>
        %dma_wait3A_161 = tpu.memref_squeeze %dma_wait3A_160 : memref<1x1x2x2x128xi32, #tpu.memory_space<hbm>> -> memref<2x2x128xi32, #tpu.memory_space<hbm>>
        tpu.wait_dma2 semaphore(%run_scoped3A_141 : memref<!tpu.dma_semaphore, #tpu.memory_space<semaphore_mem>>) src(%dma_wait3A_161 : memref<2x2x128xi32, #tpu.memory_space<hbm>>) dst(%arg5 : memref<2x2x128xi32, #tpu.memory_space<vmem>>)
        tpu.yield
      }) : () -> ()
      %dma_wait3A_105 = arith.constant 0 : i32
      %dma_wait3A_106 = arith.constant 0 : i32
      %dma_wait3A_107 = arith.constant 0 : i32
      %dma_wait3A_108 = tpu.memref_slice %arg6[%dma_wait3A_105, %dma_wait3A_106, %dma_wait3A_107] : memref<2x2x128xi32, #tpu.memory_space<vmem>> -> memref<1x1x128xi32, #tpu.memory_space<vmem>>
      %dma_wait3A_109 = tpu.memref_squeeze %dma_wait3A_108 : memref<1x1x128xi32, #tpu.memory_space<vmem>> -> memref<128xi32, #tpu.memory_space<vmem>>
      %dma_wait3A_110 = arith.constant 0 : i32
      %dma_wait3A_111 = arith.constant 0 : i32
      %dma_wait3A_112 = tpu.memref_slice %arg2[%dma_wait3A_110, %dma_wait3A_111] : memref<2048x144xf32, #tpu.memory_space<hbm>> -> memref<2048x144xf32, #tpu.memory_space<hbm>>
      tpu.wait_indirect_dma semaphore(%arg10 : memref<!tpu.dma_semaphore, #tpu.memory_space<semaphore_mem>>) src(%dma_wait3A_112 : memref<2048x144xf32, #tpu.memory_space<hbm>>) dst(%arg7 : memref<128x144xf32, #tpu.memory_space<vmem>>)
      %run_scoped3A_113 = arith.constant 0 : i32
      %run_scoped3A_114 = arith.constant 1 : i32
      "tpu.region"() ({
        %run_scoped3A_141 = tpu.sem_alloc : memref<!tpu.dma_semaphore, #tpu.memory_space<semaphore_mem>>
        %dma_start3A_142 = arith.constant 0 : i32
        %dma_start3A_143 = tpu.memref_slice %arg6[%run_scoped3A_113, %run_scoped3A_114, %dma_start3A_142] : memref<2x2x128xi32, #tpu.memory_space<vmem>> -> memref<1x1x128xi32, #tpu.memory_space<vmem>>
        %dma_start3A_144 = tpu.memref_squeeze %dma_start3A_143 : memref<1x1x128xi32, #tpu.memory_space<vmem>> -> memref<128xi32, #tpu.memory_space<vmem>>
        %dma_start3A_145 = arith.constant 0 : i32
        %dma_start3A_146 = arith.constant 0 : i32
        %dma_start3A_147 = tpu.memref_slice %arg9[%dma_start3A_145, %dma_start3A_146] : memref<10240x144xf32, #tpu.memory_space<vmem_shared>> -> memref<10240x144xf32, #tpu.memory_space<vmem_shared>>
        tpu.enqueue_indirect_dma source(%arg7 : memref<128x144xf32, #tpu.memory_space<vmem>>) target(%dma_start3A_147 : memref<10240x144xf32, #tpu.memory_space<vmem_shared>>) offsets(%dma_start3A_144 : memref<128xi32, #tpu.memory_space<vmem>>) semaphore(%run_scoped3A_141 : memref<!tpu.dma_semaphore, #tpu.memory_space<semaphore_mem>>) {add = true}
        %dma_wait3A_148 = arith.constant 0 : i32
        %dma_wait3A_149 = tpu.memref_slice %arg6[%run_scoped3A_113, %run_scoped3A_114, %dma_wait3A_148] : memref<2x2x128xi32, #tpu.memory_space<vmem>> -> memref<1x1x128xi32, #tpu.memory_space<vmem>>
        %dma_wait3A_150 = tpu.memref_squeeze %dma_wait3A_149 : memref<1x1x128xi32, #tpu.memory_space<vmem>> -> memref<128xi32, #tpu.memory_space<vmem>>
        %dma_wait3A_151 = arith.constant 0 : i32
        %dma_wait3A_152 = arith.constant 0 : i32
        %dma_wait3A_153 = tpu.memref_slice %arg9[%dma_wait3A_151, %dma_wait3A_152] : memref<10240x144xf32, #tpu.memory_space<vmem_shared>> -> memref<10240x144xf32, #tpu.memory_space<vmem_shared>>
        tpu.wait_indirect_dma semaphore(%run_scoped3A_141 : memref<!tpu.dma_semaphore, #tpu.memory_space<semaphore_mem>>) src(%arg7 : memref<128x144xf32, #tpu.memory_space<vmem>>) dst(%dma_wait3A_153 : memref<10240x144xf32, #tpu.memory_space<vmem_shared>>)
        tpu.yield
      }) : () -> ()
      %dma_start3A_115 = arith.constant 0 : i32
      %dma_start3A_116 = arith.constant 0 : i32
      %dma_start3A_117 = arith.constant 0 : i32
      %dma_start3A_118 = tpu.memref_slice %arg5[%dma_start3A_115, %dma_start3A_116, %dma_start3A_117] : memref<2x2x128xi32, #tpu.memory_space<vmem>> -> memref<1x1x128xi32, #tpu.memory_space<vmem>>
      %dma_start3A_119 = tpu.memref_squeeze %dma_start3A_118 : memref<1x1x128xi32, #tpu.memory_space<vmem>> -> memref<128xi32, #tpu.memory_space<vmem>>
      %dma_start3A_120 = arith.constant 0 : i32
      %dma_start3A_121 = arith.constant 0 : i32
      %dma_start3A_122 = tpu.memref_slice %arg2[%dma_start3A_120, %dma_start3A_121] : memref<2048x144xf32, #tpu.memory_space<hbm>> -> memref<2048x144xf32, #tpu.memory_space<hbm>>
      tpu.enqueue_indirect_dma source(%dma_start3A_122 : memref<2048x144xf32, #tpu.memory_space<hbm>>) target(%arg7 : memref<128x144xf32, #tpu.memory_space<vmem>>) offsets(%dma_start3A_119 : memref<128xi32, #tpu.memory_space<vmem>>) semaphore(%arg10 : memref<!tpu.dma_semaphore, #tpu.memory_space<semaphore_mem>>)
      %dma_wait3A_123 = arith.constant 1 : i32
      %dma_wait3A_124 = arith.constant 0 : i32
      %dma_wait3A_125 = arith.constant 0 : i32
      %dma_wait3A_126 = tpu.memref_slice %arg6[%dma_wait3A_123, %dma_wait3A_124, %dma_wait3A_125] : memref<2x2x128xi32, #tpu.memory_space<vmem>> -> memref<1x1x128xi32, #tpu.memory_space<vmem>>
      %dma_wait3A_127 = tpu.memref_squeeze %dma_wait3A_126 : memref<1x1x128xi32, #tpu.memory_space<vmem>> -> memref<128xi32, #tpu.memory_space<vmem>>
      %dma_wait3A_128 = arith.constant 0 : i32
      %dma_wait3A_129 = arith.constant 0 : i32
      %dma_wait3A_130 = tpu.memref_slice %arg2[%dma_wait3A_128, %dma_wait3A_129] : memref<2048x144xf32, #tpu.memory_space<hbm>> -> memref<2048x144xf32, #tpu.memory_space<hbm>>
      tpu.wait_indirect_dma semaphore(%arg11 : memref<!tpu.dma_semaphore, #tpu.memory_space<semaphore_mem>>) src(%dma_wait3A_130 : memref<2048x144xf32, #tpu.memory_space<hbm>>) dst(%arg8 : memref<128x144xf32, #tpu.memory_space<vmem>>)
      %run_scoped3A_131 = arith.constant 1 : i32
      %run_scoped3A_132 = arith.constant 1 : i32
      "tpu.region"() ({
        %run_scoped3A_141 = tpu.sem_alloc : memref<!tpu.dma_semaphore, #tpu.memory_space<semaphore_mem>>
        %dma_start3A_142 = arith.constant 0 : i32
        %dma_start3A_143 = tpu.memref_slice %arg6[%run_scoped3A_131, %run_scoped3A_132, %dma_start3A_142] : memref<2x2x128xi32, #tpu.memory_space<vmem>> -> memref<1x1x128xi32, #tpu.memory_space<vmem>>
        %dma_start3A_144 = tpu.memref_squeeze %dma_start3A_143 : memref<1x1x128xi32, #tpu.memory_space<vmem>> -> memref<128xi32, #tpu.memory_space<vmem>>
        %dma_start3A_145 = arith.constant 0 : i32
        %dma_start3A_146 = arith.constant 0 : i32
        %dma_start3A_147 = tpu.memref_slice %arg9[%dma_start3A_145, %dma_start3A_146] : memref<10240x144xf32, #tpu.memory_space<vmem_shared>> -> memref<10240x144xf32, #tpu.memory_space<vmem_shared>>
        tpu.enqueue_indirect_dma source(%arg8 : memref<128x144xf32, #tpu.memory_space<vmem>>) target(%dma_start3A_147 : memref<10240x144xf32, #tpu.memory_space<vmem_shared>>) offsets(%dma_start3A_144 : memref<128xi32, #tpu.memory_space<vmem>>) semaphore(%run_scoped3A_141 : memref<!tpu.dma_semaphore, #tpu.memory_space<semaphore_mem>>) {add = true}
        %dma_wait3A_148 = arith.constant 0 : i32
        %dma_wait3A_149 = tpu.memref_slice %arg6[%run_scoped3A_131, %run_scoped3A_132, %dma_wait3A_148] : memref<2x2x128xi32, #tpu.memory_space<vmem>> -> memref<1x1x128xi32, #tpu.memory_space<vmem>>
        %dma_wait3A_150 = tpu.memref_squeeze %dma_wait3A_149 : memref<1x1x128xi32, #tpu.memory_space<vmem>> -> memref<128xi32, #tpu.memory_space<vmem>>
        %dma_wait3A_151 = arith.constant 0 : i32
        %dma_wait3A_152 = arith.constant 0 : i32
        %dma_wait3A_153 = tpu.memref_slice %arg9[%dma_wait3A_151, %dma_wait3A_152] : memref<10240x144xf32, #tpu.memory_space<vmem_shared>> -> memref<10240x144xf32, #tpu.memory_space<vmem_shared>>
        tpu.wait_indirect_dma semaphore(%run_scoped3A_141 : memref<!tpu.dma_semaphore, #tpu.memory_space<semaphore_mem>>) src(%arg8 : memref<128x144xf32, #tpu.memory_space<vmem>>) dst(%dma_wait3A_153 : memref<10240x144xf32, #tpu.memory_space<vmem_shared>>)
        tpu.yield
      }) : () -> ()
      %dma_start3A_133 = arith.constant 1 : i32
      %dma_start3A_134 = arith.constant 0 : i32
      %dma_start3A_135 = arith.constant 0 : i32
      %dma_start3A_136 = tpu.memref_slice %arg5[%dma_start3A_133, %dma_start3A_134, %dma_start3A_135] : memref<2x2x128xi32, #tpu.memory_space<vmem>> -> memref<1x1x128xi32, #tpu.memory_space<vmem>>
      %dma_start3A_137 = tpu.memref_squeeze %dma_start3A_136 : memref<1x1x128xi32, #tpu.memory_space<vmem>> -> memref<128xi32, #tpu.memory_space<vmem>>
      %dma_start3A_138 = arith.constant 0 : i32
      %dma_start3A_139 = arith.constant 0 : i32
      %dma_start3A_140 = tpu.memref_slice %arg2[%dma_start3A_138, %dma_start3A_139] : memref<2048x144xf32, #tpu.memory_space<hbm>> -> memref<2048x144xf32, #tpu.memory_space<hbm>>
      tpu.enqueue_indirect_dma source(%dma_start3A_140 : memref<2048x144xf32, #tpu.memory_space<hbm>>) target(%arg8 : memref<128x144xf32, #tpu.memory_space<vmem>>) offsets(%dma_start3A_137 : memref<128xi32, #tpu.memory_space<vmem>>) semaphore(%arg11 : memref<!tpu.dma_semaphore, #tpu.memory_space<semaphore_mem>>)
    }
    %scan3A_33 = arith.constant 3 : i32
    %dma_wait3A = arith.constant 0 : i32
    %dma_wait3A_34 = arith.constant 0 : i32
    %dma_wait3A_35 = arith.constant 0 : i32
    %dma_wait3A_36 = tpu.memref_slice %arg5[%dma_wait3A, %dma_wait3A_34, %dma_wait3A_35] : memref<2x2x128xi32, #tpu.memory_space<vmem>> -> memref<1x1x128xi32, #tpu.memory_space<vmem>>
    %dma_wait3A_37 = tpu.memref_squeeze %dma_wait3A_36 : memref<1x1x128xi32, #tpu.memory_space<vmem>> -> memref<128xi32, #tpu.memory_space<vmem>>
    %dma_wait3A_38 = arith.constant 0 : i32
    %dma_wait3A_39 = arith.constant 0 : i32
    %dma_wait3A_40 = tpu.memref_slice %arg2[%dma_wait3A_38, %dma_wait3A_39] : memref<2048x144xf32, #tpu.memory_space<hbm>> -> memref<2048x144xf32, #tpu.memory_space<hbm>>
    tpu.wait_indirect_dma semaphore(%arg10 : memref<!tpu.dma_semaphore, #tpu.memory_space<semaphore_mem>>) src(%dma_wait3A_40 : memref<2048x144xf32, #tpu.memory_space<hbm>>) dst(%arg7 : memref<128x144xf32, #tpu.memory_space<vmem>>)
    %run_scoped3A_41 = arith.constant 0 : i32
    %run_scoped3A_42 = arith.constant 1 : i32
    "tpu.region"() ({
      %run_scoped3A_60 = tpu.sem_alloc : memref<!tpu.dma_semaphore, #tpu.memory_space<semaphore_mem>>
      %dma_start3A_61 = arith.constant 0 : i32
      %dma_start3A_62 = tpu.memref_slice %arg5[%run_scoped3A_41, %run_scoped3A_42, %dma_start3A_61] : memref<2x2x128xi32, #tpu.memory_space<vmem>> -> memref<1x1x128xi32, #tpu.memory_space<vmem>>
      %dma_start3A_63 = tpu.memref_squeeze %dma_start3A_62 : memref<1x1x128xi32, #tpu.memory_space<vmem>> -> memref<128xi32, #tpu.memory_space<vmem>>
      %dma_start3A_64 = arith.constant 0 : i32
      %dma_start3A_65 = arith.constant 0 : i32
      %dma_start3A_66 = tpu.memref_slice %arg9[%dma_start3A_64, %dma_start3A_65] : memref<10240x144xf32, #tpu.memory_space<vmem_shared>> -> memref<10240x144xf32, #tpu.memory_space<vmem_shared>>
      tpu.enqueue_indirect_dma source(%arg7 : memref<128x144xf32, #tpu.memory_space<vmem>>) target(%dma_start3A_66 : memref<10240x144xf32, #tpu.memory_space<vmem_shared>>) offsets(%dma_start3A_63 : memref<128xi32, #tpu.memory_space<vmem>>) semaphore(%run_scoped3A_60 : memref<!tpu.dma_semaphore, #tpu.memory_space<semaphore_mem>>) {add = true}
      %dma_wait3A_67 = arith.constant 0 : i32
      %dma_wait3A_68 = tpu.memref_slice %arg5[%run_scoped3A_41, %run_scoped3A_42, %dma_wait3A_67] : memref<2x2x128xi32, #tpu.memory_space<vmem>> -> memref<1x1x128xi32, #tpu.memory_space<vmem>>
      %dma_wait3A_69 = tpu.memref_squeeze %dma_wait3A_68 : memref<1x1x128xi32, #tpu.memory_space<vmem>> -> memref<128xi32, #tpu.memory_space<vmem>>
      %dma_wait3A_70 = arith.constant 0 : i32
      %dma_wait3A_71 = arith.constant 0 : i32
      %dma_wait3A_72 = tpu.memref_slice %arg9[%dma_wait3A_70, %dma_wait3A_71] : memref<10240x144xf32, #tpu.memory_space<vmem_shared>> -> memref<10240x144xf32, #tpu.memory_space<vmem_shared>>
      tpu.wait_indirect_dma semaphore(%run_scoped3A_60 : memref<!tpu.dma_semaphore, #tpu.memory_space<semaphore_mem>>) src(%arg7 : memref<128x144xf32, #tpu.memory_space<vmem>>) dst(%dma_wait3A_72 : memref<10240x144xf32, #tpu.memory_space<vmem_shared>>)
      tpu.yield
    }) : () -> ()
    %dma_wait3A_43 = arith.constant 1 : i32
    %dma_wait3A_44 = arith.constant 0 : i32
    %dma_wait3A_45 = arith.constant 0 : i32
    %dma_wait3A_46 = tpu.memref_slice %arg5[%dma_wait3A_43, %dma_wait3A_44, %dma_wait3A_45] : memref<2x2x128xi32, #tpu.memory_space<vmem>> -> memref<1x1x128xi32, #tpu.memory_space<vmem>>
    %dma_wait3A_47 = tpu.memref_squeeze %dma_wait3A_46 : memref<1x1x128xi32, #tpu.memory_space<vmem>> -> memref<128xi32, #tpu.memory_space<vmem>>
    %dma_wait3A_48 = arith.constant 0 : i32
    %dma_wait3A_49 = arith.constant 0 : i32
    %dma_wait3A_50 = tpu.memref_slice %arg2[%dma_wait3A_48, %dma_wait3A_49] : memref<2048x144xf32, #tpu.memory_space<hbm>> -> memref<2048x144xf32, #tpu.memory_space<hbm>>
    tpu.wait_indirect_dma semaphore(%arg11 : memref<!tpu.dma_semaphore, #tpu.memory_space<semaphore_mem>>) src(%dma_wait3A_50 : memref<2048x144xf32, #tpu.memory_space<hbm>>) dst(%arg8 : memref<128x144xf32, #tpu.memory_space<vmem>>)
    %run_scoped3A_51 = arith.constant 1 : i32
    %run_scoped3A_52 = arith.constant 1 : i32
    "tpu.region"() ({
      %run_scoped3A_60 = tpu.sem_alloc : memref<!tpu.dma_semaphore, #tpu.memory_space<semaphore_mem>>
      %dma_start3A_61 = arith.constant 0 : i32
      %dma_start3A_62 = tpu.memref_slice %arg5[%run_scoped3A_51, %run_scoped3A_52, %dma_start3A_61] : memref<2x2x128xi32, #tpu.memory_space<vmem>> -> memref<1x1x128xi32, #tpu.memory_space<vmem>>
      %dma_start3A_63 = tpu.memref_squeeze %dma_start3A_62 : memref<1x1x128xi32, #tpu.memory_space<vmem>> -> memref<128xi32, #tpu.memory_space<vmem>>
      %dma_start3A_64 = arith.constant 0 : i32
      %dma_start3A_65 = arith.constant 0 : i32
      %dma_start3A_66 = tpu.memref_slice %arg9[%dma_start3A_64, %dma_start3A_65] : memref<10240x144xf32, #tpu.memory_space<vmem_shared>> -> memref<10240x144xf32, #tpu.memory_space<vmem_shared>>
      tpu.enqueue_indirect_dma source(%arg8 : memref<128x144xf32, #tpu.memory_space<vmem>>) target(%dma_start3A_66 : memref<10240x144xf32, #tpu.memory_space<vmem_shared>>) offsets(%dma_start3A_63 : memref<128xi32, #tpu.memory_space<vmem>>) semaphore(%run_scoped3A_60 : memref<!tpu.dma_semaphore, #tpu.memory_space<semaphore_mem>>) {add = true}
      %dma_wait3A_67 = arith.constant 0 : i32
      %dma_wait3A_68 = tpu.memref_slice %arg5[%run_scoped3A_51, %run_scoped3A_52, %dma_wait3A_67] : memref<2x2x128xi32, #tpu.memory_space<vmem>> -> memref<1x1x128xi32, #tpu.memory_space<vmem>>
      %dma_wait3A_69 = tpu.memref_squeeze %dma_wait3A_68 : memref<1x1x128xi32, #tpu.memory_space<vmem>> -> memref<128xi32, #tpu.memory_space<vmem>>
      %dma_wait3A_70 = arith.constant 0 : i32
      %dma_wait3A_71 = arith.constant 0 : i32
      %dma_wait3A_72 = tpu.memref_slice %arg9[%dma_wait3A_70, %dma_wait3A_71] : memref<10240x144xf32, #tpu.memory_space<vmem_shared>> -> memref<10240x144xf32, #tpu.memory_space<vmem_shared>>
      tpu.wait_indirect_dma semaphore(%run_scoped3A_60 : memref<!tpu.dma_semaphore, #tpu.memory_space<semaphore_mem>>) src(%arg8 : memref<128x144xf32, #tpu.memory_space<vmem>>) dst(%dma_wait3A_72 : memref<10240x144xf32, #tpu.memory_space<vmem_shared>>)
      tpu.yield
    }) : () -> ()
    %barrier3A_53 = arith.constant 0 : index
    tpu.barrier barrier_id(%barrier3A_53)
    %scan3A_54 = arith.constant 0 : i32
    %scan3A_55 = arith.constant 0 : i32
    %scan3A_56 = arith.constant 5 : i32
    %scan3A_57 = arith.addi %scan3A_55, %scan3A_56 : i32
    %scan3A_58 = arith.constant 1 : i32
    scf.for %scan3A_60 = %scan3A_55 to %scan3A_57 step %scan3A_58  : i32 {
      %mul3A_61 = arith.constant 128 : i32
      %mul3A_62 = arith.muli %scan3A_60, %mul3A_61 : i32
      %add3A_63 = arith.addi %mul3A_2, %mul3A_62 : i32
      %mul3A_64 = arith.constant 128 : i32
      %mul3A_65 = arith.muli %scan3A_60, %mul3A_64 : i32
      %add3A_66 = arith.addi %mul3A_2, %mul3A_65 : i32
      "tpu.region"() ({
        %run_scoped3A_67 = tpu.sem_alloc : memref<!tpu.dma_semaphore, #tpu.memory_space<semaphore_mem>>
        %dma_start3A_68 = arith.constant 0 : i32
        %dma_start3A_69 = tpu.memref_slice %arg4[%arg0, %add3A_66, %dma_start3A_68] : memref<2x10240x144xf32, #tpu.memory_space<hbm>> -> memref<1x128x144xf32, #tpu.memory_space<hbm>>
        %dma_start3A_70 = tpu.memref_squeeze %dma_start3A_69 : memref<1x128x144xf32, #tpu.memory_space<hbm>> -> memref<128x144xf32, #tpu.memory_space<hbm>>
        %dma_start3A_71 = arith.constant 0 : i32
        %dma_start3A_72 = tpu.memref_slice %arg9[%add3A_63, %dma_start3A_71] : memref<10240x144xf32, #tpu.memory_space<vmem_shared>> -> memref<128x144xf32, #tpu.memory_space<vmem_shared>>
        tpu.enqueue_dma source(%dma_start3A_72 : memref<128x144xf32, #tpu.memory_space<vmem_shared>>) target(%dma_start3A_70 : memref<128x144xf32, #tpu.memory_space<hbm>>) target_semaphore(%run_scoped3A_67 : memref<!tpu.dma_semaphore, #tpu.memory_space<semaphore_mem>>)
        %dma_wait3A_73 = arith.constant 0 : i32
        %dma_wait3A_74 = tpu.memref_slice %arg4[%arg0, %add3A_66, %dma_wait3A_73] : memref<2x10240x144xf32, #tpu.memory_space<hbm>> -> memref<1x128x144xf32, #tpu.memory_space<hbm>>
        %dma_wait3A_75 = tpu.memref_squeeze %dma_wait3A_74 : memref<1x128x144xf32, #tpu.memory_space<hbm>> -> memref<128x144xf32, #tpu.memory_space<hbm>>
        %dma_wait3A_76 = arith.constant 0 : i32
        %dma_wait3A_77 = tpu.memref_slice %arg9[%add3A_63, %dma_wait3A_76] : memref<10240x144xf32, #tpu.memory_space<vmem_shared>> -> memref<128x144xf32, #tpu.memory_space<vmem_shared>>
        tpu.wait_dma2 semaphore(%run_scoped3A_67 : memref<!tpu.dma_semaphore, #tpu.memory_space<semaphore_mem>>) src(%dma_wait3A_77 : memref<128x144xf32, #tpu.memory_space<vmem_shared>>) dst(%dma_wait3A_75 : memref<128x144xf32, #tpu.memory_space<hbm>>)
        tpu.yield
      }) : () -> ()
    }
    %scan3A_59 = arith.constant 5 : i32
    return
  }
}

#map = affine_map<(d0, d1) -> (0, 0)>
#map1 = affine_map<(d0, d1) -> (0, 0, 0, 0, 0)>
#map2 = affine_map<(d0, d1) -> (0, 0, 0)>
module attributes {stable_mosaic.version = 14 : i64} {
  func.func @k(%arg0: i32, %arg1: i32, %arg2: memref<10240x144xf32, #tpu.memory_space<hbm>>, %arg3: memref<32x7x2x2x128xi32, #tpu.memory_space<hbm>>, %arg4: memref<2x2048x144xf32, #tpu.memory_space<hbm>>, %arg5: memref<2x2x128xi32, #tpu.memory_space<vmem>>, %arg6: memref<2x2x128xi32, #tpu.memory_space<vmem>>, %arg7: memref<128x144xf32, #tpu.memory_space<vmem>>, %arg8: memref<128x144xf32, #tpu.memory_space<vmem>>, %arg9: memref<2048x144xf32, #tpu.memory_space<vmem_shared>>, %arg10: memref<!tpu.dma_semaphore, #tpu.memory_space<semaphore_mem>>, %arg11: memref<!tpu.dma_semaphore, #tpu.memory_space<semaphore_mem>>) attributes {dimension_semantics = [#tpu.dimension_semantics<core_parallel>, #tpu.dimension_semantics<subcore_parallel>], iteration_bounds = array<i64: 2, 16>, scalar_prefetch = 0 : i64, scratch_operands = 7 : i64, tpu.core_type = #tpu.core_type<sc_vector_subcore>, window_params = [{transform_indices = #map}, {transform_indices = #map1}, {transform_indices = #map2}]} {
    %mul3A = arith.constant 2 : i32
    %mul3A_0 = arith.muli %arg1, %mul3A : i32
    %add3A = arith.addi %mul3A_0, %arg0 : i32
    %mul3A_1 = arith.constant 128 : i32
    %mul3A_2 = arith.muli %arg1, %mul3A_1 : i32
    %run_scoped3A = arith.constant 0 : i32
    "tpu.region"() ({
      %run_scoped3A_63 = tpu.sem_alloc : memref<!tpu.dma_semaphore, #tpu.memory_space<semaphore_mem>>
      %dma_start3A_64 = arith.constant 0 : i32
      %dma_start3A_65 = arith.constant 0 : i32
      %dma_start3A_66 = arith.constant 0 : i32
      %dma_start3A_67 = tpu.memref_slice %arg3[%add3A, %run_scoped3A, %dma_start3A_64, %dma_start3A_65, %dma_start3A_66] : memref<32x7x2x2x128xi32, #tpu.memory_space<hbm>> -> memref<1x1x2x2x128xi32, #tpu.memory_space<hbm>>
      %dma_start3A_68 = tpu.memref_squeeze %dma_start3A_67 : memref<1x1x2x2x128xi32, #tpu.memory_space<hbm>> -> memref<2x2x128xi32, #tpu.memory_space<hbm>>
      %dma_start3A_69 = arith.constant 0 : i32
      %dma_start3A_70 = arith.constant 0 : i32
      %dma_start3A_71 = arith.constant 0 : i32
      %dma_start3A_72 = tpu.memref_slice %arg3[%add3A, %run_scoped3A, %dma_start3A_69, %dma_start3A_70, %dma_start3A_71] : memref<32x7x2x2x128xi32, #tpu.memory_space<hbm>> -> memref<1x1x2x2x128xi32, #tpu.memory_space<hbm>>
      %dma_start3A_73 = tpu.memref_squeeze %dma_start3A_72 : memref<1x1x2x2x128xi32, #tpu.memory_space<hbm>> -> memref<2x2x128xi32, #tpu.memory_space<hbm>>
      tpu.enqueue_dma source(%dma_start3A_73 : memref<2x2x128xi32, #tpu.memory_space<hbm>>) target(%arg5 : memref<2x2x128xi32, #tpu.memory_space<vmem>>) target_semaphore(%run_scoped3A_63 : memref<!tpu.dma_semaphore, #tpu.memory_space<semaphore_mem>>)
      %dma_wait3A_74 = arith.constant 0 : i32
      %dma_wait3A_75 = arith.constant 0 : i32
      %dma_wait3A_76 = arith.constant 0 : i32
      %dma_wait3A_77 = tpu.memref_slice %arg3[%add3A, %run_scoped3A, %dma_wait3A_74, %dma_wait3A_75, %dma_wait3A_76] : memref<32x7x2x2x128xi32, #tpu.memory_space<hbm>> -> memref<1x1x2x2x128xi32, #tpu.memory_space<hbm>>
      %dma_wait3A_78 = tpu.memref_squeeze %dma_wait3A_77 : memref<1x1x2x2x128xi32, #tpu.memory_space<hbm>> -> memref<2x2x128xi32, #tpu.memory_space<hbm>>
      %dma_wait3A_79 = arith.constant 0 : i32
      %dma_wait3A_80 = arith.constant 0 : i32
      %dma_wait3A_81 = arith.constant 0 : i32
      %dma_wait3A_82 = tpu.memref_slice %arg3[%add3A, %run_scoped3A, %dma_wait3A_79, %dma_wait3A_80, %dma_wait3A_81] : memref<32x7x2x2x128xi32, #tpu.memory_space<hbm>> -> memref<1x1x2x2x128xi32, #tpu.memory_space<hbm>>
      %dma_wait3A_83 = tpu.memref_squeeze %dma_wait3A_82 : memref<1x1x2x2x128xi32, #tpu.memory_space<hbm>> -> memref<2x2x128xi32, #tpu.memory_space<hbm>>
      tpu.wait_dma2 semaphore(%run_scoped3A_63 : memref<!tpu.dma_semaphore, #tpu.memory_space<semaphore_mem>>) src(%dma_wait3A_83 : memref<2x2x128xi32, #tpu.memory_space<hbm>>) dst(%arg5 : memref<2x2x128xi32, #tpu.memory_space<vmem>>)
      tpu.yield
    }) : () -> ()
    %scan3A = arith.constant 0 : i32
    %scan3A_3 = arith.constant 0 : i32
    %scan3A_4 = arith.constant 128 : i32
    %scan3A_5 = arith.addi %scan3A_3, %scan3A_4 : i32
    %scan3A_6 = arith.constant 1 : i32
    scf.for %scan3A_63 = %scan3A_3 to %scan3A_5 step %scan3A_6  : i32 {
      %scan3A_64 = arith.constant 0 : i32
      %scan3A_65 = arith.constant 9 : i32
      %scan3A_66 = arith.addi %scan3A_64, %scan3A_65 : i32
      %scan3A_67 = arith.constant 1 : i32
      scf.for %scan3A_69 = %scan3A_64 to %scan3A_66 step %scan3A_67  : i32 {
        %broadcast_in_dim3A = arith.constant 0.000000e+00 : f32
        %broadcast_in_dim3A_70 = vector.broadcast %broadcast_in_dim3A : f32 to vector<16xf32>
        %mul3A_71 = arith.constant 16 : i32
        %mul3A_72 = arith.muli %scan3A_69, %mul3A_71 : i32
        %swap3A = arith.index_cast %scan3A_63 : i32 to index
        %swap3A_73 = arith.index_cast %mul3A_72 : i32 to index
        %swap3A_74 = tpu.vector_load %arg7[%swap3A, %swap3A_73] {strides = array<i32>} : memref<128x144xf32, #tpu.memory_space<vmem>>, vector<1x16xf32>,
        %swap3A_75 = vector.shape_cast %swap3A_74 : vector<1x16xf32> to vector<16xf32>
        %swap3A_76 = vector.shape_cast %broadcast_in_dim3A_70 : vector<16xf32> to vector<1x16xf32>
        tpu.vector_store %arg7[%swap3A, %swap3A_73], %swap3A_76 {strides = array<i32>} : memref<128x144xf32, #tpu.memory_space<vmem>>, vector<1x16xf32>,
      }
      %scan3A_68 = arith.constant 9 : i32
    }
    %scan3A_7 = arith.constant 128 : i32
    %scan3A_8 = arith.constant 0 : i32
    %scan3A_9 = arith.constant 0 : i32
    %mul3A_10 = arith.constant 128 : i32
    %mul3A_11 = arith.muli %scan3A_9, %mul3A_10 : i32
    %add3A_12 = arith.addi %mul3A_2, %mul3A_11 : i32
    "tpu.region"() ({
      %run_scoped3A_63 = tpu.sem_alloc : memref<!tpu.dma_semaphore, #tpu.memory_space<semaphore_mem>>
      %dma_start3A_64 = arith.constant 0 : i32
      %dma_start3A_65 = tpu.memref_slice %arg9[%add3A_12, %dma_start3A_64] : memref<2048x144xf32, #tpu.memory_space<vmem_shared>> -> memref<128x144xf32, #tpu.memory_space<vmem_shared>>
      %dma_start3A_66 = arith.constant 0 : i32
      %dma_start3A_67 = tpu.memref_slice %arg9[%add3A_12, %dma_start3A_66] : memref<2048x144xf32, #tpu.memory_space<vmem_shared>> -> memref<128x144xf32, #tpu.memory_space<vmem_shared>>
      tpu.enqueue_dma source(%arg7 : memref<128x144xf32, #tpu.memory_space<vmem>>) target(%dma_start3A_67 : memref<128x144xf32, #tpu.memory_space<vmem_shared>>) target_semaphore(%run_scoped3A_63 : memref<!tpu.dma_semaphore, #tpu.memory_space<semaphore_mem>>)
      %dma_wait3A_68 = arith.constant 0 : i32
      %dma_wait3A_69 = tpu.memref_slice %arg9[%add3A_12, %dma_wait3A_68] : memref<2048x144xf32, #tpu.memory_space<vmem_shared>> -> memref<128x144xf32, #tpu.memory_space<vmem_shared>>
      %dma_wait3A_70 = arith.constant 0 : i32
      %dma_wait3A_71 = tpu.memref_slice %arg9[%add3A_12, %dma_wait3A_70] : memref<2048x144xf32, #tpu.memory_space<vmem_shared>> -> memref<128x144xf32, #tpu.memory_space<vmem_shared>>
      tpu.wait_dma2 semaphore(%run_scoped3A_63 : memref<!tpu.dma_semaphore, #tpu.memory_space<semaphore_mem>>) src(%arg7 : memref<128x144xf32, #tpu.memory_space<vmem>>) dst(%dma_wait3A_71 : memref<128x144xf32, #tpu.memory_space<vmem_shared>>)
      tpu.yield
    }) : () -> ()
    %scan3A_13 = arith.constant 1 : i32
    %dma_start3A = arith.constant 0 : i32
    %dma_start3A_14 = arith.constant 0 : i32
    %dma_start3A_15 = arith.constant 0 : i32
    %dma_start3A_16 = tpu.memref_slice %arg5[%dma_start3A, %dma_start3A_14, %dma_start3A_15] : memref<2x2x128xi32, #tpu.memory_space<vmem>> -> memref<1x1x128xi32, #tpu.memory_space<vmem>>
    %dma_start3A_17 = tpu.memref_squeeze %dma_start3A_16 : memref<1x1x128xi32, #tpu.memory_space<vmem>> -> memref<128xi32, #tpu.memory_space<vmem>>
    %dma_start3A_18 = arith.constant 0 : i32
    %dma_start3A_19 = arith.constant 0 : i32
    %dma_start3A_20 = tpu.memref_slice %arg2[%dma_start3A_18, %dma_start3A_19] : memref<10240x144xf32, #tpu.memory_space<hbm>> -> memref<10240x144xf32, #tpu.memory_space<hbm>>
    tpu.enqueue_indirect_dma source(%dma_start3A_20 : memref<10240x144xf32, #tpu.memory_space<hbm>>) target(%arg7 : memref<128x144xf32, #tpu.memory_space<vmem>>) offsets(%dma_start3A_17 : memref<128xi32, #tpu.memory_space<vmem>>) semaphore(%arg10 : memref<!tpu.dma_semaphore, #tpu.memory_space<semaphore_mem>>)
    %dma_start3A_21 = arith.constant 1 : i32
    %dma_start3A_22 = arith.constant 0 : i32
    %dma_start3A_23 = arith.constant 0 : i32
    %dma_start3A_24 = tpu.memref_slice %arg5[%dma_start3A_21, %dma_start3A_22, %dma_start3A_23] : memref<2x2x128xi32, #tpu.memory_space<vmem>> -> memref<1x1x128xi32, #tpu.memory_space<vmem>>
    %dma_start3A_25 = tpu.memref_squeeze %dma_start3A_24 : memref<1x1x128xi32, #tpu.memory_space<vmem>> -> memref<128xi32, #tpu.memory_space<vmem>>
    %dma_start3A_26 = arith.constant 0 : i32
    %dma_start3A_27 = arith.constant 0 : i32
    %dma_start3A_28 = tpu.memref_slice %arg2[%dma_start3A_26, %dma_start3A_27] : memref<10240x144xf32, #tpu.memory_space<hbm>> -> memref<10240x144xf32, #tpu.memory_space<hbm>>
    tpu.enqueue_indirect_dma source(%dma_start3A_28 : memref<10240x144xf32, #tpu.memory_space<hbm>>) target(%arg8 : memref<128x144xf32, #tpu.memory_space<vmem>>) offsets(%dma_start3A_25 : memref<128xi32, #tpu.memory_space<vmem>>) semaphore(%arg11 : memref<!tpu.dma_semaphore, #tpu.memory_space<semaphore_mem>>)
    %barrier3A = arith.constant 0 : index
    tpu.barrier barrier_id(%barrier3A)
    %scan3A_29 = arith.constant 0 : i32
    %scan3A_30 = arith.constant 3 : i32
    %scan3A_31 = arith.addi %scan3A_29, %scan3A_30 : i32
    %scan3A_32 = arith.constant 1 : i32
    scf.for %scan3A_63 = %scan3A_29 to %scan3A_31 step %scan3A_32  : i32 {
      %mul3A_64 = arith.constant 2 : i32
      %mul3A_65 = arith.muli %scan3A_63, %mul3A_64 : i32
      %add3A_66 = arith.constant 0 : i32
      %add3A_67 = arith.addi %add3A_66, %mul3A_65 : i32
      %add3A_68 = arith.constant 1 : i32
      %add3A_69 = arith.addi %add3A_67, %add3A_68 : i32
      "tpu.region"() ({
        %run_scoped3A_144 = tpu.sem_alloc : memref<!tpu.dma_semaphore, #tpu.memory_space<semaphore_mem>>
        %dma_start3A_145 = arith.constant 0 : i32
        %dma_start3A_146 = arith.constant 0 : i32
        %dma_start3A_147 = arith.constant 0 : i32
        %dma_start3A_148 = tpu.memref_slice %arg3[%add3A, %add3A_69, %dma_start3A_145, %dma_start3A_146, %dma_start3A_147] : memref<32x7x2x2x128xi32, #tpu.memory_space<hbm>> -> memref<1x1x2x2x128xi32, #tpu.memory_space<hbm>>
        %dma_start3A_149 = tpu.memref_squeeze %dma_start3A_148 : memref<1x1x2x2x128xi32, #tpu.memory_space<hbm>> -> memref<2x2x128xi32, #tpu.memory_space<hbm>>
        %dma_start3A_150 = arith.constant 0 : i32
        %dma_start3A_151 = arith.constant 0 : i32
        %dma_start3A_152 = arith.constant 0 : i32
        %dma_start3A_153 = tpu.memref_slice %arg3[%add3A, %add3A_69, %dma_start3A_150, %dma_start3A_151, %dma_start3A_152] : memref<32x7x2x2x128xi32, #tpu.memory_space<hbm>> -> memref<1x1x2x2x128xi32, #tpu.memory_space<hbm>>
        %dma_start3A_154 = tpu.memref_squeeze %dma_start3A_153 : memref<1x1x2x2x128xi32, #tpu.memory_space<hbm>> -> memref<2x2x128xi32, #tpu.memory_space<hbm>>
        tpu.enqueue_dma source(%dma_start3A_154 : memref<2x2x128xi32, #tpu.memory_space<hbm>>) target(%arg6 : memref<2x2x128xi32, #tpu.memory_space<vmem>>) target_semaphore(%run_scoped3A_144 : memref<!tpu.dma_semaphore, #tpu.memory_space<semaphore_mem>>)
        %dma_wait3A_155 = arith.constant 0 : i32
        %dma_wait3A_156 = arith.constant 0 : i32
        %dma_wait3A_157 = arith.constant 0 : i32
        %dma_wait3A_158 = tpu.memref_slice %arg3[%add3A, %add3A_69, %dma_wait3A_155, %dma_wait3A_156, %dma_wait3A_157] : memref<32x7x2x2x128xi32, #tpu.memory_space<hbm>> -> memref<1x1x2x2x128xi32, #tpu.memory_space<hbm>>
        %dma_wait3A_159 = tpu.memref_squeeze %dma_wait3A_158 : memref<1x1x2x2x128xi32, #tpu.memory_space<hbm>> -> memref<2x2x128xi32, #tpu.memory_space<hbm>>
        %dma_wait3A_160 = arith.constant 0 : i32
        %dma_wait3A_161 = arith.constant 0 : i32
        %dma_wait3A_162 = arith.constant 0 : i32
        %dma_wait3A_163 = tpu.memref_slice %arg3[%add3A, %add3A_69, %dma_wait3A_160, %dma_wait3A_161, %dma_wait3A_162] : memref<32x7x2x2x128xi32, #tpu.memory_space<hbm>> -> memref<1x1x2x2x128xi32, #tpu.memory_space<hbm>>
        %dma_wait3A_164 = tpu.memref_squeeze %dma_wait3A_163 : memref<1x1x2x2x128xi32, #tpu.memory_space<hbm>> -> memref<2x2x128xi32, #tpu.memory_space<hbm>>
        tpu.wait_dma2 semaphore(%run_scoped3A_144 : memref<!tpu.dma_semaphore, #tpu.memory_space<semaphore_mem>>) src(%dma_wait3A_164 : memref<2x2x128xi32, #tpu.memory_space<hbm>>) dst(%arg6 : memref<2x2x128xi32, #tpu.memory_space<vmem>>)
        tpu.yield
      }) : () -> ()
      %dma_wait3A_70 = arith.constant 0 : i32
      %dma_wait3A_71 = arith.constant 0 : i32
      %dma_wait3A_72 = arith.constant 0 : i32
      %dma_wait3A_73 = tpu.memref_slice %arg5[%dma_wait3A_70, %dma_wait3A_71, %dma_wait3A_72] : memref<2x2x128xi32, #tpu.memory_space<vmem>> -> memref<1x1x128xi32, #tpu.memory_space<vmem>>
      %dma_wait3A_74 = tpu.memref_squeeze %dma_wait3A_73 : memref<1x1x128xi32, #tpu.memory_space<vmem>> -> memref<128xi32, #tpu.memory_space<vmem>>
      %dma_wait3A_75 = arith.constant 0 : i32
      %dma_wait3A_76 = arith.constant 0 : i32
      %dma_wait3A_77 = tpu.memref_slice %arg2[%dma_wait3A_75, %dma_wait3A_76] : memref<10240x144xf32, #tpu.memory_space<hbm>> -> memref<10240x144xf32, #tpu.memory_space<hbm>>
      tpu.wait_indirect_dma semaphore(%arg10 : memref<!tpu.dma_semaphore, #tpu.memory_space<semaphore_mem>>) src(%dma_wait3A_77 : memref<10240x144xf32, #tpu.memory_space<hbm>>) dst(%arg7 : memref<128x144xf32, #tpu.memory_space<vmem>>)
      %run_scoped3A_78 = arith.constant 0 : i32
      %run_scoped3A_79 = arith.constant 1 : i32
      "tpu.region"() ({
        %run_scoped3A_144 = tpu.sem_alloc : memref<!tpu.dma_semaphore, #tpu.memory_space<semaphore_mem>>
        %dma_start3A_145 = arith.constant 0 : i32
        %dma_start3A_146 = tpu.memref_slice %arg5[%run_scoped3A_78, %run_scoped3A_79, %dma_start3A_145] : memref<2x2x128xi32, #tpu.memory_space<vmem>> -> memref<1x1x128xi32, #tpu.memory_space<vmem>>
        %dma_start3A_147 = tpu.memref_squeeze %dma_start3A_146 : memref<1x1x128xi32, #tpu.memory_space<vmem>> -> memref<128xi32, #tpu.memory_space<vmem>>
        %dma_start3A_148 = arith.constant 0 : i32
        %dma_start3A_149 = arith.constant 0 : i32
        %dma_start3A_150 = tpu.memref_slice %arg9[%dma_start3A_148, %dma_start3A_149] : memref<2048x144xf32, #tpu.memory_space<vmem_shared>> -> memref<2048x144xf32, #tpu.memory_space<vmem_shared>>
        tpu.enqueue_indirect_dma source(%arg7 : memref<128x144xf32, #tpu.memory_space<vmem>>) target(%dma_start3A_150 : memref<2048x144xf32, #tpu.memory_space<vmem_shared>>) offsets(%dma_start3A_147 : memref<128xi32, #tpu.memory_space<vmem>>) semaphore(%run_scoped3A_144 : memref<!tpu.dma_semaphore, #tpu.memory_space<semaphore_mem>>) {add = true}
        %dma_wait3A_151 = arith.constant 0 : i32
        %dma_wait3A_152 = tpu.memref_slice %arg5[%run_scoped3A_78, %run_scoped3A_79, %dma_wait3A_151] : memref<2x2x128xi32, #tpu.memory_space<vmem>> -> memref<1x1x128xi32, #tpu.memory_space<vmem>>
        %dma_wait3A_153 = tpu.memref_squeeze %dma_wait3A_152 : memref<1x1x128xi32, #tpu.memory_space<vmem>> -> memref<128xi32, #tpu.memory_space<vmem>>
        %dma_wait3A_154 = arith.constant 0 : i32
        %dma_wait3A_155 = arith.constant 0 : i32
        %dma_wait3A_156 = tpu.memref_slice %arg9[%dma_wait3A_154, %dma_wait3A_155] : memref<2048x144xf32, #tpu.memory_space<vmem_shared>> -> memref<2048x144xf32, #tpu.memory_space<vmem_shared>>
        tpu.wait_indirect_dma semaphore(%run_scoped3A_144 : memref<!tpu.dma_semaphore, #tpu.memory_space<semaphore_mem>>) src(%arg7 : memref<128x144xf32, #tpu.memory_space<vmem>>) dst(%dma_wait3A_156 : memref<2048x144xf32, #tpu.memory_space<vmem_shared>>)
        tpu.yield
      }) : () -> ()
      %dma_start3A_80 = arith.constant 0 : i32
      %dma_start3A_81 = arith.constant 0 : i32
      %dma_start3A_82 = arith.constant 0 : i32
      %dma_start3A_83 = tpu.memref_slice %arg6[%dma_start3A_80, %dma_start3A_81, %dma_start3A_82] : memref<2x2x128xi32, #tpu.memory_space<vmem>> -> memref<1x1x128xi32, #tpu.memory_space<vmem>>
      %dma_start3A_84 = tpu.memref_squeeze %dma_start3A_83 : memref<1x1x128xi32, #tpu.memory_space<vmem>> -> memref<128xi32, #tpu.memory_space<vmem>>
      %dma_start3A_85 = arith.constant 0 : i32
      %dma_start3A_86 = arith.constant 0 : i32
      %dma_start3A_87 = tpu.memref_slice %arg2[%dma_start3A_85, %dma_start3A_86] : memref<10240x144xf32, #tpu.memory_space<hbm>> -> memref<10240x144xf32, #tpu.memory_space<hbm>>
      tpu.enqueue_indirect_dma source(%dma_start3A_87 : memref<10240x144xf32, #tpu.memory_space<hbm>>) target(%arg7 : memref<128x144xf32, #tpu.memory_space<vmem>>) offsets(%dma_start3A_84 : memref<128xi32, #tpu.memory_space<vmem>>) semaphore(%arg10 : memref<!tpu.dma_semaphore, #tpu.memory_space<semaphore_mem>>)
      %dma_wait3A_88 = arith.constant 1 : i32
      %dma_wait3A_89 = arith.constant 0 : i32
      %dma_wait3A_90 = arith.constant 0 : i32
      %dma_wait3A_91 = tpu.memref_slice %arg5[%dma_wait3A_88, %dma_wait3A_89, %dma_wait3A_90] : memref<2x2x128xi32, #tpu.memory_space<vmem>> -> memref<1x1x128xi32, #tpu.memory_space<vmem>>
      %dma_wait3A_92 = tpu.memref_squeeze %dma_wait3A_91 : memref<1x1x128xi32, #tpu.memory_space<vmem>> -> memref<128xi32, #tpu.memory_space<vmem>>
      %dma_wait3A_93 = arith.constant 0 : i32
      %dma_wait3A_94 = arith.constant 0 : i32
      %dma_wait3A_95 = tpu.memref_slice %arg2[%dma_wait3A_93, %dma_wait3A_94] : memref<10240x144xf32, #tpu.memory_space<hbm>> -> memref<10240x144xf32, #tpu.memory_space<hbm>>
      tpu.wait_indirect_dma semaphore(%arg11 : memref<!tpu.dma_semaphore, #tpu.memory_space<semaphore_mem>>) src(%dma_wait3A_95 : memref<10240x144xf32, #tpu.memory_space<hbm>>) dst(%arg8 : memref<128x144xf32, #tpu.memory_space<vmem>>)
      %run_scoped3A_96 = arith.constant 1 : i32
      %run_scoped3A_97 = arith.constant 1 : i32
      "tpu.region"() ({
        %run_scoped3A_144 = tpu.sem_alloc : memref<!tpu.dma_semaphore, #tpu.memory_space<semaphore_mem>>
        %dma_start3A_145 = arith.constant 0 : i32
        %dma_start3A_146 = tpu.memref_slice %arg5[%run_scoped3A_96, %run_scoped3A_97, %dma_start3A_145] : memref<2x2x128xi32, #tpu.memory_space<vmem>> -> memref<1x1x128xi32, #tpu.memory_space<vmem>>
        %dma_start3A_147 = tpu.memref_squeeze %dma_start3A_146 : memref<1x1x128xi32, #tpu.memory_space<vmem>> -> memref<128xi32, #tpu.memory_space<vmem>>
        %dma_start3A_148 = arith.constant 0 : i32
        %dma_start3A_149 = arith.constant 0 : i32
        %dma_start3A_150 = tpu.memref_slice %arg9[%dma_start3A_148, %dma_start3A_149] : memref<2048x144xf32, #tpu.memory_space<vmem_shared>> -> memref<2048x144xf32, #tpu.memory_space<vmem_shared>>
        tpu.enqueue_indirect_dma source(%arg8 : memref<128x144xf32, #tpu.memory_space<vmem>>) target(%dma_start3A_150 : memref<2048x144xf32, #tpu.memory_space<vmem_shared>>) offsets(%dma_start3A_147 : memref<128xi32, #tpu.memory_space<vmem>>) semaphore(%run_scoped3A_144 : memref<!tpu.dma_semaphore, #tpu.memory_space<semaphore_mem>>) {add = true}
        %dma_wait3A_151 = arith.constant 0 : i32
        %dma_wait3A_152 = tpu.memref_slice %arg5[%run_scoped3A_96, %run_scoped3A_97, %dma_wait3A_151] : memref<2x2x128xi32, #tpu.memory_space<vmem>> -> memref<1x1x128xi32, #tpu.memory_space<vmem>>
        %dma_wait3A_153 = tpu.memref_squeeze %dma_wait3A_152 : memref<1x1x128xi32, #tpu.memory_space<vmem>> -> memref<128xi32, #tpu.memory_space<vmem>>
        %dma_wait3A_154 = arith.constant 0 : i32
        %dma_wait3A_155 = arith.constant 0 : i32
        %dma_wait3A_156 = tpu.memref_slice %arg9[%dma_wait3A_154, %dma_wait3A_155] : memref<2048x144xf32, #tpu.memory_space<vmem_shared>> -> memref<2048x144xf32, #tpu.memory_space<vmem_shared>>
        tpu.wait_indirect_dma semaphore(%run_scoped3A_144 : memref<!tpu.dma_semaphore, #tpu.memory_space<semaphore_mem>>) src(%arg8 : memref<128x144xf32, #tpu.memory_space<vmem>>) dst(%dma_wait3A_156 : memref<2048x144xf32, #tpu.memory_space<vmem_shared>>)
        tpu.yield
      }) : () -> ()
      %dma_start3A_98 = arith.constant 1 : i32
      %dma_start3A_99 = arith.constant 0 : i32
      %dma_start3A_100 = arith.constant 0 : i32
      %dma_start3A_101 = tpu.memref_slice %arg6[%dma_start3A_98, %dma_start3A_99, %dma_start3A_100] : memref<2x2x128xi32, #tpu.memory_space<vmem>> -> memref<1x1x128xi32, #tpu.memory_space<vmem>>
      %dma_start3A_102 = tpu.memref_squeeze %dma_start3A_101 : memref<1x1x128xi32, #tpu.memory_space<vmem>> -> memref<128xi32, #tpu.memory_space<vmem>>
      %dma_start3A_103 = arith.constant 0 : i32
      %dma_start3A_104 = arith.constant 0 : i32
      %dma_start3A_105 = tpu.memref_slice %arg2[%dma_start3A_103, %dma_start3A_104] : memref<10240x144xf32, #tpu.memory_space<hbm>> -> memref<10240x144xf32, #tpu.memory_space<hbm>>
      tpu.enqueue_indirect_dma source(%dma_start3A_105 : memref<10240x144xf32, #tpu.memory_space<hbm>>) target(%arg8 : memref<128x144xf32, #tpu.memory_space<vmem>>) offsets(%dma_start3A_102 : memref<128xi32, #tpu.memory_space<vmem>>) semaphore(%arg11 : memref<!tpu.dma_semaphore, #tpu.memory_space<semaphore_mem>>)
      %add3A_106 = arith.constant 2 : i32
      %add3A_107 = arith.addi %add3A_67, %add3A_106 : i32
      "tpu.region"() ({
        %run_scoped3A_144 = tpu.sem_alloc : memref<!tpu.dma_semaphore, #tpu.memory_space<semaphore_mem>>
        %dma_start3A_145 = arith.constant 0 : i32
        %dma_start3A_146 = arith.constant 0 : i32
        %dma_start3A_147 = arith.constant 0 : i32
        %dma_start3A_148 = tpu.memref_slice %arg3[%add3A, %add3A_107, %dma_start3A_145, %dma_start3A_146, %dma_start3A_147] : memref<32x7x2x2x128xi32, #tpu.memory_space<hbm>> -> memref<1x1x2x2x128xi32, #tpu.memory_space<hbm>>
        %dma_start3A_149 = tpu.memref_squeeze %dma_start3A_148 : memref<1x1x2x2x128xi32, #tpu.memory_space<hbm>> -> memref<2x2x128xi32, #tpu.memory_space<hbm>>
        %dma_start3A_150 = arith.constant 0 : i32
        %dma_start3A_151 = arith.constant 0 : i32
        %dma_start3A_152 = arith.constant 0 : i32
        %dma_start3A_153 = tpu.memref_slice %arg3[%add3A, %add3A_107, %dma_start3A_150, %dma_start3A_151, %dma_start3A_152] : memref<32x7x2x2x128xi32, #tpu.memory_space<hbm>> -> memref<1x1x2x2x128xi32, #tpu.memory_space<hbm>>
        %dma_start3A_154 = tpu.memref_squeeze %dma_start3A_153 : memref<1x1x2x2x128xi32, #tpu.memory_space<hbm>> -> memref<2x2x128xi32, #tpu.memory_space<hbm>>
        tpu.enqueue_dma source(%dma_start3A_154 : memref<2x2x128xi32, #tpu.memory_space<hbm>>) target(%arg5 : memref<2x2x128xi32, #tpu.memory_space<vmem>>) target_semaphore(%run_scoped3A_144 : memref<!tpu.dma_semaphore, #tpu.memory_space<semaphore_mem>>)
        %dma_wait3A_155 = arith.constant 0 : i32
        %dma_wait3A_156 = arith.constant 0 : i32
        %dma_wait3A_157 = arith.constant 0 : i32
        %dma_wait3A_158 = tpu.memref_slice %arg3[%add3A, %add3A_107, %dma_wait3A_155, %dma_wait3A_156, %dma_wait3A_157] : memref<32x7x2x2x128xi32, #tpu.memory_space<hbm>> -> memref<1x1x2x2x128xi32, #tpu.memory_space<hbm>>
        %dma_wait3A_159 = tpu.memref_squeeze %dma_wait3A_158 : memref<1x1x2x2x128xi32, #tpu.memory_space<hbm>> -> memref<2x2x128xi32, #tpu.memory_space<hbm>>
        %dma_wait3A_160 = arith.constant 0 : i32
        %dma_wait3A_161 = arith.constant 0 : i32
        %dma_wait3A_162 = arith.constant 0 : i32
        %dma_wait3A_163 = tpu.memref_slice %arg3[%add3A, %add3A_107, %dma_wait3A_160, %dma_wait3A_161, %dma_wait3A_162] : memref<32x7x2x2x128xi32, #tpu.memory_space<hbm>> -> memref<1x1x2x2x128xi32, #tpu.memory_space<hbm>>
        %dma_wait3A_164 = tpu.memref_squeeze %dma_wait3A_163 : memref<1x1x2x2x128xi32, #tpu.memory_space<hbm>> -> memref<2x2x128xi32, #tpu.memory_space<hbm>>
        tpu.wait_dma2 semaphore(%run_scoped3A_144 : memref<!tpu.dma_semaphore, #tpu.memory_space<semaphore_mem>>) src(%dma_wait3A_164 : memref<2x2x128xi32, #tpu.memory_space<hbm>>) dst(%arg5 : memref<2x2x128xi32, #tpu.memory_space<vmem>>)
        tpu.yield
      }) : () -> ()
      %dma_wait3A_108 = arith.constant 0 : i32
      %dma_wait3A_109 = arith.constant 0 : i32
      %dma_wait3A_110 = arith.constant 0 : i32
      %dma_wait3A_111 = tpu.memref_slice %arg6[%dma_wait3A_108, %dma_wait3A_109, %dma_wait3A_110] : memref<2x2x128xi32, #tpu.memory_space<vmem>> -> memref<1x1x128xi32, #tpu.memory_space<vmem>>
      %dma_wait3A_112 = tpu.memref_squeeze %dma_wait3A_111 : memref<1x1x128xi32, #tpu.memory_space<vmem>> -> memref<128xi32, #tpu.memory_space<vmem>>
      %dma_wait3A_113 = arith.constant 0 : i32
      %dma_wait3A_114 = arith.constant 0 : i32
      %dma_wait3A_115 = tpu.memref_slice %arg2[%dma_wait3A_113, %dma_wait3A_114] : memref<10240x144xf32, #tpu.memory_space<hbm>> -> memref<10240x144xf32, #tpu.memory_space<hbm>>
      tpu.wait_indirect_dma semaphore(%arg10 : memref<!tpu.dma_semaphore, #tpu.memory_space<semaphore_mem>>) src(%dma_wait3A_115 : memref<10240x144xf32, #tpu.memory_space<hbm>>) dst(%arg7 : memref<128x144xf32, #tpu.memory_space<vmem>>)
      %run_scoped3A_116 = arith.constant 0 : i32
      %run_scoped3A_117 = arith.constant 1 : i32
      "tpu.region"() ({
        %run_scoped3A_144 = tpu.sem_alloc : memref<!tpu.dma_semaphore, #tpu.memory_space<semaphore_mem>>
        %dma_start3A_145 = arith.constant 0 : i32
        %dma_start3A_146 = tpu.memref_slice %arg6[%run_scoped3A_116, %run_scoped3A_117, %dma_start3A_145] : memref<2x2x128xi32, #tpu.memory_space<vmem>> -> memref<1x1x128xi32, #tpu.memory_space<vmem>>
        %dma_start3A_147 = tpu.memref_squeeze %dma_start3A_146 : memref<1x1x128xi32, #tpu.memory_space<vmem>> -> memref<128xi32, #tpu.memory_space<vmem>>
        %dma_start3A_148 = arith.constant 0 : i32
        %dma_start3A_149 = arith.constant 0 : i32
        %dma_start3A_150 = tpu.memref_slice %arg9[%dma_start3A_148, %dma_start3A_149] : memref<2048x144xf32, #tpu.memory_space<vmem_shared>> -> memref<2048x144xf32, #tpu.memory_space<vmem_shared>>
        tpu.enqueue_indirect_dma source(%arg7 : memref<128x144xf32, #tpu.memory_space<vmem>>) target(%dma_start3A_150 : memref<2048x144xf32, #tpu.memory_space<vmem_shared>>) offsets(%dma_start3A_147 : memref<128xi32, #tpu.memory_space<vmem>>) semaphore(%run_scoped3A_144 : memref<!tpu.dma_semaphore, #tpu.memory_space<semaphore_mem>>) {add = true}
        %dma_wait3A_151 = arith.constant 0 : i32
        %dma_wait3A_152 = tpu.memref_slice %arg6[%run_scoped3A_116, %run_scoped3A_117, %dma_wait3A_151] : memref<2x2x128xi32, #tpu.memory_space<vmem>> -> memref<1x1x128xi32, #tpu.memory_space<vmem>>
        %dma_wait3A_153 = tpu.memref_squeeze %dma_wait3A_152 : memref<1x1x128xi32, #tpu.memory_space<vmem>> -> memref<128xi32, #tpu.memory_space<vmem>>
        %dma_wait3A_154 = arith.constant 0 : i32
        %dma_wait3A_155 = arith.constant 0 : i32
        %dma_wait3A_156 = tpu.memref_slice %arg9[%dma_wait3A_154, %dma_wait3A_155] : memref<2048x144xf32, #tpu.memory_space<vmem_shared>> -> memref<2048x144xf32, #tpu.memory_space<vmem_shared>>
        tpu.wait_indirect_dma semaphore(%run_scoped3A_144 : memref<!tpu.dma_semaphore, #tpu.memory_space<semaphore_mem>>) src(%arg7 : memref<128x144xf32, #tpu.memory_space<vmem>>) dst(%dma_wait3A_156 : memref<2048x144xf32, #tpu.memory_space<vmem_shared>>)
        tpu.yield
      }) : () -> ()
      %dma_start3A_118 = arith.constant 0 : i32
      %dma_start3A_119 = arith.constant 0 : i32
      %dma_start3A_120 = arith.constant 0 : i32
      %dma_start3A_121 = tpu.memref_slice %arg5[%dma_start3A_118, %dma_start3A_119, %dma_start3A_120] : memref<2x2x128xi32, #tpu.memory_space<vmem>> -> memref<1x1x128xi32, #tpu.memory_space<vmem>>
      %dma_start3A_122 = tpu.memref_squeeze %dma_start3A_121 : memref<1x1x128xi32, #tpu.memory_space<vmem>> -> memref<128xi32, #tpu.memory_space<vmem>>
      %dma_start3A_123 = arith.constant 0 : i32
      %dma_start3A_124 = arith.constant 0 : i32
      %dma_start3A_125 = tpu.memref_slice %arg2[%dma_start3A_123, %dma_start3A_124] : memref<10240x144xf32, #tpu.memory_space<hbm>> -> memref<10240x144xf32, #tpu.memory_space<hbm>>
      tpu.enqueue_indirect_dma source(%dma_start3A_125 : memref<10240x144xf32, #tpu.memory_space<hbm>>) target(%arg7 : memref<128x144xf32, #tpu.memory_space<vmem>>) offsets(%dma_start3A_122 : memref<128xi32, #tpu.memory_space<vmem>>) semaphore(%arg10 : memref<!tpu.dma_semaphore, #tpu.memory_space<semaphore_mem>>)
      %dma_wait3A_126 = arith.constant 1 : i32
      %dma_wait3A_127 = arith.constant 0 : i32
      %dma_wait3A_128 = arith.constant 0 : i32
      %dma_wait3A_129 = tpu.memref_slice %arg6[%dma_wait3A_126, %dma_wait3A_127, %dma_wait3A_128] : memref<2x2x128xi32, #tpu.memory_space<vmem>> -> memref<1x1x128xi32, #tpu.memory_space<vmem>>
      %dma_wait3A_130 = tpu.memref_squeeze %dma_wait3A_129 : memref<1x1x128xi32, #tpu.memory_space<vmem>> -> memref<128xi32, #tpu.memory_space<vmem>>
      %dma_wait3A_131 = arith.constant 0 : i32
      %dma_wait3A_132 = arith.constant 0 : i32
      %dma_wait3A_133 = tpu.memref_slice %arg2[%dma_wait3A_131, %dma_wait3A_132] : memref<10240x144xf32, #tpu.memory_space<hbm>> -> memref<10240x144xf32, #tpu.memory_space<hbm>>
      tpu.wait_indirect_dma semaphore(%arg11 : memref<!tpu.dma_semaphore, #tpu.memory_space<semaphore_mem>>) src(%dma_wait3A_133 : memref<10240x144xf32, #tpu.memory_space<hbm>>) dst(%arg8 : memref<128x144xf32, #tpu.memory_space<vmem>>)
      %run_scoped3A_134 = arith.constant 1 : i32
      %run_scoped3A_135 = arith.constant 1 : i32
      "tpu.region"() ({
        %run_scoped3A_144 = tpu.sem_alloc : memref<!tpu.dma_semaphore, #tpu.memory_space<semaphore_mem>>
        %dma_start3A_145 = arith.constant 0 : i32
        %dma_start3A_146 = tpu.memref_slice %arg6[%run_scoped3A_134, %run_scoped3A_135, %dma_start3A_145] : memref<2x2x128xi32, #tpu.memory_space<vmem>> -> memref<1x1x128xi32, #tpu.memory_space<vmem>>
        %dma_start3A_147 = tpu.memref_squeeze %dma_start3A_146 : memref<1x1x128xi32, #tpu.memory_space<vmem>> -> memref<128xi32, #tpu.memory_space<vmem>>
        %dma_start3A_148 = arith.constant 0 : i32
        %dma_start3A_149 = arith.constant 0 : i32
        %dma_start3A_150 = tpu.memref_slice %arg9[%dma_start3A_148, %dma_start3A_149] : memref<2048x144xf32, #tpu.memory_space<vmem_shared>> -> memref<2048x144xf32, #tpu.memory_space<vmem_shared>>
        tpu.enqueue_indirect_dma source(%arg8 : memref<128x144xf32, #tpu.memory_space<vmem>>) target(%dma_start3A_150 : memref<2048x144xf32, #tpu.memory_space<vmem_shared>>) offsets(%dma_start3A_147 : memref<128xi32, #tpu.memory_space<vmem>>) semaphore(%run_scoped3A_144 : memref<!tpu.dma_semaphore, #tpu.memory_space<semaphore_mem>>) {add = true}
        %dma_wait3A_151 = arith.constant 0 : i32
        %dma_wait3A_152 = tpu.memref_slice %arg6[%run_scoped3A_134, %run_scoped3A_135, %dma_wait3A_151] : memref<2x2x128xi32, #tpu.memory_space<vmem>> -> memref<1x1x128xi32, #tpu.memory_space<vmem>>
        %dma_wait3A_153 = tpu.memref_squeeze %dma_wait3A_152 : memref<1x1x128xi32, #tpu.memory_space<vmem>> -> memref<128xi32, #tpu.memory_space<vmem>>
        %dma_wait3A_154 = arith.constant 0 : i32
        %dma_wait3A_155 = arith.constant 0 : i32
        %dma_wait3A_156 = tpu.memref_slice %arg9[%dma_wait3A_154, %dma_wait3A_155] : memref<2048x144xf32, #tpu.memory_space<vmem_shared>> -> memref<2048x144xf32, #tpu.memory_space<vmem_shared>>
        tpu.wait_indirect_dma semaphore(%run_scoped3A_144 : memref<!tpu.dma_semaphore, #tpu.memory_space<semaphore_mem>>) src(%arg8 : memref<128x144xf32, #tpu.memory_space<vmem>>) dst(%dma_wait3A_156 : memref<2048x144xf32, #tpu.memory_space<vmem_shared>>)
        tpu.yield
      }) : () -> ()
      %dma_start3A_136 = arith.constant 1 : i32
      %dma_start3A_137 = arith.constant 0 : i32
      %dma_start3A_138 = arith.constant 0 : i32
      %dma_start3A_139 = tpu.memref_slice %arg5[%dma_start3A_136, %dma_start3A_137, %dma_start3A_138] : memref<2x2x128xi32, #tpu.memory_space<vmem>> -> memref<1x1x128xi32, #tpu.memory_space<vmem>>
      %dma_start3A_140 = tpu.memref_squeeze %dma_start3A_139 : memref<1x1x128xi32, #tpu.memory_space<vmem>> -> memref<128xi32, #tpu.memory_space<vmem>>
      %dma_start3A_141 = arith.constant 0 : i32
      %dma_start3A_142 = arith.constant 0 : i32
      %dma_start3A_143 = tpu.memref_slice %arg2[%dma_start3A_141, %dma_start3A_142] : memref<10240x144xf32, #tpu.memory_space<hbm>> -> memref<10240x144xf32, #tpu.memory_space<hbm>>
      tpu.enqueue_indirect_dma source(%dma_start3A_143 : memref<10240x144xf32, #tpu.memory_space<hbm>>) target(%arg8 : memref<128x144xf32, #tpu.memory_space<vmem>>) offsets(%dma_start3A_140 : memref<128xi32, #tpu.memory_space<vmem>>) semaphore(%arg11 : memref<!tpu.dma_semaphore, #tpu.memory_space<semaphore_mem>>)
    }
    %scan3A_33 = arith.constant 3 : i32
    %dma_wait3A = arith.constant 0 : i32
    %dma_wait3A_34 = arith.constant 0 : i32
    %dma_wait3A_35 = arith.constant 0 : i32
    %dma_wait3A_36 = tpu.memref_slice %arg5[%dma_wait3A, %dma_wait3A_34, %dma_wait3A_35] : memref<2x2x128xi32, #tpu.memory_space<vmem>> -> memref<1x1x128xi32, #tpu.memory_space<vmem>>
    %dma_wait3A_37 = tpu.memref_squeeze %dma_wait3A_36 : memref<1x1x128xi32, #tpu.memory_space<vmem>> -> memref<128xi32, #tpu.memory_space<vmem>>
    %dma_wait3A_38 = arith.constant 0 : i32
    %dma_wait3A_39 = arith.constant 0 : i32
    %dma_wait3A_40 = tpu.memref_slice %arg2[%dma_wait3A_38, %dma_wait3A_39] : memref<10240x144xf32, #tpu.memory_space<hbm>> -> memref<10240x144xf32, #tpu.memory_space<hbm>>
    tpu.wait_indirect_dma semaphore(%arg10 : memref<!tpu.dma_semaphore, #tpu.memory_space<semaphore_mem>>) src(%dma_wait3A_40 : memref<10240x144xf32, #tpu.memory_space<hbm>>) dst(%arg7 : memref<128x144xf32, #tpu.memory_space<vmem>>)
    %run_scoped3A_41 = arith.constant 0 : i32
    %run_scoped3A_42 = arith.constant 1 : i32
    "tpu.region"() ({
      %run_scoped3A_63 = tpu.sem_alloc : memref<!tpu.dma_semaphore, #tpu.memory_space<semaphore_mem>>
      %dma_start3A_64 = arith.constant 0 : i32
      %dma_start3A_65 = tpu.memref_slice %arg5[%run_scoped3A_41, %run_scoped3A_42, %dma_start3A_64] : memref<2x2x128xi32, #tpu.memory_space<vmem>> -> memref<1x1x128xi32, #tpu.memory_space<vmem>>
      %dma_start3A_66 = tpu.memref_squeeze %dma_start3A_65 : memref<1x1x128xi32, #tpu.memory_space<vmem>> -> memref<128xi32, #tpu.memory_space<vmem>>
      %dma_start3A_67 = arith.constant 0 : i32
      %dma_start3A_68 = arith.constant 0 : i32
      %dma_start3A_69 = tpu.memref_slice %arg9[%dma_start3A_67, %dma_start3A_68] : memref<2048x144xf32, #tpu.memory_space<vmem_shared>> -> memref<2048x144xf32, #tpu.memory_space<vmem_shared>>
      tpu.enqueue_indirect_dma source(%arg7 : memref<128x144xf32, #tpu.memory_space<vmem>>) target(%dma_start3A_69 : memref<2048x144xf32, #tpu.memory_space<vmem_shared>>) offsets(%dma_start3A_66 : memref<128xi32, #tpu.memory_space<vmem>>) semaphore(%run_scoped3A_63 : memref<!tpu.dma_semaphore, #tpu.memory_space<semaphore_mem>>) {add = true}
      %dma_wait3A_70 = arith.constant 0 : i32
      %dma_wait3A_71 = tpu.memref_slice %arg5[%run_scoped3A_41, %run_scoped3A_42, %dma_wait3A_70] : memref<2x2x128xi32, #tpu.memory_space<vmem>> -> memref<1x1x128xi32, #tpu.memory_space<vmem>>
      %dma_wait3A_72 = tpu.memref_squeeze %dma_wait3A_71 : memref<1x1x128xi32, #tpu.memory_space<vmem>> -> memref<128xi32, #tpu.memory_space<vmem>>
      %dma_wait3A_73 = arith.constant 0 : i32
      %dma_wait3A_74 = arith.constant 0 : i32
      %dma_wait3A_75 = tpu.memref_slice %arg9[%dma_wait3A_73, %dma_wait3A_74] : memref<2048x144xf32, #tpu.memory_space<vmem_shared>> -> memref<2048x144xf32, #tpu.memory_space<vmem_shared>>
      tpu.wait_indirect_dma semaphore(%run_scoped3A_63 : memref<!tpu.dma_semaphore, #tpu.memory_space<semaphore_mem>>) src(%arg7 : memref<128x144xf32, #tpu.memory_space<vmem>>) dst(%dma_wait3A_75 : memref<2048x144xf32, #tpu.memory_space<vmem_shared>>)
      tpu.yield
    }) : () -> ()
    %dma_wait3A_43 = arith.constant 1 : i32
    %dma_wait3A_44 = arith.constant 0 : i32
    %dma_wait3A_45 = arith.constant 0 : i32
    %dma_wait3A_46 = tpu.memref_slice %arg5[%dma_wait3A_43, %dma_wait3A_44, %dma_wait3A_45] : memref<2x2x128xi32, #tpu.memory_space<vmem>> -> memref<1x1x128xi32, #tpu.memory_space<vmem>>
    %dma_wait3A_47 = tpu.memref_squeeze %dma_wait3A_46 : memref<1x1x128xi32, #tpu.memory_space<vmem>> -> memref<128xi32, #tpu.memory_space<vmem>>
    %dma_wait3A_48 = arith.constant 0 : i32
    %dma_wait3A_49 = arith.constant 0 : i32
    %dma_wait3A_50 = tpu.memref_slice %arg2[%dma_wait3A_48, %dma_wait3A_49] : memref<10240x144xf32, #tpu.memory_space<hbm>> -> memref<10240x144xf32, #tpu.memory_space<hbm>>
    tpu.wait_indirect_dma semaphore(%arg11 : memref<!tpu.dma_semaphore, #tpu.memory_space<semaphore_mem>>) src(%dma_wait3A_50 : memref<10240x144xf32, #tpu.memory_space<hbm>>) dst(%arg8 : memref<128x144xf32, #tpu.memory_space<vmem>>)
    %run_scoped3A_51 = arith.constant 1 : i32
    %run_scoped3A_52 = arith.constant 1 : i32
    "tpu.region"() ({
      %run_scoped3A_63 = tpu.sem_alloc : memref<!tpu.dma_semaphore, #tpu.memory_space<semaphore_mem>>
      %dma_start3A_64 = arith.constant 0 : i32
      %dma_start3A_65 = tpu.memref_slice %arg5[%run_scoped3A_51, %run_scoped3A_52, %dma_start3A_64] : memref<2x2x128xi32, #tpu.memory_space<vmem>> -> memref<1x1x128xi32, #tpu.memory_space<vmem>>
      %dma_start3A_66 = tpu.memref_squeeze %dma_start3A_65 : memref<1x1x128xi32, #tpu.memory_space<vmem>> -> memref<128xi32, #tpu.memory_space<vmem>>
      %dma_start3A_67 = arith.constant 0 : i32
      %dma_start3A_68 = arith.constant 0 : i32
      %dma_start3A_69 = tpu.memref_slice %arg9[%dma_start3A_67, %dma_start3A_68] : memref<2048x144xf32, #tpu.memory_space<vmem_shared>> -> memref<2048x144xf32, #tpu.memory_space<vmem_shared>>
      tpu.enqueue_indirect_dma source(%arg8 : memref<128x144xf32, #tpu.memory_space<vmem>>) target(%dma_start3A_69 : memref<2048x144xf32, #tpu.memory_space<vmem_shared>>) offsets(%dma_start3A_66 : memref<128xi32, #tpu.memory_space<vmem>>) semaphore(%run_scoped3A_63 : memref<!tpu.dma_semaphore, #tpu.memory_space<semaphore_mem>>) {add = true}
      %dma_wait3A_70 = arith.constant 0 : i32
      %dma_wait3A_71 = tpu.memref_slice %arg5[%run_scoped3A_51, %run_scoped3A_52, %dma_wait3A_70] : memref<2x2x128xi32, #tpu.memory_space<vmem>> -> memref<1x1x128xi32, #tpu.memory_space<vmem>>
      %dma_wait3A_72 = tpu.memref_squeeze %dma_wait3A_71 : memref<1x1x128xi32, #tpu.memory_space<vmem>> -> memref<128xi32, #tpu.memory_space<vmem>>
      %dma_wait3A_73 = arith.constant 0 : i32
      %dma_wait3A_74 = arith.constant 0 : i32
      %dma_wait3A_75 = tpu.memref_slice %arg9[%dma_wait3A_73, %dma_wait3A_74] : memref<2048x144xf32, #tpu.memory_space<vmem_shared>> -> memref<2048x144xf32, #tpu.memory_space<vmem_shared>>
      tpu.wait_indirect_dma semaphore(%run_scoped3A_63 : memref<!tpu.dma_semaphore, #tpu.memory_space<semaphore_mem>>) src(%arg8 : memref<128x144xf32, #tpu.memory_space<vmem>>) dst(%dma_wait3A_75 : memref<2048x144xf32, #tpu.memory_space<vmem_shared>>)
      tpu.yield
    }) : () -> ()
    %barrier3A_53 = arith.constant 0 : index
    tpu.barrier barrier_id(%barrier3A_53)
    %scan3A_54 = arith.constant 0 : i32
    %scan3A_55 = arith.constant 0 : i32
    %mul3A_56 = arith.constant 128 : i32
    %mul3A_57 = arith.muli %scan3A_55, %mul3A_56 : i32
    %add3A_58 = arith.addi %mul3A_2, %mul3A_57 : i32
    %mul3A_59 = arith.constant 128 : i32
    %mul3A_60 = arith.muli %scan3A_55, %mul3A_59 : i32
    %add3A_61 = arith.addi %mul3A_2, %mul3A_60 : i32
    "tpu.region"() ({
      %run_scoped3A_63 = tpu.sem_alloc : memref<!tpu.dma_semaphore, #tpu.memory_space<semaphore_mem>>
      %dma_start3A_64 = arith.constant 0 : i32
      %dma_start3A_65 = tpu.memref_slice %arg4[%arg0, %add3A_61, %dma_start3A_64] : memref<2x2048x144xf32, #tpu.memory_space<hbm>> -> memref<1x128x144xf32, #tpu.memory_space<hbm>>
      %dma_start3A_66 = tpu.memref_squeeze %dma_start3A_65 : memref<1x128x144xf32, #tpu.memory_space<hbm>> -> memref<128x144xf32, #tpu.memory_space<hbm>>
      %dma_start3A_67 = arith.constant 0 : i32
      %dma_start3A_68 = tpu.memref_slice %arg9[%add3A_58, %dma_start3A_67] : memref<2048x144xf32, #tpu.memory_space<vmem_shared>> -> memref<128x144xf32, #tpu.memory_space<vmem_shared>>
      tpu.enqueue_dma source(%dma_start3A_68 : memref<128x144xf32, #tpu.memory_space<vmem_shared>>) target(%dma_start3A_66 : memref<128x144xf32, #tpu.memory_space<hbm>>) target_semaphore(%run_scoped3A_63 : memref<!tpu.dma_semaphore, #tpu.memory_space<semaphore_mem>>)
      %dma_wait3A_69 = arith.constant 0 : i32
      %dma_wait3A_70 = tpu.memref_slice %arg4[%arg0, %add3A_61, %dma_wait3A_69] : memref<2x2048x144xf32, #tpu.memory_space<hbm>> -> memref<1x128x144xf32, #tpu.memory_space<hbm>>
      %dma_wait3A_71 = tpu.memref_squeeze %dma_wait3A_70 : memref<1x128x144xf32, #tpu.memory_space<hbm>> -> memref<128x144xf32, #tpu.memory_space<hbm>>
      %dma_wait3A_72 = arith.constant 0 : i32
      %dma_wait3A_73 = tpu.memref_slice %arg9[%add3A_58, %dma_wait3A_72] : memref<2048x144xf32, #tpu.memory_space<vmem_shared>> -> memref<128x144xf32, #tpu.memory_space<vmem_shared>>
      tpu.wait_dma2 semaphore(%run_scoped3A_63 : memref<!tpu.dma_semaphore, #tpu.memory_space<semaphore_mem>>) src(%dma_wait3A_73 : memref<128x144xf32, #tpu.memory_space<vmem_shared>>) dst(%dma_wait3A_71 : memref<128x144xf32, #tpu.memory_space<hbm>>)
      tpu.yield
    }) : () -> ()
    %scan3A_62 = arith.constant 1 : i32
    return
  }
}

module attributes {stable_mosaic.version = 14 : i64} {
  func.func @mmk(%arg0: i32, %arg1: memref<1024x128xf32, #tpu.memory_space<vmem>>, %arg2: memref<128x144xf32, #tpu.memory_space<vmem>>, %arg3: memref<8x144xf32, #tpu.memory_space<vmem>>, %arg4: memref<1024x144xf32, #tpu.memory_space<vmem>>) attributes {dimension_semantics = [#tpu.dimension_semantics<arbitrary>], iteration_bounds = array<i64: 10>, scalar_prefetch = 0 : i64, scratch_operands = 0 : i64, tpu.core_type = #tpu.core_type<tc>, window_params = [{transform_indices = @transform_0, window_bounds = array<i64: 1024, 128>}, {pipeline_mode = #tpu.pipeline_mode<synchronous>, transform_indices = @transform_1, window_bounds = array<i64: 128, 144>}, {pipeline_mode = #tpu.pipeline_mode<synchronous>, transform_indices = @transform_2, window_bounds = array<i64: 8, 144>}, {transform_indices = @transform_3, window_bounds = array<i64: 1024, 144>}]} {
    %get3A = arith.constant 0 : index
    %get3A_0 = arith.constant 0 : index
    %get3A_1 = vector.load %arg1[%get3A, %get3A_0] : memref<1024x128xf32, #tpu.memory_space<vmem>>, vector<1024x128xf32>
    %get3A_2 = arith.constant 0 : index
    %get3A_3 = arith.constant 0 : index
    %get3A_4 = vector.load %arg2[%get3A_2, %get3A_3] : memref<128x144xf32, #tpu.memory_space<vmem>>, vector<128x144xf32>
    %dot_general3A = arith.constant dense<0.000000e+00> : vector<1024x144xf32>
    %dot_general3A_5 = tpu.matmul %get3A_1, %get3A_4, %dot_general3A {dimension_numbers = #tpu.dot_dimension_numbers<[1], [0], [0], [1], [0, 0, 1, 1], [], []>, precision = #tpu.contract_precision<fp32>, transpose_lhs_hint = false} : vector<1024x128xf32>, vector<128x144xf32>, vector<1024x144xf32> -> vector<1024x144xf32>
    %get3A_6 = arith.constant 0 : index
    %get3A_7 = arith.constant 0 : index
    %get3A_8 = vector.load %arg3[%get3A_6, %get3A_7] : memref<8x144xf32, #tpu.memory_space<vmem>>, vector<1x144xf32>
    %add3A = vector.broadcast %get3A_8 : vector<1x144xf32> to vector<1024x144xf32>
    %add3A_9 = arith.addf %dot_general3A_5, %add3A : vector<1024x144xf32>
    %swap3A = arith.constant 0 : index
    %swap3A_10 = arith.constant 0 : index
    %swap3A_11 = vector.load %arg4[%swap3A, %swap3A_10] : memref<1024x144xf32, #tpu.memory_space<vmem>>, vector<1024x144xf32>
    tpu.vector_store %arg4[%swap3A, %swap3A_10], %add3A_9 {strides = array<i32>} : memref<1024x144xf32, #tpu.memory_space<vmem>>, vector<1024x144xf32>,
    return
  }
  func.func @transform_0(%arg0: i32) -> (i32, i32) {
    %c0_i32 = arith.constant 0 : i32
    %c0_i32_0 = arith.constant 0 : i32
    return %arg0, %c0_i32 : i32, i32
  }
  func.func @transform_1(%arg0: i32) -> (i32, i32) {
    %c0_i32 = arith.constant 0 : i32
    %c0_i32_0 = arith.constant 0 : i32
    %c0_i32_1 = arith.constant 0 : i32
    return %c0_i32, %c0_i32_0 : i32, i32
  }
  func.func @transform_2(%arg0: i32) -> (i32, i32) {
    %c0_i32 = arith.constant 0 : i32
    %c0_i32_0 = arith.constant 0 : i32
    %c0_i32_1 = arith.constant 0 : i32
    return %c0_i32, %c0_i32_0 : i32, i32
  }
  func.func @transform_3(%arg0: i32) -> (i32, i32) {
    %c0_i32 = arith.constant 0 : i32
    %c0_i32_0 = arith.constant 0 : i32
    return %arg0, %c0_i32 : i32, i32
  }
}

module attributes {stable_mosaic.version = 14 : i64} {
  func.func @fk(%arg0: memref<2x2048x144xf32, #tpu.memory_space<vmem>>, %arg1: memref<2048x144xf32, #tpu.memory_space<vmem>>) attributes {dimension_semantics = [], scalar_prefetch = 0 : i64, scratch_operands = 0 : i64, tpu.core_type = #tpu.core_type<tc>} {
    %get3A = arith.constant 0 : index
    %get3A_0 = arith.constant 0 : index
    %get3A_1 = arith.constant 0 : index
    %get3A_2 = vector.load %arg0[%get3A, %get3A_0, %get3A_1] : memref<2x2048x144xf32, #tpu.memory_space<vmem>>, vector<1x2048x144xf32>
    %get3A_3 = vector.shape_cast %get3A_2 : vector<1x2048x144xf32> to vector<2048x144xf32>
    %get3A_4 = arith.constant 1 : index
    %get3A_5 = arith.constant 0 : index
    %get3A_6 = arith.constant 0 : index
    %get3A_7 = vector.load %arg0[%get3A_4, %get3A_5, %get3A_6] : memref<2x2048x144xf32, #tpu.memory_space<vmem>>, vector<1x2048x144xf32>
    %get3A_8 = vector.shape_cast %get3A_7 : vector<1x2048x144xf32> to vector<2048x144xf32>
    %add3A = arith.addf %get3A_3, %get3A_8 : vector<2048x144xf32>
    %slice3A = vector.extract_strided_slice %add3A {offsets = [0, 128], sizes = [2048, 1], strides = [1, 1]} : vector<2048x144xf32> to vector<2048x1xf32>
    %max3A = arith.constant 1.000000e+00 : f32
    %max3A_9 = vector.broadcast %max3A : f32 to vector<2048x1xf32>
    %max3A_10 = arith.maximumf %slice3A, %max3A_9 : vector<2048x1xf32>
    %div3A = vector.broadcast %max3A_10 : vector<2048x1xf32> to vector<2048x144xf32>
    %div3A_11 = arith.divf %add3A, %div3A : vector<2048x144xf32>
    %swap3A = arith.constant 0 : index
    %swap3A_12 = arith.constant 0 : index
    %swap3A_13 = vector.load %arg1[%swap3A, %swap3A_12] : memref<2048x144xf32, #tpu.memory_space<vmem>>, vector<2048x144xf32>
    tpu.vector_store %arg1[%swap3A, %swap3A_12], %div3A_11 {strides = array<i32>} : memref<2048x144xf32, #tpu.memory_space<vmem>>, vector<2048x144xf32>,
    return
  }
}

module attributes {stable_mosaic.version = 14 : i64} {
  func.func @ck(%arg0: i32, %arg1: memref<2x1024x144xf32, #tpu.memory_space<vmem>>, %arg2: memref<2x1024x144xf32, #tpu.memory_space<vmem>>, %arg3: memref<1024x128xf32, #tpu.memory_space<vmem>>) attributes {dimension_semantics = [#tpu.dimension_semantics<arbitrary>], iteration_bounds = array<i64: 10>, scalar_prefetch = 0 : i64, scratch_operands = 0 : i64, tpu.core_type = #tpu.core_type<tc>, window_params = [{transform_indices = @transform_0, window_bounds = array<i64: 2, 1024, 144>}, {transform_indices = @transform_1, window_bounds = array<i64: 2, 1024, 144>}, {transform_indices = @transform_2, window_bounds = array<i64: 1024, 128>}]} {
    %get3A = arith.constant 0 : index
    %get3A_0 = arith.constant 0 : index
    %get3A_1 = arith.constant 0 : index
    %get3A_2 = vector.load %arg1[%get3A, %get3A_0, %get3A_1] : memref<2x1024x144xf32, #tpu.memory_space<vmem>>, vector<1x1024x144xf32>
    %get3A_3 = vector.shape_cast %get3A_2 : vector<1x1024x144xf32> to vector<1024x144xf32>
    %get3A_4 = arith.constant 1 : index
    %get3A_5 = arith.constant 0 : index
    %get3A_6 = arith.constant 0 : index
    %get3A_7 = vector.load %arg1[%get3A_4, %get3A_5, %get3A_6] : memref<2x1024x144xf32, #tpu.memory_space<vmem>>, vector<1x1024x144xf32>
    %get3A_8 = vector.shape_cast %get3A_7 : vector<1x1024x144xf32> to vector<1024x144xf32>
    %add3A = arith.addf %get3A_3, %get3A_8 : vector<1024x144xf32>
    %get3A_9 = arith.constant 0 : index
    %get3A_10 = arith.constant 0 : index
    %get3A_11 = arith.constant 0 : index
    %get3A_12 = vector.load %arg2[%get3A_9, %get3A_10, %get3A_11] : memref<2x1024x144xf32, #tpu.memory_space<vmem>>, vector<1x1024x144xf32>
    %get3A_13 = vector.shape_cast %get3A_12 : vector<1x1024x144xf32> to vector<1024x144xf32>
    %get3A_14 = arith.constant 1 : index
    %get3A_15 = arith.constant 0 : index
    %get3A_16 = arith.constant 0 : index
    %get3A_17 = vector.load %arg2[%get3A_14, %get3A_15, %get3A_16] : memref<2x1024x144xf32, #tpu.memory_space<vmem>>, vector<1x1024x144xf32>
    %get3A_18 = vector.shape_cast %get3A_17 : vector<1x1024x144xf32> to vector<1024x144xf32>
    %add3A_19 = arith.addf %get3A_13, %get3A_18 : vector<1024x144xf32>
    %slice3A = vector.extract_strided_slice %add3A {offsets = [0, 0], sizes = [1024, 128], strides = [1, 1]} : vector<1024x144xf32> to vector<1024x128xf32>
    %slice3A_20 = vector.extract_strided_slice %add3A {offsets = [0, 128], sizes = [1024, 1], strides = [1, 1]} : vector<1024x144xf32> to vector<1024x1xf32>
    %max3A = arith.constant 1.000000e+00 : f32
    %max3A_21 = vector.broadcast %max3A : f32 to vector<1024x1xf32>
    %max3A_22 = arith.maximumf %slice3A_20, %max3A_21 : vector<1024x1xf32>
    %div3A = vector.broadcast %max3A_22 : vector<1024x1xf32> to vector<1024x128xf32>
    %div3A_23 = arith.divf %slice3A, %div3A : vector<1024x128xf32>
    %slice3A_24 = vector.extract_strided_slice %add3A_19 {offsets = [0, 0], sizes = [1024, 128], strides = [1, 1]} : vector<1024x144xf32> to vector<1024x128xf32>
    %slice3A_25 = vector.extract_strided_slice %add3A_19 {offsets = [0, 128], sizes = [1024, 1], strides = [1, 1]} : vector<1024x144xf32> to vector<1024x1xf32>
    %max3A_26 = arith.constant 1.000000e+00 : f32
    %max3A_27 = vector.broadcast %max3A_26 : f32 to vector<1024x1xf32>
    %max3A_28 = arith.maximumf %slice3A_25, %max3A_27 : vector<1024x1xf32>
    %div3A_29 = vector.broadcast %max3A_28 : vector<1024x1xf32> to vector<1024x128xf32>
    %div3A_30 = arith.divf %slice3A_24, %div3A_29 : vector<1024x128xf32>
    %mul3A = arith.constant 1.000000e-01 : f32
    %mul3A_31 = vector.broadcast %mul3A : f32 to vector<1024x128xf32>
    %mul3A_32 = arith.mulf %div3A_23, %mul3A_31 : vector<1024x128xf32>
    %mul3A_33 = arith.constant 0.899999976 : f32
    %mul3A_34 = vector.broadcast %mul3A_33 : f32 to vector<1024x128xf32>
    %mul3A_35 = arith.mulf %div3A_30, %mul3A_34 : vector<1024x128xf32>
    %add3A_36 = arith.addf %mul3A_32, %mul3A_35 : vector<1024x128xf32>
    %max3A_37 = arith.constant 0.000000e+00 : f32
    %max3A_38 = vector.broadcast %max3A_37 : f32 to vector<1024x128xf32>
    %max3A_39 = arith.maximumf %add3A_36, %max3A_38 : vector<1024x128xf32>
    %swap3A = arith.constant 0 : index
    %swap3A_40 = arith.constant 0 : index
    %swap3A_41 = vector.load %arg3[%swap3A, %swap3A_40] : memref<1024x128xf32, #tpu.memory_space<vmem>>, vector<1024x128xf32>
    tpu.vector_store %arg3[%swap3A, %swap3A_40], %max3A_39 {strides = array<i32>} : memref<1024x128xf32, #tpu.memory_space<vmem>>, vector<1024x128xf32>,
    return
  }
  func.func @transform_0(%arg0: i32) -> (i32, i32, i32) {
    %c0_i32 = arith.constant 0 : i32
    %c0_i32_0 = arith.constant 0 : i32
    %c0_i32_1 = arith.constant 0 : i32
    return %c0_i32, %arg0, %c0_i32_0 : i32, i32, i32
  }
  func.func @transform_1(%arg0: i32) -> (i32, i32, i32) {
    %c0_i32 = arith.constant 0 : i32
    %c0_i32_0 = arith.constant 0 : i32
    %c0_i32_1 = arith.constant 0 : i32
    return %c0_i32, %arg0, %c0_i32_0 : i32, i32, i32
  }
  func.func @transform_2(%arg0: i32) -> (i32, i32) {
    %c0_i32 = arith.constant 0 : i32
    %c0_i32_0 = arith.constant 0 : i32
    return %arg0, %c0_i32 : i32, i32
  }
}

</mosaic_0001>

<sc_bundles>
// kernel: kernel.11.cloned.1.call-start
scs
__scs_entry_jumppad:
0x0: {  	(pc) =	sbr.rel $0x88, $3  }
0x1: {  	(tag) =	ssettag $0x0;
	lr =	simm.s32 $0x1  }
0x2: {  	[smem:$0x3F9B] =	sst lr;
	_ =	strace $0xD0000000  }
0x3: {  	_ = 	snop  }
0x4: {  	_ = 	snop  }
0x5: {  	_ = 	snop  }
0x6: {  	_ = 	snop  }
0x7: {  	_ = 	snop  }
__scs_overlays_trampoline_lowered:
0x8: {  	[smem:$0x3FAA] =	sst s0  }
0x9: {  	[smem:$0x3FAB] =	sst s1  }
0xa: {  	[smem:$0x3FAC] =	sst s2  }
0xb: {  	[smem:$0x3FAD] =	sst s3  }
0xc: {  	[smem:$0x3FAE] =	sst s4  }
0xd: {  	[smem:$0x3FAF] =	sst s5  }
0xe: {  	[smem:$0x3FB0] =	sst s6  }
0xf: {  	[smem:$0x3FB1] =	sst s7  }
0x10: {  	[smem:$0x3FB2] =	sst s8  }
0x11: {  	[smem:$0x3FB3] =	sst s9;
	s0 =	simm.s32 @!p0 $0x0  }
0x12: {  	s1 =	sld [smem:$0x3F99];
	s0 =	simm.s32 @p0 $0x1  }
0x13: {  	[smem:$0x3FB4] =	sst s0;
	s0 =	simm.s32 @!p1 $0x0  }
0x14: {  	s2 =	sld [smem:$0x3F98];
	s0 =	simm.s32 @p1 $0x1  }
0x15: {  	[smem:$0x3FB5] =	sst s0;
	s0 =	simm.s32 @!p2 $0x0  }
0x16: {  	s3 =	sld [smem:$0x3FDB];
	s0 =	simm.s32 @p2 $0x1  }
0x17: {  	s4 =	simm.s32 $0x1BF5;
	[smem:$0x3FB7] =	sst s0  }
0x18: {  	s0 =	sld [smem:$0x3F9A];
	_ =	swait.ge [sflag:s4], $0x0  }
0x19: {  	s7 =	sld [smem:$0x3F9B]  }
0x1a: {  	s8 =	sadd.s32 $0xFFFFE003, lr  }
0x1b: {  	s9 =	sadd.s32 $0xFFFFFEF7, lr;
	s5 =	simm.s32 $0xFFFFFFFF;
	p2 =	slt.u32 s8, $0xFFFFF086  }
0x1c: {  	p1 =	slt.u32 s9, $0xF7A;
	s5 =	simm.s32 @!p2 $0x0  }
0x1d: {  	s5 =	simm.s32 @p1 $0x1;
	p0 =	seq.s32 s7, s2  }
0x1e: {  	s7 =	smul.u32 @!p0 $0xF7A, s2;
	p2 =	seq.s32 @!p0 s5, $0x0  }
0x1f: {  	s9 =	smul.u32 $0xF7A, s1;
	s8 =	simm.s32 @!p0 $0x1BF5;
	p2 =	por !p2, p0  }
0x20: {  	[sflag:s8] =	ssyncset.s32 @!p0 $0xFFFFF086;
	s6 =	sadd.s32 @!p0 s3, s7;
	s7 =	simm.s32 @!p0 $0x108  }
0x21: {  	s3 =	sadd.s32 s3, s9;
	s6 =	sadd.s32 @!p0 $0x88, s6;
	s7 =	simm.s32 @p2 $0x1082  }
0x22: {  	[simem:s7], [sflag:s8] =	dma.local @!p0 [hbm:s6], $0xF7A  }
0x23: {  	s9 =	sor.u32 $0xD0000000, s2;
	s6 =	simm.s32 $0x108;
	_ =	swait.ge @!p0 [sflag:s8], $0x0  }
0x24: {  	s3 =	sadd.s32 $0x88, s3;
	s6 =	simm.s32 @!p1 $0x1082;
	[sflag:s4] =	ssyncset.s32 $0xFFFFF086  }
0x25: {  	[simem:s6], [sflag:s4] =	dma.local [hbm:s3], $0xF7A  }
0x26: {  	[smem:$0x3F9B] =	sst s1;
	(tag) =	ssettag s2;
	_ =	strace s9  }
0x27: {  	s1 =	sld [smem:$0x3FAB]  }
0x28: {  	s2 =	sld [smem:$0x3FAC]  }
0x29: {  	s4 =	sld [smem:$0x3FAE]  }
0x2a: {  	p0 =	seq.s32 s5, $0x0;
	s5 =	sld [smem:$0x3FAF]  }
0x2b: {  	s6 =	sld [smem:$0x3FB0]  }
0x2c: {  	s7 =	sld [smem:$0x3FB1]  }
0x2d: {  	s3 =	simm.s32 $0x108;
	s8 =	sld [smem:$0x3FB2]  }
0x2e: {  	s3 =	simm.s32 @!p0 $0x1082;
	s9 =	sld [smem:$0x3FB3]  }
0x2f: {  	lr =	sadd.s32 s0, s3;
	s0 =	sld [smem:$0x3FAA]  }
0x30: {  	s3 =	sld [smem:$0x3FAD]  }
0x31: {  	[smem:$0x3FB6] =	sst s10  }
0x32: {  	s10 =	sld [smem:$0x3FB4];
	_ =	sdelay $0x3  }
0x33: {  	p0 =	seq.s32 s10, $0x1;
	s10 =	sld [smem:$0x3FB6];
	_ =	sdelay $0x3  }
0x34: {  	[smem:$0x3FB6] =	sst s10  }
0x35: {  	s10 =	sld [smem:$0x3FB5];
	_ =	sdelay $0x3  }
0x36: {  	p1 =	seq.s32 s10, $0x1;
	s10 =	sld [smem:$0x3FB6];
	_ =	sdelay $0x3  }
0x37: {  	[smem:$0x3FB6] =	sst s10  }
0x38: {  	s10 =	sld [smem:$0x3FB7]  }
0x39: {  	_ = 	snop;
	(pc) =	sbr.ind lr, $3  }
0x3a: {  	_ = 	snop  }
0x3b: {  	_ = 	snop  }
0x3c: {  	p2 =	seq.s32 s10, $0x1;
	s10 =	sld [smem:$0x3FB6]  }
0x3d: {  	_ =	shalt  }
0x3e: {  	_ =	shalt  }
0x3f: {  	_ =	shalt  }
0x40: {  	_ =	shalt  }
0x41: {  	_ =	shalt  }
0x42: {  	_ =	shalt  }
0x43: {  	_ =	shalt  }
0x44: {  	_ =	shalt  }
0x45: {  	_ =	shalt  }
0x46: {  	_ =	shalt  }
0x47: {  	_ =	shalt  }
0x48: {  	_ =	shalt  }
0x49: {  	_ =	shalt  }
0x4a: {  	_ =	shalt  }
0x4b: {  	_ =	shalt  }
0x4c: {  	_ =	shalt  }
0x4d: {  	_ =	shalt  }
0x4e: {  	_ =	shalt  }
0x4f: {  	_ =	shalt  }
0x50: {  	_ =	shalt  }
0x51: {  	_ =	shalt  }
0x52: {  	_ =	shalt  }
0x53: {  	_ =	shalt  }
0x54: {  	_ =	shalt  }
0x55: {  	_ =	shalt  }
0x56: {  	_ =	shalt  }
0x57: {  	_ =	shalt  }
0x58: {  	_ =	shalt  }
0x59: {  	_ =	shalt  }
0x5a: {  	_ =	shalt  }
0x5b: {  	_ =	shalt  }
0x5c: {  	_ =	shalt  }
0x5d: {  	_ =	shalt  }
0x5e: {  	_ =	shalt  }
0x5f: {  	_ =	shalt  }
0x60: {  	_ =	shalt  }
0x61: {  	_ =	shalt  }
0x62: {  	_ =	shalt  }
0x63: {  	_ =	shalt  }
0x64: {  	_ =	shalt  }
0x65: {  	_ =	shalt  }
0x66: {  	_ =	shalt  }
0x67: {  	_ =	shalt  }
0x68: {  	_ =	shalt  }
0x69: {  	_ =	shalt  }
0x6a: {  	_ =	shalt  }
0x6b: {  	_ =	shalt  }
0x6c: {  	_ =	shalt  }
0x6d: {  	_ =	shalt  }
0x6e: {  	_ =	shalt  }
0x6f: {  	_ =	shalt  }
0x70: {  	_ =	shalt  }
0x71: {  	_ =	shalt  }
0x72: {  	_ =	shalt  }
0x73: {  	_ =	shalt  }
0x74: {  	_ =	shalt  }
0x75: {  	_ =	shalt  }
0x76: {  	_ =	shalt  }
0x77: {  	_ =	shalt  }
0x78: {  	_ =	shalt  }
0x79: {  	_ =	shalt  }
0x7a: {  	_ =	shalt  }
0x7b: {  	_ =	shalt  }
0x7c: {  	_ =	shalt  }
0x7d: {  	_ =	shalt  }
0x7e: {  	_ =	shalt  }
0x7f: {  	_ =	shalt  }
0x80: {  	_ =	shalt  }
0x81: {  	_ =	shalt  }
0x82: {  	_ =	shalt  }
0x83: {  	_ =	shalt  }
0x84: {  	_ =	shalt  }
0x85: {  	_ =	shalt  }
0x86: {  	_ =	shalt  }
0x87: {  	_ =	shalt  }
.Lfunc_end0:
.L_simem_size_0:
called_computation.1_lowered:
.L_overlay_start_0:
0x88: {  	s2 =	sld [smem:$0x3FD9]  }
0x89: {  	s3 =	sld [smem:$0x3FFE];
	_ =	sdelay $0x1  }
0x8a: {  	s1 =	srdreg.scid  }
0x8b: {  	s0 =	sand.u32 $0x1, s1  }
0x8c: {  	s16 =	sshll.u32 s0, $0xA;
	s2 =	sadd.s32 s3, s2  }
0x8d: {  	s2 =	sadd.s32 s2, s16  }
0x8e: {  	[smem:$0x3FC2] =	sst s2  }
0x8f: {  	_ = 	snop  }
0x90: {  	(tm) =	ssettm $0x1  }
0x91: {  	s17 =	sld [smem:$0x3FFB];
	_ =	sdelay $0x3  }
0x92: {  	_ =	strace s17  }
0x93: {  	s2 =	sld [smem:$0x3FFC];
	_ =	sdelay $0x3  }
0x94: {  	_ =	strace s2  }
0x95: {  	s2 =	sld [smem:$0x3FFD];
	_ =	sdelay $0x3  }
0x96: {  	_ =	strace s2  }
0x97: {  	_ =	strace $0x8FFFFFFF  }
0x98: {  	s18 =	sld [smem:$0x3FDB];
	_ =	sdelay $0x1  }
0x99: {  	s19 =	simm.s32 $_scs_section_size  }
0x9a: {  	s4 =	simm.s32 $_size__tile_overlayer_lowered;
	s5 =	simm.s32 $_tile_overlayer_lowered  }
0x9b: {  	s22 =	simm.s32 $0x1BFF;
	s21 =	sshll.u32 s5, $0x1;
	s2 =	sadd.s32 s19, s18  }
0x9c: {  	s6 =	simm.s32 $0x0;
	s20 =	sshll.u32 s4, $0x1;
	s4 =	sadd.s32 s21, s2  }
0x9d: {  	[timem:s6], [sflag:s22] =	dma.local [hbm:s4], s20  }
0x9e: {  	_ =	swait.ge [sflag:s22], s20  }
0x9f: {  	s3 =	ssub.s32 $0x0, s20;
	[sflag:s22] =	ssyncset.done $0x0  }
0xa0: {  	[sflag:s22] =	ssyncadd.s32 s3;
	_ =	sdelay $0x1  }
0xa1: {  	s23 =	simm.s32 $0x1B8B  }
0xa2: {  	_ =	swait.ge [sflag:s23], $0x1  }
0xa3: {  	[sflag:s23] =	ssyncset.done $0x0  }
0xa4: {  	s25 =	simm.s32 $0x1B8E;
	s24 =	sld [smem:$0x3FFE];
	[sflag:s23] =	ssyncadd.s32 $0xFFFFFFFF  }
0xa5: {  	s26 =	simm.s32 $execute0_lowered;
	[smem:$0x3FD2] =	sst s25  }
0xa6: {  	s4 =	sshll.u32 s26, $0x1;
	_ =	strace $0x80000046;
	[dreg:$0x1] =	wrdreg $0xFFFFFFFF  }
0xa7: {  	s28 =	simm.s32 $_size_execute0_lowered;
	s2 =	sadd.s32 s2, s4;
	[dreg:$0x0] =	wrdreg $0x0  }
0xa8: {  	s4 =	sshll.u32 s28, $0x1;
	[dreg:$0x2] =	wrdreg s2  }
0xa9: {  	[dreg:$0x3] =	wrdreg s4  }
0xaa: {  	[dreg:$0x4] =	wrdreg $0xC0  }
0xab: {  	_ =	task [dreg:s6], $0x5FFFF  }
0xac: {  	[dreg:$0x1] =	wrdreg $0xFFFFFFFF  }
0xad: {  	[dreg:$0x0] =	wrdreg $0x60  }
0xae: {  	[dreg:$0x2] =	wrdreg s24  }
0xaf: {  	[dreg:$0x3] =	wrdreg $0x94000  }
0xb0: {  	[dreg:$0x4] =	wrdreg $0xA  }
0xb1: {  	_ =	task.clear_ibuf [dreg:s6], $0x5FFFF;
	_ =	strace $0x90000046  }
0xb2: {  	s29 =	simm.s32 $0xA;
	_ =	strace $0x80000048  }
0xb3: {  	_ =	swait.ge [sflag:s29], $0x1  }
0xb4: {  	[sflag:s29] =	ssyncadd.s32 $0xFFFFFFFF  }
0xb5: {  	_ =	strace $0x90000048  }
0xb6: {  	_ =	sfence  }
0xb7: {  	s30 =	sld [smem:$0x0];
	_ =	sdelay $0x2  }
0xb8: {  	s31 =	sshll.u32 s1, $0xD;
	s1 =	sshrl.u32 s1, $0x2  }
0xb9: {  	s3 =	sand.u32 $0x4000, s31;
	s1 =	sadd.s32 s1, s30  }
0xba: {  	s0 =	sor.u32 s3, s0;
	s1 =	sshll.u32 s1, $0x11  }
0xbb: {  	s0 =	sor.u32 s1, s0  }
0xbc: {  	s0 =	sadd.s32 $0x8F2B, s0  }
0xbd: {  	[sflag:s0] =	ssyncadd.remote.s32 $0x1  }
0xbe: {  	_ =	sfence.sel $0xFFFF  }
0xbf: {  	[dreg:$0x0] =	wrdreg $0xFFFFFFFF;
	(pc) =	sbr.abs _section_cstart, $3  }
0xc0: {  	[dreg:$0x1] =	wrdreg $0xFFFFFFFF  }
0xc1: {  	_ =	task.clear_ibuf [dreg:s6], $0x2FFFF;
	_ =	strace $0x9FFFFFFF  }
0xc2: {  	(tm) =	ssettm $0x7FFFFFFF  }
0xc3: {  	_ =	shalt  }
tec
execute0_lowered:
.L_overlay_start_1:
0x0: {  	(tag) =	ssettag $0x1  }
0x1: {  	s5 =	rddreg [dreg:$0x0]  }
0x2: {  	s2 =	rddreg [dreg:$0x1]  }
0x3: {  	s0 =	rddreg [dreg:$0x2];
	s3 =	srdreg.scid  }
0x4: {  	s1 =	stileid.u32;
	s15 =	simm.s32 $0x3;
	s16 =	simm.s32 $0x400  }
0x5: {  	s17 =	simm.s32 $0x80;
	s18 =	simm.s32 $0x100;
	s19 =	simm.s32 $0x4C00  }
0x6: {  	s20 =	simm.s32 $0x200;
	s21 =	simm.s32 $0x1;
	s22 =	simm.s32 $0x2  }
0x7: {  	s23 =	simm.s32 $0x180;
	s24 =	simm.s32 $0x300;
	s25 =	simm.s32 $0x280  }
0x8: {  	s26 =	simm.s32 $0x380;
	s28 =	simm.s32 $0x0;
	s6 =	sand.u32 $0x1, s3  }
0x9: {  	s4 =	sshll.u32 s1, $0x1;
	s7 =	smul.u32 $0x4800, s1;
	s3 =	simm.s32 $0x0  }
0xa: {  	s4 =	sor.u32 s6, s4;
	s8 =	smul.u32 $0x48000, s6;
	[smem:$0x7FF] =	sst s3  }
0xb: {  	s6 =	ssub.s32 $0x2, s6;
	s9 =	smul.u32 $0xE00, s4;
	_ =	strace $0x80000047  }
0xc: {  	s4 =	sadd.s32 $0x1200, s5;
	s30 =	sshrl.u32 s6, $0x1;
	s8 =	sadd.s32 s7, s8  }
0xd: {  	s31 =	ssub.s32 s6, s30;
	s9 =	sshrl.u32 s9, $0x3;
	s8 =	sshrl.u32 s8, $0x3  }
0xe: {  	s6 =	sadd.s32 s7, s2;
	s14 =	sadd.s32 s9, s5;
	s8 =	sadd.s32 s8, s5  }
0xf: {  	s9 =	smax.u32 s31, $0x1;
	s5 =	sadd.s32 $0x2E200, s14;
	s7 =	sadd.s32 $0x31A00, s8  }
0x10: {  	s8 =	sadd.s32 $0x2E240, s14;
	s10 =	sadd.s32 $0x2E280, s14;
	s11 =	sadd.s32 $0x2E2C0, s14  }
0x11: {  	v0 =	vimm.f32 $0.0e+00;
	s12 =	sadd.s32 $0x2E300, s14;
	s13 =	sadd.s32 $0x2E340, s14;
	s14 =	sadd.s32 $0x2E380, s14  }
.LBB2_1:
0x12: {  	[tilespmem:s3], [sflag:$0x3] =	stream.linear.gather [hbm4b:s5+s3], $0x200, $0x38;
	[tilespmem:$0xDC00] =	vst v63  }
0x13: {  	_ =	swait.ge [sflag:s15], $0x200  }
0x14: {  	[sflag:s15] =	ssyncset.done $0x0  }
0x15: {  	s29 =	simm.s32 $0x80;
	s30 =	simm.s32 $0x440;
	[sflag:s15] =	ssyncadd.s32 $0xFFFFFE00  }
.LBB2_2:
0x16: {  	p0 =	sne.s32 s30, $0x11FC0;
	[tilespmem:s29+$0x400] =	vst v0  }
0x17: {  	[tilespmem:s29+$0x380] =	vst v0  }
0x18: {  	[tilespmem:s29+$0x390] =	vst v0  }
0x19: {  	[tilespmem:s29+$0x3A0] =	vst v0  }
.Ltmp0:
0x1a: {  	[tilespmem:s29+$0x3B0] =	vst v0;
	(pc) =	sbr.rel @p0 .LBB2_2-.Ltmp0, $4  }
0x1b: {  	[tilespmem:s29+$0x3C0] =	vst v0  }
0x1c: {  	[tilespmem:s29+$0x3D0] =	vst v0  }
0x1d: {  	[tilespmem:s29+$0x3E0] =	vst v0  }
0x1e: {  	[tilespmem:s29+$0x3F0] =	vst v0;
	s29 =	sshra.s32 s30, $0x2;
	s30 =	sadd.s32 $0x240, s30  }
0x1f: {  	[tilespmem:s29+$0x400] =	vst v0  }
0x20: {  	[tilespmem:s29+$0x380] =	vst v0  }
0x21: {  	[tilespmem:s29+$0x390] =	vst v0  }
0x22: {  	[tilespmem:s29+$0x3A0] =	vst v0  }
0x23: {  	[tilespmem:s29+$0x3B0] =	vst v0  }
0x24: {  	[tilespmem:s29+$0x3C0] =	vst v0  }
0x25: {  	[tilespmem:s29+$0x3D0] =	vst v0  }
0x26: {  	[tilespmem:s29+$0x3E0] =	vst v0  }
0x27: {  	[tilespmem:s29+$0x3F0] =	vst v0  }
0x28: {  	[spmem:s6] =	stream.linear.scatter [tilespmem:s16], [sflag:$0x3], $0x4800, $0x38;
	[tilespmem:$0xDC00] =	vst v63  }
0x29: {  	_ =	swait.ge [sflag:s15], $0x4800  }
0x2a: {  	[sflag:s15] =	ssyncset.done $0x0  }
0x2b: {  	[sflag:s15] =	ssyncadd.s32 $0xFFFFB800  }
0x2c: {  	[tilespmem:s16], [sflag:$0x1] =	stream.indirect.gather [hbm4b:s4+s17], $0x90, s3, s17, $0xb8;
	[tilespmem:$0xDC00] =	vst v63  }
0x2d: {  	_ = 	snop  }
0x2e: {  	[tilespmem:s19], [sflag:$0x2] =	stream.indirect.gather [hbm4b:s4+s17], $0x90, s18, s17, $0xb8;
	[tilespmem:$0xDC00] =	vst v63  }
0x2f: {  	[bflag:$0x0] =	sbarrier.arrive $0xFFFF  }
0x30: {  	[tilespmem:s20], [sflag:$0x3] =	stream.linear.gather [hbm4b:s8+s3], $0x200, $0x38;
	[tilespmem:$0xDC00] =	vst v63  }
0x31: {  	_ =	swait.ge [sflag:s15], $0x200  }
0x32: {  	[sflag:s15] =	ssyncset.done $0x0  }
0x33: {  	[sflag:s15] =	ssyncadd.s32 $0xFFFFFE00  }
0x34: {  	_ =	swait.ge [sflag:s21], $0x4800  }
0x35: {  	[sflag:s21] =	ssyncset.done $0x0  }
0x36: {  	[sflag:s21] =	ssyncadd.s32 $0xFFFFB800  }
0x37: {  	[spmem:s2] =	stream.indirect.scatter.add.f32 [tilespmem:s16], [sflag:$0x3], $0x90, s17, s17, $0xb8;
	[tilespmem:$0xDC00] =	vst v63  }
0x38: {  	_ =	swait.ge [sflag:s15], $0x4800  }
0x39: {  	[sflag:s15] =	ssyncset.done $0x0  }
0x3a: {  	[sflag:s15] =	ssyncadd.s32 $0xFFFFB800  }
0x3b: {  	[tilespmem:s16], [sflag:$0x1] =	stream.indirect.gather [hbm4b:s4+s17], $0x90, s20, s17, $0xb8;
	[tilespmem:$0xDC00] =	vst v63  }
0x3c: {  	_ =	swait.ge [sflag:s22], $0x4800  }
0x3d: {  	[sflag:s22] =	ssyncset.done $0x0  }
0x3e: {  	[sflag:s22] =	ssyncadd.s32 $0xFFFFB800  }
0x3f: {  	[spmem:s2] =	stream.indirect.scatter.add.f32 [tilespmem:s19], [sflag:$0x3], $0x90, s23, s17, $0xb8;
	[tilespmem:$0xDC00] =	vst v63  }
0x40: {  	_ =	swait.ge [sflag:s15], $0x4800  }
0x41: {  	[sflag:s15] =	ssyncset.done $0x0  }
0x42: {  	[sflag:s15] =	ssyncadd.s32 $0xFFFFB800  }
0x43: {  	[tilespmem:s19], [sflag:$0x2] =	stream.indirect.gather [hbm4b:s4+s17], $0x90, s24, s17, $0xb8;
	[tilespmem:$0xDC00] =	vst v63  }
0x44: {  	_ = 	snop  }
0x45: {  	[tilespmem:s3], [sflag:$0x3] =	stream.linear.gather [hbm4b:s10+s3], $0x200, $0x38;
	[tilespmem:$0xDC00] =	vst v63  }
0x46: {  	_ =	swait.ge [sflag:s15], $0x200  }
0x47: {  	[sflag:s15] =	ssyncset.done $0x0  }
0x48: {  	[sflag:s15] =	ssyncadd.s32 $0xFFFFFE00  }
0x49: {  	_ =	swait.ge [sflag:s21], $0x4800  }
0x4a: {  	[sflag:s21] =	ssyncset.done $0x0  }
0x4b: {  	[sflag:s21] =	ssyncadd.s32 $0xFFFFB800  }
0x4c: {  	[spmem:s2] =	stream.indirect.scatter.add.f32 [tilespmem:s16], [sflag:$0x3], $0x90, s25, s17, $0xb8;
	[tilespmem:$0xDC00] =	vst v63  }
0x4d: {  	_ =	swait.ge [sflag:s15], $0x4800  }
0x4e: {  	[sflag:s15] =	ssyncset.done $0x0  }
0x4f: {  	[sflag:s15] =	ssyncadd.s32 $0xFFFFB800  }
0x50: {  	[tilespmem:s16], [sflag:$0x1] =	stream.indirect.gather [hbm4b:s4+s17], $0x90, s3, s17, $0xb8;
	[tilespmem:$0xDC00] =	vst v63  }
0x51: {  	_ =	swait.ge [sflag:s22], $0x4800  }
0x52: {  	[sflag:s22] =	ssyncset.done $0x0  }
0x53: {  	[sflag:s22] =	ssyncadd.s32 $0xFFFFB800  }
0x54: {  	[spmem:s2] =	stream.indirect.scatter.add.f32 [tilespmem:s19], [sflag:$0x3], $0x90, s26, s17, $0xb8;
	[tilespmem:$0xDC00] =	vst v63  }
0x55: {  	_ =	swait.ge [sflag:s15], $0x4800  }
0x56: {  	[sflag:s15] =	ssyncset.done $0x0  }
0x57: {  	[sflag:s15] =	ssyncadd.s32 $0xFFFFB800  }
0x58: {  	[tilespmem:s19], [sflag:$0x2] =	stream.indirect.gather [hbm4b:s4+s17], $0x90, s18, s17, $0xb8;
	[tilespmem:$0xDC00] =	vst v63  }
0x59: {  	_ = 	snop  }
0x5a: {  	[tilespmem:s20], [sflag:$0x3] =	stream.linear.gather [hbm4b:s11+s3], $0x200, $0x38;
	[tilespmem:$0xDC00] =	vst v63  }
0x5b: {  	_ =	swait.ge [sflag:s15], $0x200  }
0x5c: {  	[sflag:s15] =	ssyncset.done $0x0  }
0x5d: {  	[sflag:s15] =	ssyncadd.s32 $0xFFFFFE00  }
0x5e: {  	_ =	swait.ge [sflag:s21], $0x4800  }
0x5f: {  	[sflag:s21] =	ssyncset.done $0x0  }
0x60: {  	[sflag:s21] =	ssyncadd.s32 $0xFFFFB800  }
0x61: {  	[spmem:s2] =	stream.indirect.scatter.add.f32 [tilespmem:s16], [sflag:$0x3], $0x90, s17, s17, $0xb8;
	[tilespmem:$0xDC00] =	vst v63  }
0x62: {  	_ =	swait.ge [sflag:s15], $0x4800  }
0x63: {  	[sflag:s15] =	ssyncset.done $0x0  }
0x64: {  	[sflag:s15] =	ssyncadd.s32 $0xFFFFB800  }
0x65: {  	[tilespmem:s16], [sflag:$0x1] =	stream.indirect.gather [hbm4b:s4+s17], $0x90, s20, s17, $0xb8;
	[tilespmem:$0xDC00] =	vst v63  }
0x66: {  	_ =	swait.ge [sflag:s22], $0x4800  }
0x67: {  	[sflag:s22] =	ssyncset.done $0x0  }
0x68: {  	[sflag:s22] =	ssyncadd.s32 $0xFFFFB800  }
0x69: {  	[spmem:s2] =	stream.indirect.scatter.add.f32 [tilespmem:s19], [sflag:$0x3], $0x90, s23, s17, $0xb8;
	[tilespmem:$0xDC00] =	vst v63  }
0x6a: {  	_ =	swait.ge [sflag:s15], $0x4800  }
0x6b: {  	[sflag:s15] =	ssyncset.done $0x0  }
0x6c: {  	[sflag:s15] =	ssyncadd.s32 $0xFFFFB800  }
0x6d: {  	[tilespmem:s19], [sflag:$0x2] =	stream.indirect.gather [hbm4b:s4+s17], $0x90, s24, s17, $0xb8;
	[tilespmem:$0xDC00] =	vst v63  }
0x6e: {  	_ = 	snop  }
0x6f: {  	[tilespmem:s3], [sflag:$0x3] =	stream.linear.gather [hbm4b:s12+s3], $0x200, $0x38;
	[tilespmem:$0xDC00] =	vst v63  }
0x70: {  	_ =	swait.ge [sflag:s15], $0x200  }
0x71: {  	[sflag:s15] =	ssyncset.done $0x0  }
0x72: {  	[sflag:s15] =	ssyncadd.s32 $0xFFFFFE00  }
0x73: {  	_ =	swait.ge [sflag:s21], $0x4800  }
0x74: {  	[sflag:s21] =	ssyncset.done $0x0  }
0x75: {  	[sflag:s21] =	ssyncadd.s32 $0xFFFFB800  }
0x76: {  	[spmem:s2] =	stream.indirect.scatter.add.f32 [tilespmem:s16], [sflag:$0x3], $0x90, s25, s17, $0xb8;
	[tilespmem:$0xDC00] =	vst v63  }
0x77: {  	_ =	swait.ge [sflag:s15], $0x4800  }
0x78: {  	[sflag:s15] =	ssyncset.done $0x0  }
0x79: {  	[sflag:s15] =	ssyncadd.s32 $0xFFFFB800  }
0x7a: {  	[tilespmem:s16], [sflag:$0x1] =	stream.indirect.gather [hbm4b:s4+s17], $0x90, s3, s17, $0xb8;
	[tilespmem:$0xDC00] =	vst v63  }
0x7b: {  	_ =	swait.ge [sflag:s22], $0x4800  }
0x7c: {  	[sflag:s22] =	ssyncset.done $0x0  }
0x7d: {  	[sflag:s22] =	ssyncadd.s32 $0xFFFFB800  }
0x7e: {  	[spmem:s2] =	stream.indirect.scatter.add.f32 [tilespmem:s19], [sflag:$0x3], $0x90, s26, s17, $0xb8;
	[tilespmem:$0xDC00] =	vst v63  }
0x7f: {  	_ =	swait.ge [sflag:s15], $0x4800  }
0x80: {  	[sflag:s15] =	ssyncset.done $0x0  }
0x81: {  	[sflag:s15] =	ssyncadd.s32 $0xFFFFB800  }
0x82: {  	[tilespmem:s19], [sflag:$0x2] =	stream.indirect.gather [hbm4b:s4+s17], $0x90, s18, s17, $0xb8;
	[tilespmem:$0xDC00] =	vst v63  }
0x83: {  	_ = 	snop  }
0x84: {  	[tilespmem:s20], [sflag:$0x3] =	stream.linear.gather [hbm4b:s13+s3], $0x200, $0x38;
	[tilespmem:$0xDC00] =	vst v63  }
0x85: {  	_ =	swait.ge [sflag:s15], $0x200  }
0x86: {  	[sflag:s15] =	ssyncset.done $0x0  }
0x87: {  	[sflag:s15] =	ssyncadd.s32 $0xFFFFFE00  }
0x88: {  	_ =	swait.ge [sflag:s21], $0x4800  }
0x89: {  	[sflag:s21] =	ssyncset.done $0x0  }
0x8a: {  	[sflag:s21] =	ssyncadd.s32 $0xFFFFB800  }
0x8b: {  	[spmem:s2] =	stream.indirect.scatter.add.f32 [tilespmem:s16], [sflag:$0x3], $0x90, s17, s17, $0xb8;
	[tilespmem:$0xDC00] =	vst v63  }
0x8c: {  	_ =	swait.ge [sflag:s15], $0x4800  }
0x8d: {  	[sflag:s15] =	ssyncset.done $0x0  }
0x8e: {  	[sflag:s15] =	ssyncadd.s32 $0xFFFFB800  }
0x8f: {  	[tilespmem:s16], [sflag:$0x1] =	stream.indirect.gather [hbm4b:s4+s17], $0x90, s20, s17, $0xb8;
	[tilespmem:$0xDC00] =	vst v63  }
0x90: {  	_ =	swait.ge [sflag:s22], $0x4800  }
0x91: {  	[sflag:s22] =	ssyncset.done $0x0  }
0x92: {  	[sflag:s22] =	ssyncadd.s32 $0xFFFFB800  }
0x93: {  	[spmem:s2] =	stream.indirect.scatter.add.f32 [tilespmem:s19], [sflag:$0x3], $0x90, s23, s17, $0xb8;
	[tilespmem:$0xDC00] =	vst v63  }
0x94: {  	_ =	swait.ge [sflag:s15], $0x4800  }
0x95: {  	[sflag:s15] =	ssyncset.done $0x0  }
0x96: {  	[sflag:s15] =	ssyncadd.s32 $0xFFFFB800  }
0x97: {  	[tilespmem:s19], [sflag:$0x2] =	stream.indirect.gather [hbm4b:s4+s17], $0x90, s24, s17, $0xb8;
	[tilespmem:$0xDC00] =	vst v63  }
0x98: {  	_ = 	snop  }
0x99: {  	[tilespmem:s3], [sflag:$0x3] =	stream.linear.gather [hbm4b:s14+s3], $0x200, $0x38;
	[tilespmem:$0xDC00] =	vst v63  }
0x9a: {  	_ =	swait.ge [sflag:s15], $0x200  }
0x9b: {  	[sflag:s15] =	ssyncset.done $0x0  }
0x9c: {  	[sflag:s15] =	ssyncadd.s32 $0xFFFFFE00  }
0x9d: {  	_ =	swait.ge [sflag:s21], $0x4800  }
0x9e: {  	[sflag:s21] =	ssyncset.done $0x0  }
0x9f: {  	[sflag:s21] =	ssyncadd.s32 $0xFFFFB800  }
0xa0: {  	[spmem:s2] =	stream.indirect.scatter.add.f32 [tilespmem:s16], [sflag:$0x3], $0x90, s25, s17, $0xb8;
	[tilespmem:$0xDC00] =	vst v63  }
0xa1: {  	_ =	swait.ge [sflag:s15], $0x4800  }
0xa2: {  	[sflag:s15] =	ssyncset.done $0x0  }
0xa3: {  	[sflag:s15] =	ssyncadd.s32 $0xFFFFB800  }
0xa4: {  	[tilespmem:s16], [sflag:$0x1] =	stream.indirect.gather [hbm4b:s4+s17], $0x90, s3, s17, $0xb8;
	[tilespmem:$0xDC00] =	vst v63  }
0xa5: {  	_ =	swait.ge [sflag:s22], $0x4800  }
0xa6: {  	[sflag:s22] =	ssyncset.done $0x0  }
0xa7: {  	[sflag:s22] =	ssyncadd.s32 $0xFFFFB800  }
0xa8: {  	[spmem:s2] =	stream.indirect.scatter.add.f32 [tilespmem:s19], [sflag:$0x3], $0x90, s26, s17, $0xb8;
	[tilespmem:$0xDC00] =	vst v63  }
0xa9: {  	_ =	swait.ge [sflag:s15], $0x4800  }
0xaa: {  	[sflag:s15] =	ssyncset.done $0x0  }
0xab: {  	[sflag:s15] =	ssyncadd.s32 $0xFFFFB800  }
0xac: {  	[tilespmem:s19], [sflag:$0x2] =	stream.indirect.gather [hbm4b:s4+s17], $0x90, s18, s17, $0xb8;
	[tilespmem:$0xDC00] =	vst v63  }
0xad: {  	_ =	swait.ge [sflag:s21], $0x4800  }
0xae: {  	[sflag:s21] =	ssyncset.done $0x0  }
0xaf: {  	[sflag:s21] =	ssyncadd.s32 $0xFFFFB800  }
0xb0: {  	[spmem:s2] =	stream.indirect.scatter.add.f32 [tilespmem:s16], [sflag:$0x3], $0x90, s17, s17, $0xb8;
	[tilespmem:$0xDC00] =	vst v63  }
0xb1: {  	_ =	swait.ge [sflag:s15], $0x4800  }
0xb2: {  	[sflag:s15] =	ssyncset.done $0x0  }
0xb3: {  	[sflag:s15] =	ssyncadd.s32 $0xFFFFB800  }
0xb4: {  	_ =	swait.ge [sflag:s22], $0x4800  }
0xb5: {  	[sflag:s22] =	ssyncset.done $0x0  }
0xb6: {  	[sflag:s22] =	ssyncadd.s32 $0xFFFFB800  }
0xb7: {  	[spmem:s2] =	stream.indirect.scatter.add.f32 [tilespmem:s19], [sflag:$0x3], $0x90, s23, s17, $0xb8;
	[tilespmem:$0xDC00] =	vst v63  }
0xb8: {  	_ =	swait.ge [sflag:s15], $0x4800  }
0xb9: {  	s31 =	sshll.u32 s1, $0x6;
	s28 =	sadd.s32 $0x1, s28;
	[sflag:s15] =	ssyncset.done $0x0  }
0xba: {  	s30 =	sshrl.u32 s6, $0x3;
	p0 =	sne.s32 s28, s9;
	[sflag:s15] =	ssyncadd.s32 $0xFFFFB800  }
.Ltmp1:
0xbb: {  	s29 =	sor.u32 $0x1C03, s31;
	[bflag:$0x0] =	sbarrier.arrive $0xFFFF;
	(pc) =	sbr.rel @p0 .LBB2_1-.Ltmp1, $4  }
0xbc: {  	[hbm:s7], [sflag:s29] =	dma.local [spmem:s30], $0x900  }
0xbd: {  	_ =	swait.ge [sflag:s15], $0x900  }
0xbe: {  	[sflag:s15] =	ssyncset.done $0x0  }
0xbf: {  	[sflag:s15] =	ssyncadd.s32 $0xFFFFF700  }
0xc0: {  	_ =	sfence.sel $0x180000  }
0xc1: {  	[bflag:$0x0] =	sbarrier.arrive $0xFFFF  }
0xc2: {  	p0 =	sne.s32 s1, $0x0;
	_ =	strace $0x90000047  }
0xc3: {  	s0 =	sadd.s32 @!p0 $0x100000, s0;
	[bflag:$0x2] =	sbarrier.arrive $0xFFFF  }
0xc4: {  	[sflag:s0] =	ssyncadd.tile.s32 @!p0 $0x1;
	_ =	shalt  }
.Lfunc_end2:
_tile_overlayer_lowered:
.L_overlay_start_2:
0xc5: {  	(tag) =	ssettag $0x2  }
0xc6: {  	s0 =	rddreg [dreg:$0x0];
	s2 =	stileid.u32  }
0xc7: {  	s1 =	rddreg [dreg:$0x1];
	p0 =	sne.s32 s2, $0x0  }
0xc8: {  	s3 =	rddreg [dreg:$0x2];
	[bflag:$0x3] =	sbarrier.arrive $0xFFFF;
	s2 =	simm.s32 @!p0 $0x1C03  }
0xc9: {  	[timem:s3], [sflag:s2] =	dma.local @!p0 [hbm:s0], s1  }
0xca: {  	s0 =	simm.s32 @!p0 $0x3  }
0xcb: {  	_ =	swait.ge @!p0 [sflag:s0], s1  }
0xcc: {  	s1 =	ssub.s32 @!p0 $0x0, s1;
	[sflag:s0] =	ssyncset.done @!p0 $0x0  }
0xcd: {  	[sflag:s0] =	ssyncadd.s32 @!p0 s1  }
0xce: {  	[bflag:$0x3] =	sbarrier.arrive $0xFFFF  }
0xcf: {  	_ =	shalt  }

// kernel: kernel.14.cloned.1.call-start
scs
__scs_entry_jumppad:
0x0: {  	(pc) =	sbr.rel $0x88, $3  }
0x1: {  	(tag) =	ssettag $0x0;
	lr =	simm.s32 $0x1  }
0x2: {  	[smem:$0x3F9B] =	sst lr;
	_ =	strace $0xD0000000  }
0x3: {  	_ = 	snop  }
0x4: {  	_ = 	snop  }
0x5: {  	_ = 	snop  }
0x6: {  	_ = 	snop  }
0x7: {  	_ = 	snop  }
__scs_overlays_trampoline_lowered:
0x8: {  	[smem:$0x3FAA] =	sst s0  }
0x9: {  	[smem:$0x3FAB] =	sst s1  }
0xa: {  	[smem:$0x3FAC] =	sst s2  }
0xb: {  	[smem:$0x3FAD] =	sst s3  }
0xc: {  	[smem:$0x3FAE] =	sst s4  }
0xd: {  	[smem:$0x3FAF] =	sst s5  }
0xe: {  	[smem:$0x3FB0] =	sst s6  }
0xf: {  	[smem:$0x3FB1] =	sst s7  }
0x10: {  	[smem:$0x3FB2] =	sst s8  }
0x11: {  	[smem:$0x3FB3] =	sst s9;
	s0 =	simm.s32 @!p0 $0x0  }
0x12: {  	s1 =	sld [smem:$0x3F99];
	s0 =	simm.s32 @p0 $0x1  }
0x13: {  	[smem:$0x3FB4] =	sst s0;
	s0 =	simm.s32 @!p1 $0x0  }
0x14: {  	s2 =	sld [smem:$0x3F98];
	s0 =	simm.s32 @p1 $0x1  }
0x15: {  	[smem:$0x3FB5] =	sst s0;
	s0 =	simm.s32 @!p2 $0x0  }
0x16: {  	s3 =	sld [smem:$0x3FDB];
	s0 =	simm.s32 @p2 $0x1  }
0x17: {  	s4 =	simm.s32 $0x1BF5;
	[smem:$0x3FB7] =	sst s0  }
0x18: {  	s0 =	sld [smem:$0x3F9A];
	_ =	swait.ge [sflag:s4], $0x0  }
0x19: {  	s7 =	sld [smem:$0x3F9B]  }
0x1a: {  	s8 =	sadd.s32 $0xFFFFE003, lr  }
0x1b: {  	s9 =	sadd.s32 $0xFFFFFEF7, lr;
	s5 =	simm.s32 $0xFFFFFFFF;
	p2 =	slt.u32 s8, $0xFFFFF086  }
0x1c: {  	p1 =	slt.u32 s9, $0xF7A;
	s5 =	simm.s32 @!p2 $0x0  }
0x1d: {  	s5 =	simm.s32 @p1 $0x1;
	p0 =	seq.s32 s7, s2  }
0x1e: {  	s7 =	smul.u32 @!p0 $0xF7A, s2;
	p2 =	seq.s32 @!p0 s5, $0x0  }
0x1f: {  	s9 =	smul.u32 $0xF7A, s1;
	s8 =	simm.s32 @!p0 $0x1BF5;
	p2 =	por !p2, p0  }
0x20: {  	[sflag:s8] =	ssyncset.s32 @!p0 $0xFFFFF086;
	s6 =	sadd.s32 @!p0 s3, s7;
	s7 =	simm.s32 @!p0 $0x108  }
0x21: {  	s3 =	sadd.s32 s3, s9;
	s6 =	sadd.s32 @!p0 $0x88, s6;
	s7 =	simm.s32 @p2 $0x1082  }
0x22: {  	[simem:s7], [sflag:s8] =	dma.local @!p0 [hbm:s6], $0xF7A  }
0x23: {  	s9 =	sor.u32 $0xD0000000, s2;
	s6 =	simm.s32 $0x108;
	_ =	swait.ge @!p0 [sflag:s8], $0x0  }
0x24: {  	s3 =	sadd.s32 $0x88, s3;
	s6 =	simm.s32 @!p1 $0x1082;
	[sflag:s4] =	ssyncset.s32 $0xFFFFF086  }
0x25: {  	[simem:s6], [sflag:s4] =	dma.local [hbm:s3], $0xF7A  }
0x26: {  	[smem:$0x3F9B] =	sst s1;
	(tag) =	ssettag s2;
	_ =	strace s9  }
0x27: {  	s1 =	sld [smem:$0x3FAB]  }
0x28: {  	s2 =	sld [smem:$0x3FAC]  }
0x29: {  	s4 =	sld [smem:$0x3FAE]  }
0x2a: {  	p0 =	seq.s32 s5, $0x0;
	s5 =	sld [smem:$0x3FAF]  }
0x2b: {  	s6 =	sld [smem:$0x3FB0]  }
0x2c: {  	s7 =	sld [smem:$0x3FB1]  }
0x2d: {  	s3 =	simm.s32 $0x108;
	s8 =	sld [smem:$0x3FB2]  }
0x2e: {  	s3 =	simm.s32 @!p0 $0x1082;
	s9 =	sld [smem:$0x3FB3]  }
0x2f: {  	lr =	sadd.s32 s0, s3;
	s0 =	sld [smem:$0x3FAA]  }
0x30: {  	s3 =	sld [smem:$0x3FAD]  }
0x31: {  	[smem:$0x3FB6] =	sst s10  }
0x32: {  	s10 =	sld [smem:$0x3FB4];
	_ =	sdelay $0x3  }
0x33: {  	p0 =	seq.s32 s10, $0x1;
	s10 =	sld [smem:$0x3FB6];
	_ =	sdelay $0x3  }
0x34: {  	[smem:$0x3FB6] =	sst s10  }
0x35: {  	s10 =	sld [smem:$0x3FB5];
	_ =	sdelay $0x3  }
0x36: {  	p1 =	seq.s32 s10, $0x1;
	s10 =	sld [smem:$0x3FB6];
	_ =	sdelay $0x3  }
0x37: {  	[smem:$0x3FB6] =	sst s10  }
0x38: {  	s10 =	sld [smem:$0x3FB7]  }
0x39: {  	_ = 	snop;
	(pc) =	sbr.ind lr, $3  }
0x3a: {  	_ = 	snop  }
0x3b: {  	_ = 	snop  }
0x3c: {  	p2 =	seq.s32 s10, $0x1;
	s10 =	sld [smem:$0x3FB6]  }
0x3d: {  	_ =	shalt  }
0x3e: {  	_ =	shalt  }
0x3f: {  	_ =	shalt  }
0x40: {  	_ =	shalt  }
0x41: {  	_ =	shalt  }
0x42: {  	_ =	shalt  }
0x43: {  	_ =	shalt  }
0x44: {  	_ =	shalt  }
0x45: {  	_ =	shalt  }
0x46: {  	_ =	shalt  }
0x47: {  	_ =	shalt  }
0x48: {  	_ =	shalt  }
0x49: {  	_ =	shalt  }
0x4a: {  	_ =	shalt  }
0x4b: {  	_ =	shalt  }
0x4c: {  	_ =	shalt  }
0x4d: {  	_ =	shalt  }
0x4e: {  	_ =	shalt  }
0x4f: {  	_ =	shalt  }
0x50: {  	_ =	shalt  }
0x51: {  	_ =	shalt  }
0x52: {  	_ =	shalt  }
0x53: {  	_ =	shalt  }
0x54: {  	_ =	shalt  }
0x55: {  	_ =	shalt  }
0x56: {  	_ =	shalt  }
0x57: {  	_ =	shalt  }
0x58: {  	_ =	shalt  }
0x59: {  	_ =	shalt  }
0x5a: {  	_ =	shalt  }
0x5b: {  	_ =	shalt  }
0x5c: {  	_ =	shalt  }
0x5d: {  	_ =	shalt  }
0x5e: {  	_ =	shalt  }
0x5f: {  	_ =	shalt  }
0x60: {  	_ =	shalt  }
0x61: {  	_ =	shalt  }
0x62: {  	_ =	shalt  }
0x63: {  	_ =	shalt  }
0x64: {  	_ =	shalt  }
0x65: {  	_ =	shalt  }
0x66: {  	_ =	shalt  }
0x67: {  	_ =	shalt  }
0x68: {  	_ =	shalt  }
0x69: {  	_ =	shalt  }
0x6a: {  	_ =	shalt  }
0x6b: {  	_ =	shalt  }
0x6c: {  	_ =	shalt  }
0x6d: {  	_ =	shalt  }
0x6e: {  	_ =	shalt  }
0x6f: {  	_ =	shalt  }
0x70: {  	_ =	shalt  }
0x71: {  	_ =	shalt  }
0x72: {  	_ =	shalt  }
0x73: {  	_ =	shalt  }
0x74: {  	_ =	shalt  }
0x75: {  	_ =	shalt  }
0x76: {  	_ =	shalt  }
0x77: {  	_ =	shalt  }
0x78: {  	_ =	shalt  }
0x79: {  	_ =	shalt  }
0x7a: {  	_ =	shalt  }
0x7b: {  	_ =	shalt  }
0x7c: {  	_ =	shalt  }
0x7d: {  	_ =	shalt  }
0x7e: {  	_ =	shalt  }
0x7f: {  	_ =	shalt  }
0x80: {  	_ =	shalt  }
0x81: {  	_ =	shalt  }
0x82: {  	_ =	shalt  }
0x83: {  	_ =	shalt  }
0x84: {  	_ =	shalt  }
0x85: {  	_ =	shalt  }
0x86: {  	_ =	shalt  }
0x87: {  	_ =	shalt  }
.Lfunc_end0:
.L_simem_size_0:
called_computation.2_lowered:
.L_overlay_start_0:
0x88: {  	s2 =	sld [smem:$0x3FD9]  }
0x89: {  	s3 =	sld [smem:$0x3FFE];
	_ =	sdelay $0x1  }
0x8a: {  	s1 =	srdreg.scid  }
0x8b: {  	s0 =	sand.u32 $0x1, s1  }
0x8c: {  	s17 =	sshll.u32 s0, $0xA;
	s2 =	sadd.s32 s3, s2  }
0x8d: {  	s2 =	sadd.s32 s2, s17  }
0x8e: {  	[smem:$0x3FC2] =	sst s2  }
0x8f: {  	_ = 	snop  }
0x90: {  	(tm) =	ssettm $0x1  }
0x91: {  	s18 =	sld [smem:$0x3FFB];
	_ =	sdelay $0x3  }
0x92: {  	_ =	strace s18  }
0x93: {  	s2 =	sld [smem:$0x3FFC];
	_ =	sdelay $0x3  }
0x94: {  	_ =	strace s2  }
0x95: {  	s2 =	sld [smem:$0x3FFD];
	_ =	sdelay $0x3  }
0x96: {  	_ =	strace s2  }
0x97: {  	_ =	strace $0x8FFFFFFF  }
0x98: {  	s19 =	sld [smem:$0x3FDB];
	_ =	sdelay $0x1  }
0x99: {  	s20 =	simm.s32 $_scs_section_size  }
0x9a: {  	s4 =	simm.s32 $_size__tile_overlayer_lowered;
	s5 =	simm.s32 $_tile_overlayer_lowered  }
0x9b: {  	s6 =	simm.s32 $0x1BFF;
	s21 =	sshll.u32 s5, $0x1;
	s3 =	sadd.s32 s20, s19  }
0x9c: {  	s22 =	simm.s32 $0x0;
	s4 =	sshll.u32 s4, $0x1;
	s5 =	sadd.s32 s21, s3  }
0x9d: {  	[timem:s22], [sflag:s6] =	dma.local [hbm:s5], s4  }
0x9e: {  	_ =	swait.ge [sflag:s6], s4  }
0x9f: {  	s4 =	ssub.s32 $0x0, s4;
	[sflag:s6] =	ssyncset.done $0x0  }
0xa0: {  	[sflag:s6] =	ssyncadd.s32 s4;
	_ =	sdelay $0x1  }
0xa1: {  	s23 =	simm.s32 $0x1B8B  }
0xa2: {  	_ =	swait.ge [sflag:s23], $0x1  }
0xa3: {  	[sflag:s23] =	ssyncset.done $0x0  }
0xa4: {  	[sflag:s23] =	ssyncadd.s32 $0xFFFFFFFF  }
0xa5: {  	s4 =	sld [smem:$0x0]  }
0xa6: {  	s5 =	sand.u32 $0xFFFFFFFE, s1  }
0xa7: {  	p0 =	sne.s32 s1, s5  }
0xa8: {  	s5 =	sshll.u32 @p0 s5, $0xE  }
0xa9: {  	s5 =	sadd.s32 @p0 $0x11B8D, s5;
	s6 =	sshll.u32 @p0 s4, $0x11  }
0xaa: {  	s5 =	sor.u32 @p0 s6, s5  }
0xab: {  	[sflag:s5] =	ssyncadd.remote.s32 @p0 $0x1;
	_ =	sdelay $0x1  }
0xac: {  	s5 =	simm.s32 @p0 $0x1B8D  }
0xad: {  	_ =	swait.eq @p0 [sflag:s5], $0x1  }
0xae: {  	[sflag:s5] =	ssyncadd.s32 @p0 $0xFFFFFFFF  }
0xaf: {  	s6 =	sshll.u32 @!p0 s1, $0xE  }
0xb0: {  	s6 =	sor.u32 @!p0 $0x4000, s6;
	s5 =	simm.s32 @!p0 $0x1B8D  }
0xb1: {  	s4 =	sshll.u32 @!p0 s4, $0x11;
	s6 =	sadd.s32 @!p0 $0x11B8D, s6;
	_ =	swait.eq @!p0 [sflag:s5], $0x1  }
0xb2: {  	s4 =	sor.u32 @!p0 s4, s6;
	[sflag:s5] =	ssyncadd.s32 @!p0 $0xFFFFFFFF  }
0xb3: {  	s25 =	simm.s32 $0x1B8E;
	s24 =	sld [smem:$0x3FFE];
	[sflag:s4] =	ssyncadd.remote.s32 @!p0 $0x1  }
0xb4: {  	s26 =	simm.s32 $execute0_lowered;
	[smem:$0x3FD2] =	sst s25  }
0xb5: {  	s5 =	sshll.u32 s26, $0x1;
	_ =	strace $0x8000004C;
	[dreg:$0x1] =	wrdreg $0xFFFFFFFF  }
0xb6: {  	s28 =	simm.s32 $_size_execute0_lowered;
	s3 =	sadd.s32 s3, s5;
	[dreg:$0x0] =	wrdreg $0x0  }
0xb7: {  	s5 =	sshll.u32 s28, $0x1;
	[dreg:$0x2] =	wrdreg s3  }
0xb8: {  	[dreg:$0x3] =	wrdreg s5  }
0xb9: {  	[dreg:$0x4] =	wrdreg $0xC0  }
0xba: {  	_ =	task [dreg:s22], $0x5FFFF  }
0xbb: {  	[dreg:$0x1] =	wrdreg $0xFFFFFFFF  }
0xbc: {  	[dreg:$0x0] =	wrdreg $0x60  }
0xbd: {  	[dreg:$0x2] =	wrdreg s24  }
0xbe: {  	[dreg:$0x3] =	wrdreg $0x94000  }
0xbf: {  	[dreg:$0x4] =	wrdreg $0xA  }
0xc0: {  	_ =	task.clear_ibuf [dreg:s22], $0x5FFFF;
	_ =	strace $0x9000004C  }
0xc1: {  	s29 =	simm.s32 $0xA;
	_ =	strace $0x8000004E  }
0xc2: {  	_ =	swait.ge [sflag:s29], $0x1  }
0xc3: {  	[sflag:s29] =	ssyncadd.s32 $0xFFFFFFFF  }
0xc4: {  	_ =	strace $0x9000004E  }
0xc5: {  	_ =	sfence  }
0xc6: {  	s30 =	sld [smem:$0x0];
	_ =	sdelay $0x2  }
0xc7: {  	s31 =	sshll.u32 s1, $0xD;
	s1 =	sshrl.u32 s1, $0x2  }
0xc8: {  	s4 =	sand.u32 $0x4000, s31;
	s1 =	sadd.s32 s1, s30  }
0xc9: {  	s0 =	sor.u32 s4, s0;
	s1 =	sshll.u32 s1, $0x11  }
0xca: {  	s0 =	sor.u32 s1, s0  }
0xcb: {  	s0 =	sadd.s32 $0x8F2B, s0  }
0xcc: {  	[sflag:s0] =	ssyncadd.remote.s32 $0x1  }
0xcd: {  	_ =	sfence.sel $0xFFFF  }
0xce: {  	[dreg:$0x0] =	wrdreg $0xFFFFFFFF;
	(pc) =	sbr.abs _section_cstart, $3  }
0xcf: {  	[dreg:$0x1] =	wrdreg $0xFFFFFFFF  }
0xd0: {  	_ =	task.clear_ibuf [dreg:s22], $0x2FFFF;
	_ =	strace $0x9FFFFFFF  }
0xd1: {  	(tm) =	ssettm $0x7FFFFFFF  }
tec
execute0_lowered:
.L_overlay_start_1:
0x0: {  	(tag) =	ssettag $0x1  }
0x1: {  	s0 =	rddreg [dreg:$0x0];
	s1 =	srdreg.scid  }
0x2: {  	s10 =	stileid.u32;
	s2 =	rddreg [dreg:$0x1]  }
0x3: {  	s3 =	simm.s32 $0x0;
	s29 =	simm.s32 $0x3;
	s6 =	smul.u32 $0x280, s10  }
0x4: {  	s30 =	simm.s32 $0x400;
	s1 =	sand.u32 $0x1, s1;
	s9 =	smul.u32 $0x16800, s10  }
0x5: {  	s4 =	sshll.u32 s10, $0x1;
	[smem:$0x7FF] =	sst s3;
	s10 =	smul.u32 $0x5A000, s10  }
0x6: {  	s4 =	sor.u32 s1, s4;
	s7 =	ssub.s32 $0x2, s1;
	s1 =	smul.u32 $0x168000, s1  }
0x7: {  	s31 =	simm.s32 $0x80;
	_ =	strace $0x8000004D;
	s5 =	smul.u32 $0xE00, s4  }
0x8: {  	s4 =	sadd.s32 $0x2E200, s0;
	s8 =	sshrl.u32 s7, $0x1;
	s6 =	sadd.s32 $0x80, s6  }
0x9: {  	s12 =	sshrl.u32 s10, $0x2;
	s14 =	sadd.s32 $0x24000, s10;
	s16 =	sadd.s32 $0x36000, s10  }
0xa: {  	s17 =	sadd.s32 $0x48000, s10;
	s23 =	sadd.s32 $0x9000, s9;
	s24 =	sadd.s32 $0xD800, s9  }
0xb: {  	s10 =	simm.s32 $0x280;
	s7 =	ssub.s32 s7, s8;
	s26 =	smul.u32 $0x240, s6  }
0xc: {  	s25 =	sadd.s32 s1, s9;
	s15 =	sshrl.u32 s14, $0x2;
	s6 =	smul.u32 $0x90, s6  }
0xd: {  	s5 =	sshrl.u32 s5, $0x3;
	s8 =	sshrl.u32 s25, $0x3;
	s7 =	smax.u32 s7, $0x1  }
0xe: {  	s25 =	sadd.s32 $0x12000, s9;
	s9 =	sadd.s32 s9, s2;
	s5 =	sadd.s32 s5, s0  }
0xf: {  	s0 =	sadd.s32 $0xA1200, s0;
	[dreg:$0x5] =	wrdreg s7;
	s7 =	sadd.s32 s12, s2  }
0x10: {  	s13 =	sshrl.u32 s26, $0x2;
	s18 =	sadd.s32 s1, s6;
	s26 =	sadd.s32 s1, s23  }
0x11: {  	s12 =	sadd.s32 s1, s24;
	s1 =	sadd.s32 s1, s25;
	s14 =	sadd.s32 s25, s2  }
0x12: {  	s11 =	sadd.s32 $0x9DA00, s5;
	s8 =	sadd.s32 s0, s8;
	[dreg:$0x6] =	wrdreg s7  }
0x13: {  	s7 =	sadd.s32 s13, s2;
	s20 =	sshrl.u32 s18, $0x3;
	[dreg:$0x3] =	wrdreg s11  }
0x14: {  	s21 =	sadd.s32 $0x9DA40, s5;
	s22 =	sadd.s32 $0x9DA80, s5;
	[dreg:$0x4] =	wrdreg s8  }
0x15: {  	s12 =	sshrl.u32 s12, $0x3;
	s1 =	sshrl.u32 s1, $0x3;
	[dreg:$0x7] =	wrdreg s7  }
0x16: {  	s13 =	sadd.s32 s24, s2;
	s28 =	sshrl.u32 s14, $0x3;
	[dreg:$0xb] =	wrdreg s21  }
0x17: {  	s7 =	sadd.s32 s15, s2;
	s8 =	sshrl.u32 s17, $0x2;
	[dreg:$0xc] =	wrdreg s22  }
0x18: {  	s15 =	sadd.s32 s0, s20;
	s11 =	sshrl.u32 s26, $0x3;
	s17 =	sadd.s32 s0, s12  }
0x19: {  	s18 =	sadd.s32 s0, s1;
	s20 =	sadd.s32 $0x9DB00, s5;
	s21 =	sadd.s32 $0x9DB40, s5  }
0x1a: {  	s22 =	sadd.s32 $0x9DB80, s5;
	s12 =	sadd.s32 s23, s2;
	s23 =	sshrl.u32 s9, $0x3  }
0x1b: {  	s26 =	sshrl.u32 s13, $0x3;
	s1 =	simm.s32 $0x100;
	s9 =	simm.s32 $0x300  }
0x1c: {  	[dreg:$0x8] =	wrdreg s7;
	s7 =	sshrl.u32 s16, $0x2;
	s19 =	sadd.s32 s8, s2  }
0x1d: {  	s16 =	sadd.s32 s0, s11;
	s11 =	sadd.s32 s6, s2;
	s25 =	sshrl.u32 s12, $0x3  }
0x1e: {  	s0 =	simm.s32 $0x4C00;
	s6 =	simm.s32 $0x1;
	s8 =	simm.s32 $0x180  }
0x1f: {  	s12 =	simm.s32 $0x0;
	s7 =	sadd.s32 s7, s2;
	[dreg:$0xa] =	wrdreg s19  }
0x20: {  	s19 =	sadd.s32 $0x9DAC0, s5;
	s24 =	sshrl.u32 s11, $0x3;
	s5 =	simm.s32 $0x200  }
0x21: {  	v0 =	vimm.f32 $0.0e+00;
	s11 =	simm.s32 $0x380;
	[dreg:$0x9] =	wrdreg s7;
	s7 =	simm.s32 $0x2  }
.LBB2_1:
0x22: {  	s13 =	rddreg [dreg:$0x3]  }
0x23: {  	[tilespmem:s3], [sflag:$0x3] =	stream.linear.gather [hbm4b:s13+s3], $0x200, $0x38;
	[tilespmem:$0x1FC00] =	vst v63  }
0x24: {  	_ =	swait.ge [sflag:s29], $0x200  }
0x25: {  	[sflag:s29] =	ssyncset.done $0x0  }
0x26: {  	s14 =	simm.s32 $0x440;
	s13 =	simm.s32 $0x80;
	[sflag:s29] =	ssyncadd.s32 $0xFFFFFE00  }
.LBB2_2:
0x27: {  	p0 =	sne.s32 s14, $0x11FC0;
	[tilespmem:s13+$0x400] =	vst v0  }
0x28: {  	[tilespmem:s13+$0x380] =	vst v0  }
0x29: {  	[tilespmem:s13+$0x390] =	vst v0  }
0x2a: {  	[tilespmem:s13+$0x3A0] =	vst v0  }
.Ltmp0:
0x2b: {  	[tilespmem:s13+$0x3B0] =	vst v0;
	(pc) =	sbr.rel @p0 .LBB2_2-.Ltmp0, $4  }
0x2c: {  	[tilespmem:s13+$0x3C0] =	vst v0  }
0x2d: {  	[tilespmem:s13+$0x3D0] =	vst v0  }
0x2e: {  	[tilespmem:s13+$0x3E0] =	vst v0  }
0x2f: {  	[tilespmem:s13+$0x3F0] =	vst v0;
	s13 =	sshra.s32 s14, $0x2;
	s14 =	sadd.s32 $0x240, s14  }
0x30: {  	[tilespmem:s13+$0x400] =	vst v0  }
0x31: {  	[tilespmem:s13+$0x380] =	vst v0  }
0x32: {  	[tilespmem:s13+$0x390] =	vst v0  }
0x33: {  	[tilespmem:s13+$0x3A0] =	vst v0  }
0x34: {  	[tilespmem:s13+$0x3B0] =	vst v0  }
0x35: {  	[tilespmem:s13+$0x3C0] =	vst v0  }
0x36: {  	[tilespmem:s13+$0x3D0] =	vst v0  }
0x37: {  	[tilespmem:s13+$0x3E0] =	vst v0  }
0x38: {  	[tilespmem:s13+$0x3F0] =	vst v0;
	s14 =	rddreg [dreg:$0x6]  }
0x39: {  	[spmem:s14] =	stream.linear.scatter [tilespmem:s30], [sflag:$0x3], $0x4800, $0x38;
	[tilespmem:$0x1FC00] =	vst v63  }
0x3a: {  	_ =	swait.ge [sflag:s29], $0x4800  }
0x3b: {  	[sflag:s29] =	ssyncset.done $0x0  }
0x3c: {  	s14 =	rddreg [dreg:$0x7];
	[sflag:s29] =	ssyncadd.s32 $0xFFFFB800  }
0x3d: {  	[spmem:s14] =	stream.linear.scatter [tilespmem:s30], [sflag:$0x3], $0x4800, $0x38;
	[tilespmem:$0x1FC00] =	vst v63  }
0x3e: {  	_ =	swait.ge [sflag:s29], $0x4800  }
0x3f: {  	[sflag:s29] =	ssyncset.done $0x0  }
0x40: {  	s14 =	rddreg [dreg:$0x8];
	[sflag:s29] =	ssyncadd.s32 $0xFFFFB800  }
0x41: {  	[spmem:s14] =	stream.linear.scatter [tilespmem:s30], [sflag:$0x3], $0x4800, $0x38;
	[tilespmem:$0x1FC00] =	vst v63  }
0x42: {  	_ =	swait.ge [sflag:s29], $0x4800  }
0x43: {  	[sflag:s29] =	ssyncset.done $0x0  }
0x44: {  	s14 =	rddreg [dreg:$0x9];
	[sflag:s29] =	ssyncadd.s32 $0xFFFFB800  }
0x45: {  	[spmem:s14] =	stream.linear.scatter [tilespmem:s30], [sflag:$0x3], $0x4800, $0x38;
	[tilespmem:$0x1FC00] =	vst v63  }
0x46: {  	_ =	swait.ge [sflag:s29], $0x4800  }
0x47: {  	[sflag:s29] =	ssyncset.done $0x0  }
0x48: {  	s14 =	rddreg [dreg:$0xa];
	[sflag:s29] =	ssyncadd.s32 $0xFFFFB800  }
0x49: {  	[spmem:s14] =	stream.linear.scatter [tilespmem:s30], [sflag:$0x3], $0x4800, $0x38;
	[tilespmem:$0x1FC00] =	vst v63  }
0x4a: {  	_ =	swait.ge [sflag:s29], $0x4800  }
0x4b: {  	[sflag:s29] =	ssyncset.done $0x0  }
0x4c: {  	[sflag:s29] =	ssyncadd.s32 $0xFFFFB800  }
0x4d: {  	[tilespmem:s30], [sflag:$0x1] =	stream.indirect.gather [hbm4b:s4+s31], $0x90, s3, s31, $0xb8;
	[tilespmem:$0x1FC00] =	vst v63  }
0x4e: {  	_ = 	snop  }
0x4f: {  	[tilespmem:s0], [sflag:$0x2] =	stream.indirect.gather [hbm4b:s4+s31], $0x90, s1, s31, $0xb8;
	[tilespmem:$0x1FC00] =	vst v63  }
0x50: {  	[bflag:$0x0] =	sbarrier.arrive $0xFFFF  }
0x51: {  	s14 =	rddreg [dreg:$0xb]  }
0x52: {  	[tilespmem:s5], [sflag:$0x3] =	stream.linear.gather [hbm4b:s14+s3], $0x200, $0x38;
	[tilespmem:$0x1FC00] =	vst v63  }
0x53: {  	_ =	swait.ge [sflag:s29], $0x200  }
0x54: {  	[sflag:s29] =	ssyncset.done $0x0  }
0x55: {  	[sflag:s29] =	ssyncadd.s32 $0xFFFFFE00  }
0x56: {  	_ =	swait.ge [sflag:s6], $0x4800  }
0x57: {  	[sflag:s6] =	ssyncset.done $0x0  }
0x58: {  	[sflag:s6] =	ssyncadd.s32 $0xFFFFB800  }
0x59: {  	[spmem:s2] =	stream.indirect.scatter.add.f32 [tilespmem:s30], [sflag:$0x3], $0x90, s31, s31, $0xb8;
	[tilespmem:$0x1FC00] =	vst v63  }
0x5a: {  	_ =	swait.ge [sflag:s29], $0x4800  }
0x5b: {  	[sflag:s29] =	ssyncset.done $0x0  }
0x5c: {  	[sflag:s29] =	ssyncadd.s32 $0xFFFFB800  }
0x5d: {  	[tilespmem:s30], [sflag:$0x1] =	stream.indirect.gather [hbm4b:s4+s31], $0x90, s5, s31, $0xb8;
	[tilespmem:$0x1FC00] =	vst v63  }
0x5e: {  	_ =	swait.ge [sflag:s7], $0x4800  }
0x5f: {  	[sflag:s7] =	ssyncset.done $0x0  }
0x60: {  	[sflag:s7] =	ssyncadd.s32 $0xFFFFB800  }
0x61: {  	[spmem:s2] =	stream.indirect.scatter.add.f32 [tilespmem:s0], [sflag:$0x3], $0x90, s8, s31, $0xb8;
	[tilespmem:$0x1FC00] =	vst v63  }
0x62: {  	_ =	swait.ge [sflag:s29], $0x4800  }
0x63: {  	[sflag:s29] =	ssyncset.done $0x0  }
0x64: {  	[sflag:s29] =	ssyncadd.s32 $0xFFFFB800  }
0x65: {  	[tilespmem:s0], [sflag:$0x2] =	stream.indirect.gather [hbm4b:s4+s31], $0x90, s9, s31, $0xb8;
	[tilespmem:$0x1FC00] =	vst v63  }
0x66: {  	s14 =	rddreg [dreg:$0xc]  }
0x67: {  	[tilespmem:s3], [sflag:$0x3] =	stream.linear.gather [hbm4b:s14+s3], $0x200, $0x38;
	[tilespmem:$0x1FC00] =	vst v63  }
0x68: {  	_ =	swait.ge [sflag:s29], $0x200  }
0x69: {  	[sflag:s29] =	ssyncset.done $0x0  }
0x6a: {  	[sflag:s29] =	ssyncadd.s32 $0xFFFFFE00  }
0x6b: {  	_ =	swait.ge [sflag:s6], $0x4800  }
0x6c: {  	[sflag:s6] =	ssyncset.done $0x0  }
0x6d: {  	[sflag:s6] =	ssyncadd.s32 $0xFFFFB800  }
0x6e: {  	[spmem:s2] =	stream.indirect.scatter.add.f32 [tilespmem:s30], [sflag:$0x3], $0x90, s10, s31, $0xb8;
	[tilespmem:$0x1FC00] =	vst v63  }
0x6f: {  	_ =	swait.ge [sflag:s29], $0x4800  }
0x70: {  	[sflag:s29] =	ssyncset.done $0x0  }
0x71: {  	[sflag:s29] =	ssyncadd.s32 $0xFFFFB800  }
0x72: {  	[tilespmem:s30], [sflag:$0x1] =	stream.indirect.gather [hbm4b:s4+s31], $0x90, s3, s31, $0xb8;
	[tilespmem:$0x1FC00] =	vst v63  }
0x73: {  	_ =	swait.ge [sflag:s7], $0x4800  }
0x74: {  	[sflag:s7] =	ssyncset.done $0x0  }
0x75: {  	[sflag:s7] =	ssyncadd.s32 $0xFFFFB800  }
0x76: {  	[spmem:s2] =	stream.indirect.scatter.add.f32 [tilespmem:s0], [sflag:$0x3], $0x90, s11, s31, $0xb8;
	[tilespmem:$0x1FC00] =	vst v63  }
0x77: {  	_ =	swait.ge [sflag:s29], $0x4800  }
0x78: {  	[sflag:s29] =	ssyncset.done $0x0  }
0x79: {  	[sflag:s29] =	ssyncadd.s32 $0xFFFFB800  }
0x7a: {  	[tilespmem:s0], [sflag:$0x2] =	stream.indirect.gather [hbm4b:s4+s31], $0x90, s1, s31, $0xb8;
	[tilespmem:$0x1FC00] =	vst v63  }
0x7b: {  	_ = 	snop  }
0x7c: {  	[tilespmem:s5], [sflag:$0x3] =	stream.linear.gather [hbm4b:s19+s3], $0x200, $0x38;
	[tilespmem:$0x1FC00] =	vst v63  }
0x7d: {  	_ =	swait.ge [sflag:s29], $0x200  }
0x7e: {  	[sflag:s29] =	ssyncset.done $0x0  }
0x7f: {  	[sflag:s29] =	ssyncadd.s32 $0xFFFFFE00  }
0x80: {  	_ =	swait.ge [sflag:s6], $0x4800  }
0x81: {  	[sflag:s6] =	ssyncset.done $0x0  }
0x82: {  	[sflag:s6] =	ssyncadd.s32 $0xFFFFB800  }
0x83: {  	[spmem:s2] =	stream.indirect.scatter.add.f32 [tilespmem:s30], [sflag:$0x3], $0x90, s31, s31, $0xb8;
	[tilespmem:$0x1FC00] =	vst v63  }
0x84: {  	_ =	swait.ge [sflag:s29], $0x4800  }
0x85: {  	[sflag:s29] =	ssyncset.done $0x0  }
0x86: {  	[sflag:s29] =	ssyncadd.s32 $0xFFFFB800  }
0x87: {  	[tilespmem:s30], [sflag:$0x1] =	stream.indirect.gather [hbm4b:s4+s31], $0x90, s5, s31, $0xb8;
	[tilespmem:$0x1FC00] =	vst v63  }
0x88: {  	_ =	swait.ge [sflag:s7], $0x4800  }
0x89: {  	[sflag:s7] =	ssyncset.done $0x0  }
0x8a: {  	[sflag:s7] =	ssyncadd.s32 $0xFFFFB800  }
0x8b: {  	[spmem:s2] =	stream.indirect.scatter.add.f32 [tilespmem:s0], [sflag:$0x3], $0x90, s8, s31, $0xb8;
	[tilespmem:$0x1FC00] =	vst v63  }
0x8c: {  	_ =	swait.ge [sflag:s29], $0x4800  }
0x8d: {  	[sflag:s29] =	ssyncset.done $0x0  }
0x8e: {  	[sflag:s29] =	ssyncadd.s32 $0xFFFFB800  }
0x8f: {  	[tilespmem:s0], [sflag:$0x2] =	stream.indirect.gather [hbm4b:s4+s31], $0x90, s9, s31, $0xb8;
	[tilespmem:$0x1FC00] =	vst v63  }
0x90: {  	_ = 	snop  }
0x91: {  	[tilespmem:s3], [sflag:$0x3] =	stream.linear.gather [hbm4b:s20+s3], $0x200, $0x38;
	[tilespmem:$0x1FC00] =	vst v63  }
0x92: {  	_ =	swait.ge [sflag:s29], $0x200  }
0x93: {  	[sflag:s29] =	ssyncset.done $0x0  }
0x94: {  	[sflag:s29] =	ssyncadd.s32 $0xFFFFFE00  }
0x95: {  	_ =	swait.ge [sflag:s6], $0x4800  }
0x96: {  	[sflag:s6] =	ssyncset.done $0x0  }
0x97: {  	[sflag:s6] =	ssyncadd.s32 $0xFFFFB800  }
0x98: {  	[spmem:s2] =	stream.indirect.scatter.add.f32 [tilespmem:s30], [sflag:$0x3], $0x90, s10, s31, $0xb8;
	[tilespmem:$0x1FC00] =	vst v63  }
0x99: {  	_ =	swait.ge [sflag:s29], $0x4800  }
0x9a: {  	[sflag:s29] =	ssyncset.done $0x0  }
0x9b: {  	[sflag:s29] =	ssyncadd.s32 $0xFFFFB800  }
0x9c: {  	[tilespmem:s30], [sflag:$0x1] =	stream.indirect.gather [hbm4b:s4+s31], $0x90, s3, s31, $0xb8;
	[tilespmem:$0x1FC00] =	vst v63  }
0x9d: {  	_ =	swait.ge [sflag:s7], $0x4800  }
0x9e: {  	[sflag:s7] =	ssyncset.done $0x0  }
0x9f: {  	[sflag:s7] =	ssyncadd.s32 $0xFFFFB800  }
0xa0: {  	[spmem:s2] =	stream.indirect.scatter.add.f32 [tilespmem:s0], [sflag:$0x3], $0x90, s11, s31, $0xb8;
	[tilespmem:$0x1FC00] =	vst v63  }
0xa1: {  	_ =	swait.ge [sflag:s29], $0x4800  }
0xa2: {  	[sflag:s29] =	ssyncset.done $0x0  }
0xa3: {  	[sflag:s29] =	ssyncadd.s32 $0xFFFFB800  }
0xa4: {  	[tilespmem:s0], [sflag:$0x2] =	stream.indirect.gather [hbm4b:s4+s31], $0x90, s1, s31, $0xb8;
	[tilespmem:$0x1FC00] =	vst v63  }
0xa5: {  	_ = 	snop  }
0xa6: {  	[tilespmem:s5], [sflag:$0x3] =	stream.linear.gather [hbm4b:s21+s3], $0x200, $0x38;
	[tilespmem:$0x1FC00] =	vst v63  }
0xa7: {  	_ =	swait.ge [sflag:s29], $0x200  }
0xa8: {  	[sflag:s29] =	ssyncset.done $0x0  }
0xa9: {  	[sflag:s29] =	ssyncadd.s32 $0xFFFFFE00  }
0xaa: {  	_ =	swait.ge [sflag:s6], $0x4800  }
0xab: {  	[sflag:s6] =	ssyncset.done $0x0  }
0xac: {  	[sflag:s6] =	ssyncadd.s32 $0xFFFFB800  }
0xad: {  	[spmem:s2] =	stream.indirect.scatter.add.f32 [tilespmem:s30], [sflag:$0x3], $0x90, s31, s31, $0xb8;
	[tilespmem:$0x1FC00] =	vst v63  }
0xae: {  	_ =	swait.ge [sflag:s29], $0x4800  }
0xaf: {  	[sflag:s29] =	ssyncset.done $0x0  }
0xb0: {  	[sflag:s29] =	ssyncadd.s32 $0xFFFFB800  }
0xb1: {  	[tilespmem:s30], [sflag:$0x1] =	stream.indirect.gather [hbm4b:s4+s31], $0x90, s5, s31, $0xb8;
	[tilespmem:$0x1FC00] =	vst v63  }
0xb2: {  	_ =	swait.ge [sflag:s7], $0x4800  }
0xb3: {  	[sflag:s7] =	ssyncset.done $0x0  }
0xb4: {  	[sflag:s7] =	ssyncadd.s32 $0xFFFFB800  }
0xb5: {  	[spmem:s2] =	stream.indirect.scatter.add.f32 [tilespmem:s0], [sflag:$0x3], $0x90, s8, s31, $0xb8;
	[tilespmem:$0x1FC00] =	vst v63  }
0xb6: {  	_ =	swait.ge [sflag:s29], $0x4800  }
0xb7: {  	[sflag:s29] =	ssyncset.done $0x0  }
0xb8: {  	[sflag:s29] =	ssyncadd.s32 $0xFFFFB800  }
0xb9: {  	[tilespmem:s0], [sflag:$0x2] =	stream.indirect.gather [hbm4b:s4+s31], $0x90, s9, s31, $0xb8;
	[tilespmem:$0x1FC00] =	vst v63  }
0xba: {  	_ = 	snop  }
0xbb: {  	[tilespmem:s3], [sflag:$0x3] =	stream.linear.gather [hbm4b:s22+s3], $0x200, $0x38;
	[tilespmem:$0x1FC00] =	vst v63  }
0xbc: {  	_ =	swait.ge [sflag:s29], $0x200  }
0xbd: {  	[sflag:s29] =	ssyncset.done $0x0  }
0xbe: {  	[sflag:s29] =	ssyncadd.s32 $0xFFFFFE00  }
0xbf: {  	_ =	swait.ge [sflag:s6], $0x4800  }
0xc0: {  	[sflag:s6] =	ssyncset.done $0x0  }
0xc1: {  	[sflag:s6] =	ssyncadd.s32 $0xFFFFB800  }
0xc2: {  	[spmem:s2] =	stream.indirect.scatter.add.f32 [tilespmem:s30], [sflag:$0x3], $0x90, s10, s31, $0xb8;
	[tilespmem:$0x1FC00] =	vst v63  }
0xc3: {  	_ =	swait.ge [sflag:s29], $0x4800  }
0xc4: {  	[sflag:s29] =	ssyncset.done $0x0  }
0xc5: {  	[sflag:s29] =	ssyncadd.s32 $0xFFFFB800  }
0xc6: {  	[tilespmem:s30], [sflag:$0x1] =	stream.indirect.gather [hbm4b:s4+s31], $0x90, s3, s31, $0xb8;
	[tilespmem:$0x1FC00] =	vst v63  }
0xc7: {  	_ =	swait.ge [sflag:s7], $0x4800  }
0xc8: {  	[sflag:s7] =	ssyncset.done $0x0  }
0xc9: {  	[sflag:s7] =	ssyncadd.s32 $0xFFFFB800  }
0xca: {  	[spmem:s2] =	stream.indirect.scatter.add.f32 [tilespmem:s0], [sflag:$0x3], $0x90, s11, s31, $0xb8;
	[tilespmem:$0x1FC00] =	vst v63  }
0xcb: {  	_ =	swait.ge [sflag:s29], $0x4800  }
0xcc: {  	[sflag:s29] =	ssyncset.done $0x0  }
0xcd: {  	[sflag:s29] =	ssyncadd.s32 $0xFFFFB800  }
0xce: {  	[tilespmem:s0], [sflag:$0x2] =	stream.indirect.gather [hbm4b:s4+s31], $0x90, s1, s31, $0xb8;
	[tilespmem:$0x1FC00] =	vst v63  }
0xcf: {  	_ =	swait.ge [sflag:s6], $0x4800  }
0xd0: {  	[sflag:s6] =	ssyncset.done $0x0  }
0xd1: {  	[sflag:s6] =	ssyncadd.s32 $0xFFFFB800  }
0xd2: {  	[spmem:s2] =	stream.indirect.scatter.add.f32 [tilespmem:s30], [sflag:$0x3], $0x90, s31, s31, $0xb8;
	[tilespmem:$0x1FC00] =	vst v63  }
0xd3: {  	_ =	swait.ge [sflag:s29], $0x4800  }
0xd4: {  	[sflag:s29] =	ssyncset.done $0x0  }
0xd5: {  	[sflag:s29] =	ssyncadd.s32 $0xFFFFB800  }
0xd6: {  	_ =	swait.ge [sflag:s7], $0x4800  }
0xd7: {  	[sflag:s7] =	ssyncset.done $0x0  }
0xd8: {  	[sflag:s7] =	ssyncadd.s32 $0xFFFFB800  }
0xd9: {  	[spmem:s2] =	stream.indirect.scatter.add.f32 [tilespmem:s0], [sflag:$0x3], $0x90, s8, s31, $0xb8;
	[tilespmem:$0x1FC00] =	vst v63  }
0xda: {  	_ =	swait.ge [sflag:s29], $0x4800  }
0xdb: {  	[sflag:s29] =	ssyncset.done $0x0  }
0xdc: {  	s14 =	stileid.u32;
	[sflag:s29] =	ssyncadd.s32 $0xFFFFB800  }
0xdd: {  	s13 =	sshll.u32 s14, $0x6;
	[bflag:$0x0] =	sbarrier.arrive $0xFFFF  }
0xde: {  	s13 =	sor.u32 $0x1C03, s13;
	s14 =	rddreg [dreg:$0x4]  }
0xdf: {  	[hbm:s14], [sflag:s13] =	dma.local [spmem:s23], $0x900  }
0xe0: {  	_ =	swait.ge [sflag:s29], $0x900  }
0xe1: {  	[sflag:s29] =	ssyncset.done $0x0  }
0xe2: {  	[sflag:s29] =	ssyncadd.s32 $0xFFFFF700  }
0xe3: {  	[hbm:s15], [sflag:s13] =	dma.local [spmem:s24], $0x900  }
0xe4: {  	_ =	swait.ge [sflag:s29], $0x900  }
0xe5: {  	[sflag:s29] =	ssyncset.done $0x0  }
0xe6: {  	[sflag:s29] =	ssyncadd.s32 $0xFFFFF700  }
0xe7: {  	[hbm:s16], [sflag:s13] =	dma.local [spmem:s25], $0x900  }
0xe8: {  	_ =	swait.ge [sflag:s29], $0x900  }
0xe9: {  	[sflag:s29] =	ssyncset.done $0x0  }
0xea: {  	[sflag:s29] =	ssyncadd.s32 $0xFFFFF700  }
0xeb: {  	[hbm:s17], [sflag:s13] =	dma.local [spmem:s26], $0x900  }
0xec: {  	_ =	swait.ge [sflag:s29], $0x900  }
0xed: {  	[sflag:s29] =	ssyncset.done $0x0  }
0xee: {  	[sflag:s29] =	ssyncadd.s32 $0xFFFFF700  }
0xef: {  	[hbm:s18], [sflag:s13] =	dma.local [spmem:s28], $0x900  }
0xf0: {  	_ =	swait.ge [sflag:s29], $0x900  }
0xf1: {  	s12 =	sadd.s32 $0x1, s12;
	s14 =	rddreg [dreg:$0x5]  }
0xf2: {  	p0 =	sne.s32 s12, s14  }
.Ltmp1:
0xf3: {  	_ = 	snop;
	(pc) =	sbr.rel @p0 .LBB2_1-.Ltmp1, $3  }
0xf4: {  	_ =	sdelay $0x1  }
0xf5: {  	[sflag:s29] =	ssyncset.done $0x0  }
0xf6: {  	[sflag:s29] =	ssyncadd.s32 $0xFFFFF700  }
0xf7: {  	_ =	sfence.sel $0x180000  }
0xf8: {  	[bflag:$0x0] =	sbarrier.arrive $0xFFFF  }
0xf9: {  	_ =	strace $0x9000004D  }
0xfa: {  	s0 =	stileid.u32;
	[bflag:$0x2] =	sbarrier.arrive $0xFFFF  }
0xfb: {  	p0 =	sne.s32 s0, $0x0;
	s0 =	rddreg [dreg:$0x2]  }
0xfc: {  	s0 =	sadd.s32 @!p0 $0x100000, s0  }
0xfd: {  	[sflag:s0] =	ssyncadd.tile.s32 @!p0 $0x1;
	_ =	shalt  }
.Lfunc_end2:
_tile_overlayer_lowered:
.L_overlay_start_2:
0xfe: {  	(tag) =	ssettag $0x2  }
0xff: {  	s0 =	rddreg [dreg:$0x0];
	s2 =	stileid.u32  }
0x100: {  	s1 =	rddreg [dreg:$0x1];
	p0 =	sne.s32 s2, $0x0  }
0x101: {  	s3 =	rddreg [dreg:$0x2];
	[bflag:$0x3] =	sbarrier.arrive $0xFFFF;
	s2 =	simm.s32 @!p0 $0x1C03  }
0x102: {  	[timem:s3], [sflag:s2] =	dma.local @!p0 [hbm:s0], s1  }
0x103: {  	s0 =	simm.s32 @!p0 $0x3  }
0x104: {  	_ =	swait.ge @!p0 [sflag:s0], s1  }
0x105: {  	s1 =	ssub.s32 @!p0 $0x0, s1;
	[sflag:s0] =	ssyncset.done @!p0 $0x0  }
0x106: {  	[sflag:s0] =	ssyncadd.s32 @!p0 s1  }
0x107: {  	[bflag:$0x3] =	sbarrier.arrive $0xFFFF  }
0x108: {  	_ =	shalt  }

// kernel: kernel.8.cloned.1.call-start
scs
__scs_entry_jumppad:
0x0: {  	(pc) =	sbr.rel $0x88, $3  }
0x1: {  	(tag) =	ssettag $0x0;
	lr =	simm.s32 $0x1  }
0x2: {  	[smem:$0x3F9B] =	sst lr;
	_ =	strace $0xD0000000  }
0x3: {  	_ = 	snop  }
0x4: {  	_ = 	snop  }
0x5: {  	_ = 	snop  }
0x6: {  	_ = 	snop  }
0x7: {  	_ = 	snop  }
__scs_overlays_trampoline_lowered:
0x8: {  	[smem:$0x3FAA] =	sst s0  }
0x9: {  	[smem:$0x3FAB] =	sst s1  }
0xa: {  	[smem:$0x3FAC] =	sst s2  }
0xb: {  	[smem:$0x3FAD] =	sst s3  }
0xc: {  	[smem:$0x3FAE] =	sst s4  }
0xd: {  	[smem:$0x3FAF] =	sst s5  }
0xe: {  	[smem:$0x3FB0] =	sst s6  }
0xf: {  	[smem:$0x3FB1] =	sst s7  }
0x10: {  	[smem:$0x3FB2] =	sst s8  }
0x11: {  	[smem:$0x3FB3] =	sst s9;
	s0 =	simm.s32 @!p0 $0x0  }
0x12: {  	s1 =	sld [smem:$0x3F99];
	s0 =	simm.s32 @p0 $0x1  }
0x13: {  	[smem:$0x3FB4] =	sst s0;
	s0 =	simm.s32 @!p1 $0x0  }
0x14: {  	s2 =	sld [smem:$0x3F98];
	s0 =	simm.s32 @p1 $0x1  }
0x15: {  	[smem:$0x3FB5] =	sst s0;
	s0 =	simm.s32 @!p2 $0x0  }
0x16: {  	s3 =	sld [smem:$0x3FDB];
	s0 =	simm.s32 @p2 $0x1  }
0x17: {  	s4 =	simm.s32 $0x1BF5;
	[smem:$0x3FB7] =	sst s0  }
0x18: {  	s0 =	sld [smem:$0x3F9A];
	_ =	swait.ge [sflag:s4], $0x0  }
0x19: {  	s7 =	sld [smem:$0x3F9B]  }
0x1a: {  	s8 =	sadd.s32 $0xFFFFE003, lr  }
0x1b: {  	s9 =	sadd.s32 $0xFFFFFEF7, lr;
	s5 =	simm.s32 $0xFFFFFFFF;
	p2 =	slt.u32 s8, $0xFFFFF086  }
0x1c: {  	p1 =	slt.u32 s9, $0xF7A;
	s5 =	simm.s32 @!p2 $0x0  }
0x1d: {  	s5 =	simm.s32 @p1 $0x1;
	p0 =	seq.s32 s7, s2  }
0x1e: {  	s7 =	smul.u32 @!p0 $0xF7A, s2;
	p2 =	seq.s32 @!p0 s5, $0x0  }
0x1f: {  	s9 =	smul.u32 $0xF7A, s1;
	s8 =	simm.s32 @!p0 $0x1BF5;
	p2 =	por !p2, p0  }
0x20: {  	[sflag:s8] =	ssyncset.s32 @!p0 $0xFFFFF086;
	s6 =	sadd.s32 @!p0 s3, s7;
	s7 =	simm.s32 @!p0 $0x108  }
0x21: {  	s3 =	sadd.s32 s3, s9;
	s6 =	sadd.s32 @!p0 $0x88, s6;
	s7 =	simm.s32 @p2 $0x1082  }
0x22: {  	[simem:s7], [sflag:s8] =	dma.local @!p0 [hbm:s6], $0xF7A  }
0x23: {  	s9 =	sor.u32 $0xD0000000, s2;
	s6 =	simm.s32 $0x108;
	_ =	swait.ge @!p0 [sflag:s8], $0x0  }
0x24: {  	s3 =	sadd.s32 $0x88, s3;
	s6 =	simm.s32 @!p1 $0x1082;
	[sflag:s4] =	ssyncset.s32 $0xFFFFF086  }
0x25: {  	[simem:s6], [sflag:s4] =	dma.local [hbm:s3], $0xF7A  }
0x26: {  	[smem:$0x3F9B] =	sst s1;
	(tag) =	ssettag s2;
	_ =	strace s9  }
0x27: {  	s1 =	sld [smem:$0x3FAB]  }
0x28: {  	s2 =	sld [smem:$0x3FAC]  }
0x29: {  	s4 =	sld [smem:$0x3FAE]  }
0x2a: {  	p0 =	seq.s32 s5, $0x0;
	s5 =	sld [smem:$0x3FAF]  }
0x2b: {  	s6 =	sld [smem:$0x3FB0]  }
0x2c: {  	s7 =	sld [smem:$0x3FB1]  }
0x2d: {  	s3 =	simm.s32 $0x108;
	s8 =	sld [smem:$0x3FB2]  }
0x2e: {  	s3 =	simm.s32 @!p0 $0x1082;
	s9 =	sld [smem:$0x3FB3]  }
0x2f: {  	lr =	sadd.s32 s0, s3;
	s0 =	sld [smem:$0x3FAA]  }
0x30: {  	s3 =	sld [smem:$0x3FAD]  }
0x31: {  	[smem:$0x3FB6] =	sst s10  }
0x32: {  	s10 =	sld [smem:$0x3FB4];
	_ =	sdelay $0x3  }
0x33: {  	p0 =	seq.s32 s10, $0x1;
	s10 =	sld [smem:$0x3FB6];
	_ =	sdelay $0x3  }
0x34: {  	[smem:$0x3FB6] =	sst s10  }
0x35: {  	s10 =	sld [smem:$0x3FB5];
	_ =	sdelay $0x3  }
0x36: {  	p1 =	seq.s32 s10, $0x1;
	s10 =	sld [smem:$0x3FB6];
	_ =	sdelay $0x3  }
0x37: {  	[smem:$0x3FB6] =	sst s10  }
0x38: {  	s10 =	sld [smem:$0x3FB7]  }
0x39: {  	_ = 	snop;
	(pc) =	sbr.ind lr, $3  }
0x3a: {  	_ = 	snop  }
0x3b: {  	_ = 	snop  }
0x3c: {  	p2 =	seq.s32 s10, $0x1;
	s10 =	sld [smem:$0x3FB6]  }
0x3d: {  	_ =	shalt  }
0x3e: {  	_ =	shalt  }
0x3f: {  	_ =	shalt  }
0x40: {  	_ =	shalt  }
0x41: {  	_ =	shalt  }
0x42: {  	_ =	shalt  }
0x43: {  	_ =	shalt  }
0x44: {  	_ =	shalt  }
0x45: {  	_ =	shalt  }
0x46: {  	_ =	shalt  }
0x47: {  	_ =	shalt  }
0x48: {  	_ =	shalt  }
0x49: {  	_ =	shalt  }
0x4a: {  	_ =	shalt  }
0x4b: {  	_ =	shalt  }
0x4c: {  	_ =	shalt  }
0x4d: {  	_ =	shalt  }
0x4e: {  	_ =	shalt  }
0x4f: {  	_ =	shalt  }
0x50: {  	_ =	shalt  }
0x51: {  	_ =	shalt  }
0x52: {  	_ =	shalt  }
0x53: {  	_ =	shalt  }
0x54: {  	_ =	shalt  }
0x55: {  	_ =	shalt  }
0x56: {  	_ =	shalt  }
0x57: {  	_ =	shalt  }
0x58: {  	_ =	shalt  }
0x59: {  	_ =	shalt  }
0x5a: {  	_ =	shalt  }
0x5b: {  	_ =	shalt  }
0x5c: {  	_ =	shalt  }
0x5d: {  	_ =	shalt  }
0x5e: {  	_ =	shalt  }
0x5f: {  	_ =	shalt  }
0x60: {  	_ =	shalt  }
0x61: {  	_ =	shalt  }
0x62: {  	_ =	shalt  }
0x63: {  	_ =	shalt  }
0x64: {  	_ =	shalt  }
0x65: {  	_ =	shalt  }
0x66: {  	_ =	shalt  }
0x67: {  	_ =	shalt  }
0x68: {  	_ =	shalt  }
0x69: {  	_ =	shalt  }
0x6a: {  	_ =	shalt  }
0x6b: {  	_ =	shalt  }
0x6c: {  	_ =	shalt  }
0x6d: {  	_ =	shalt  }
0x6e: {  	_ =	shalt  }
0x6f: {  	_ =	shalt  }
0x70: {  	_ =	shalt  }
0x71: {  	_ =	shalt  }
0x72: {  	_ =	shalt  }
0x73: {  	_ =	shalt  }
0x74: {  	_ =	shalt  }
0x75: {  	_ =	shalt  }
0x76: {  	_ =	shalt  }
0x77: {  	_ =	shalt  }
0x78: {  	_ =	shalt  }
0x79: {  	_ =	shalt  }
0x7a: {  	_ =	shalt  }
0x7b: {  	_ =	shalt  }
0x7c: {  	_ =	shalt  }
0x7d: {  	_ =	shalt  }
0x7e: {  	_ =	shalt  }
0x7f: {  	_ =	shalt  }
0x80: {  	_ =	shalt  }
0x81: {  	_ =	shalt  }
0x82: {  	_ =	shalt  }
0x83: {  	_ =	shalt  }
0x84: {  	_ =	shalt  }
0x85: {  	_ =	shalt  }
0x86: {  	_ =	shalt  }
0x87: {  	_ =	shalt  }
.Lfunc_end0:
.L_simem_size_0:
called_computation_lowered:
.L_overlay_start_0:
0x88: {  	s2 =	sld [smem:$0x3FD9]  }
0x89: {  	s3 =	sld [smem:$0x3FFE];
	_ =	sdelay $0x1  }
0x8a: {  	s1 =	srdreg.scid  }
0x8b: {  	s0 =	sand.u32 $0x1, s1  }
0x8c: {  	s17 =	sshll.u32 s0, $0xA;
	s2 =	sadd.s32 s3, s2  }
0x8d: {  	s2 =	sadd.s32 s2, s17  }
0x8e: {  	[smem:$0x3FC2] =	sst s2  }
0x8f: {  	_ = 	snop  }
0x90: {  	s18 =	sld [smem:$0x3FD0];
	(tm) =	ssettm $0x1  }
0x91: {  	s19 =	sld [smem:$0x3FFB];
	_ =	sdelay $0x3  }
0x92: {  	_ =	strace s19  }
0x93: {  	s2 =	sld [smem:$0x3FFC];
	_ =	sdelay $0x3  }
0x94: {  	_ =	strace s2  }
0x95: {  	s2 =	sld [smem:$0x3FFD];
	_ =	sdelay $0x3  }
0x96: {  	_ =	strace s2  }
0x97: {  	_ =	strace $0x8FFFFFFF  }
0x98: {  	s20 =	sld [smem:$0x3FDB];
	_ =	sdelay $0x1  }
0x99: {  	s4 =	simm.s32 $_scs_section_size  }
0x9a: {  	s5 =	simm.s32 $_size__tile_overlayer_lowered;
	s6 =	simm.s32 $_tile_overlayer_lowered  }
0x9b: {  	s7 =	simm.s32 $0x1BFF;
	s21 =	sshll.u32 s6, $0x1;
	s4 =	sadd.s32 s4, s20  }
0x9c: {  	s22 =	simm.s32 $0x0;
	s5 =	sshll.u32 s5, $0x1;
	s6 =	sadd.s32 s21, s4  }
0x9d: {  	[timem:s22], [sflag:s7] =	dma.local [hbm:s6], s5  }
0x9e: {  	_ =	swait.ge [sflag:s7], s5  }
0x9f: {  	s5 =	ssub.s32 $0x0, s5;
	[sflag:s7] =	ssyncset.done $0x0  }
0xa0: {  	[sflag:s7] =	ssyncadd.s32 s5;
	_ =	sdelay $0x1  }
0xa1: {  	s23 =	simm.s32 $0x1B8B  }
0xa2: {  	_ =	swait.ge [sflag:s23], $0x1  }
0xa3: {  	[sflag:s23] =	ssyncset.done $0x0  }
0xa4: {  	[sflag:s23] =	ssyncadd.s32 $0xFFFFFFFF  }
0xa5: {  	s5 =	sld [smem:$0x0]  }
0xa6: {  	s6 =	sand.u32 $0xFFFFFFFE, s1  }
0xa7: {  	p0 =	sne.s32 s1, s6  }
0xa8: {  	s6 =	sshll.u32 @p0 s6, $0xE  }
0xa9: {  	s6 =	sadd.s32 @p0 $0x11B8D, s6;
	s7 =	sshll.u32 @p0 s5, $0x11  }
0xaa: {  	s6 =	sor.u32 @p0 s7, s6  }
0xab: {  	[sflag:s6] =	ssyncadd.remote.s32 @p0 $0x1;
	_ =	sdelay $0x1  }
0xac: {  	s6 =	simm.s32 @p0 $0x1B8D  }
0xad: {  	_ =	swait.eq @p0 [sflag:s6], $0x1  }
0xae: {  	[sflag:s6] =	ssyncadd.s32 @p0 $0xFFFFFFFF  }
0xaf: {  	s7 =	sshll.u32 @!p0 s1, $0xE  }
0xb0: {  	s7 =	sor.u32 @!p0 $0x4000, s7;
	s6 =	simm.s32 @!p0 $0x1B8D  }
0xb1: {  	s5 =	sshll.u32 @!p0 s5, $0x11;
	s7 =	sadd.s32 @!p0 $0x11B8D, s7;
	_ =	swait.eq @!p0 [sflag:s6], $0x1  }
0xb2: {  	s5 =	sor.u32 @!p0 s5, s7;
	[sflag:s6] =	ssyncadd.s32 @!p0 $0xFFFFFFFF  }
0xb3: {  	s25 =	simm.s32 $0x1B8E;
	s24 =	sld [smem:$0x3FFE];
	[sflag:s5] =	ssyncadd.remote.s32 @!p0 $0x1  }
0xb4: {  	s26 =	simm.s32 $execute0_lowered;
	[smem:$0x3FD2] =	sst s25  }
0xb5: {  	s6 =	sshll.u32 s26, $0x1;
	_ =	strace $0x80000049;
	[dreg:$0x1] =	wrdreg $0xFFFFFFFF  }
0xb6: {  	s28 =	simm.s32 $_size_execute0_lowered;
	s4 =	sadd.s32 s4, s6;
	[dreg:$0x0] =	wrdreg $0x0  }
0xb7: {  	s6 =	sshll.u32 s28, $0x1;
	[dreg:$0x2] =	wrdreg s4  }
0xb8: {  	[dreg:$0x3] =	wrdreg s6  }
0xb9: {  	[dreg:$0x4] =	wrdreg $0xC0  }
0xba: {  	_ =	task [dreg:s22], $0x5FFFF  }
0xbb: {  	[dreg:$0x1] =	wrdreg $0xFFFFFFFF  }
0xbc: {  	[dreg:$0x0] =	wrdreg $0x60  }
0xbd: {  	[dreg:$0x2] =	wrdreg s24  }
0xbe: {  	[dreg:$0x3] =	wrdreg s18  }
0xbf: {  	[dreg:$0x4] =	wrdreg $0x94000  }
0xc0: {  	[dreg:$0x5] =	wrdreg $0x9  }
0xc1: {  	_ =	task.clear_ibuf [dreg:s22], $0x6FFFF;
	_ =	strace $0x90000049  }
0xc2: {  	s29 =	simm.s32 $0x9;
	_ =	strace $0x8000004B  }
0xc3: {  	_ =	swait.ge [sflag:s29], $0x1  }
0xc4: {  	[sflag:s29] =	ssyncadd.s32 $0xFFFFFFFF  }
0xc5: {  	_ =	strace $0x9000004B  }
0xc6: {  	_ =	sfence  }
0xc7: {  	s30 =	sld [smem:$0x0];
	_ =	sdelay $0x2  }
0xc8: {  	s31 =	sshll.u32 s1, $0xD;
	s1 =	sshrl.u32 s1, $0x2  }
0xc9: {  	s4 =	sand.u32 $0x4000, s31;
	s1 =	sadd.s32 s1, s30  }
0xca: {  	s0 =	sor.u32 s4, s0;
	s1 =	sshll.u32 s1, $0x11  }
0xcb: {  	s0 =	sor.u32 s1, s0  }
0xcc: {  	s0 =	sadd.s32 $0x8F2B, s0  }
0xcd: {  	[sflag:s0] =	ssyncadd.remote.s32 $0x1  }
0xce: {  	_ =	sfence.sel $0xFFFF  }
0xcf: {  	[dreg:$0x0] =	wrdreg $0xFFFFFFFF;
	(pc) =	sbr.abs _section_cstart, $3  }
0xd0: {  	[dreg:$0x1] =	wrdreg $0xFFFFFFFF  }
0xd1: {  	_ =	task.clear_ibuf [dreg:s22], $0x2FFFF;
	_ =	strace $0x9FFFFFFF  }
0xd2: {  	(tm) =	ssettm $0x7FFFFFFF  }
0xd3: {  	_ =	shalt  }
tec
execute0_lowered:
.L_overlay_start_1:
0x0: {  	(tag) =	ssettag $0x1  }
0x1: {  	s0 =	rddreg [dreg:$0x0]  }
0x2: {  	s1 =	rddreg [dreg:$0x1]  }
0x3: {  	s2 =	rddreg [dreg:$0x2]  }
0x4: {  	s4 =	simm.s32 $0x0;
	s3 =	srdreg.scid;
	s15 =	stileid.u32  }
0x5: {  	s28 =	simm.s32 $0x80;
	s29 =	simm.s32 $0x100;
	s30 =	simm.s32 $0x4C00  }
0x6: {  	s31 =	simm.s32 $0x200;
	[smem:$0x7FF] =	sst s4;
	s6 =	smul.u32 $0x280, s15  }
0x7: {  	s3 =	sand.u32 $0x1, s3;
	s5 =	sadd.s32 $0x1200, s0;
	s10 =	smul.u32 $0x16800, s15  }
0x8: {  	s7 =	sshll.u32 s15, $0x1;
	s0 =	sadd.s32 $0x43A00, s0;
	s13 =	smul.u32 $0x5A000, s15  }
0x9: {  	_ =	strace $0x8000004A;
	s8 =	smul.u32 $0x168000, s3;
	s9 =	ssub.s32 $0x2, s3  }
0xa: {  	s7 =	sor.u32 s3, s7;
	s3 =	smul.u32 $0x5200, s3;
	s11 =	sshrl.u32 s9, $0x1  }
0xb: {  	s7 =	smul.u32 $0x5200, s7;
	s6 =	sadd.s32 $0x80, s6;
	s25 =	sshrl.u32 s13, $0x2  }
0xc: {  	s16 =	sadd.s32 $0x48000, s13;
	s20 =	sadd.s32 $0x9000, s10;
	s21 =	sadd.s32 s10, s2  }
0xd: {  	s12 =	sadd.s32 s8, s10;
	s14 =	smul.u32 $0x240, s6;
	s9 =	ssub.s32 s9, s11  }
0xe: {  	s11 =	sadd.s32 $0x24000, s13;
	s6 =	smul.u32 $0x90, s6;
	s17 =	sshrl.u32 s16, $0x2  }
0xf: {  	s22 =	sadd.s32 s8, s20;
	s21 =	sshrl.u32 s21, $0x3;
	s7 =	sshrl.u32 s7, $0x3  }
0x10: {  	s12 =	sshrl.u32 s12, $0x3;
	s24 =	smax.u32 s9, $0x1;
	s7 =	sadd.s32 s1, s7  }
0x11: {  	s23 =	sadd.s32 s0, s12;
	[dreg:$0x6] =	wrdreg s24;
	s26 =	sshrl.u32 s14, $0x2  }
0x12: {  	s12 =	sadd.s32 $0x36000, s13;
	s18 =	sadd.s32 s8, s6;
	s6 =	sadd.s32 s6, s2  }
0x13: {  	s24 =	sadd.s32 $0xD800, s10;
	s10 =	sadd.s32 $0x12000, s10;
	[dreg:$0x4] =	wrdreg s7  }
0x14: {  	[dreg:$0x5] =	wrdreg s23;
	s7 =	sadd.s32 s25, s2;
	s9 =	sadd.s32 s26, s2  }
0x15: {  	s14 =	sshrl.u32 s12, $0x2;
	s19 =	sshrl.u32 s18, $0x3;
	s23 =	smul.u32 $0xA400, s15  }
0x16: {  	s16 =	sadd.s32 s8, s24;
	s8 =	sadd.s32 s8, s10;
	[dreg:$0x7] =	wrdreg s7  }
0x17: {  	s26 =	sadd.s32 s10, s2;
	s10 =	simm.s32 $0x0;
	[dreg:$0x8] =	wrdreg s9  }
0x18: {  	s7 =	sshrl.u32 s11, $0x2;
	s9 =	sadd.s32 s20, s2;
	s16 =	sshrl.u32 s16, $0x3  }
0x19: {  	s8 =	sshrl.u32 s8, $0x3;
	s20 =	simm.s32 $0x3;
	s7 =	sadd.s32 s7, s2  }
0x1a: {  	s3 =	sadd.s32 s3, s23;
	s16 =	sadd.s32 s0, s16;
	s23 =	sshrl.u32 s9, $0x3  }
0x1b: {  	s9 =	simm.s32 $0x380;
	[dreg:$0x9] =	wrdreg s7;
	s7 =	sadd.s32 s14, s2  }
0x1c: {  	s14 =	sadd.s32 s0, s19;
	s12 =	sadd.s32 $0x200, s3;
	s18 =	sadd.s32 $0x400, s3  }
0x1d: {  	s3 =	simm.s32 $0x2;
	[dreg:$0xa] =	wrdreg s7;
	s7 =	sadd.s32 s17, s2  }
0x1e: {  	s17 =	sadd.s32 s0, s8;
	s25 =	sshrl.u32 s12, $0x3;
	s8 =	simm.s32 $0x280  }
0x1f: {  	[dreg:$0xb] =	wrdreg s7;
	s7 =	sshrl.u32 s22, $0x3;
	s19 =	sadd.s32 s25, s1  }
0x20: {  	s22 =	sshrl.u32 s6, $0x3;
	s25 =	sshrl.u32 s26, $0x3;
	s26 =	simm.s32 $0x400  }
0x21: {  	s6 =	simm.s32 $0x180;
	s15 =	sadd.s32 s0, s7;
	s7 =	sadd.s32 s24, s2  }
0x22: {  	v0 =	vimm.f32 $0.0e+00;
	s0 =	simm.s32 $0x1;
	s24 =	sshrl.u32 s7, $0x3;
	s7 =	simm.s32 $0x300  }
.LBB2_1:
0x23: {  	s11 =	rddreg [dreg:$0x4]  }
0x24: {  	[tilespmem:s4], [sflag:$0x3] =	stream.linear.gather [hbm4b:s11+s4], $0x200, $0x38;
	[tilespmem:$0x1FC00] =	vst v63  }
0x25: {  	_ =	swait.ge [sflag:s20], $0x200  }
0x26: {  	[sflag:s20] =	ssyncset.done $0x0  }
0x27: {  	s12 =	simm.s32 $0x440;
	s11 =	simm.s32 $0x80;
	[sflag:s20] =	ssyncadd.s32 $0xFFFFFE00  }
.LBB2_2:
0x28: {  	p0 =	sne.s32 s12, $0x11FC0;
	[tilespmem:s11+$0x400] =	vst v0  }
0x29: {  	[tilespmem:s11+$0x380] =	vst v0  }
0x2a: {  	[tilespmem:s11+$0x390] =	vst v0  }
0x2b: {  	[tilespmem:s11+$0x3A0] =	vst v0  }
.Ltmp0:
0x2c: {  	[tilespmem:s11+$0x3B0] =	vst v0;
	(pc) =	sbr.rel @p0 .LBB2_2-.Ltmp0, $4  }
0x2d: {  	[tilespmem:s11+$0x3C0] =	vst v0  }
0x2e: {  	[tilespmem:s11+$0x3D0] =	vst v0  }
0x2f: {  	[tilespmem:s11+$0x3E0] =	vst v0  }
0x30: {  	[tilespmem:s11+$0x3F0] =	vst v0;
	s11 =	sshra.s32 s12, $0x2;
	s12 =	sadd.s32 $0x240, s12  }
0x31: {  	[tilespmem:s11+$0x400] =	vst v0  }
0x32: {  	[tilespmem:s11+$0x380] =	vst v0  }
0x33: {  	[tilespmem:s11+$0x390] =	vst v0  }
0x34: {  	[tilespmem:s11+$0x3A0] =	vst v0  }
0x35: {  	[tilespmem:s11+$0x3B0] =	vst v0  }
0x36: {  	[tilespmem:s11+$0x3C0] =	vst v0  }
0x37: {  	[tilespmem:s11+$0x3D0] =	vst v0  }
0x38: {  	[tilespmem:s11+$0x3E0] =	vst v0  }
0x39: {  	[tilespmem:s11+$0x3F0] =	vst v0;
	s12 =	rddreg [dreg:$0x7]  }
0x3a: {  	[spmem:s12] =	stream.linear.scatter [tilespmem:s26], [sflag:$0x3], $0x4800, $0x38;
	[tilespmem:$0x1FC00] =	vst v63  }
0x3b: {  	_ =	swait.ge [sflag:s20], $0x4800  }
0x3c: {  	[sflag:s20] =	ssyncset.done $0x0  }
0x3d: {  	s13 =	rddreg [dreg:$0x8];
	[sflag:s20] =	ssyncadd.s32 $0xFFFFB800  }
0x3e: {  	[spmem:s13] =	stream.linear.scatter [tilespmem:s26], [sflag:$0x3], $0x4800, $0x38;
	[tilespmem:$0x1FC00] =	vst v63  }
0x3f: {  	_ =	swait.ge [sflag:s20], $0x4800  }
0x40: {  	[sflag:s20] =	ssyncset.done $0x0  }
0x41: {  	s12 =	rddreg [dreg:$0x9];
	[sflag:s20] =	ssyncadd.s32 $0xFFFFB800  }
0x42: {  	[spmem:s12] =	stream.linear.scatter [tilespmem:s26], [sflag:$0x3], $0x4800, $0x38;
	[tilespmem:$0x1FC00] =	vst v63  }
0x43: {  	_ =	swait.ge [sflag:s20], $0x4800  }
0x44: {  	[sflag:s20] =	ssyncset.done $0x0  }
0x45: {  	s13 =	rddreg [dreg:$0xa];
	[sflag:s20] =	ssyncadd.s32 $0xFFFFB800  }
0x46: {  	[spmem:s13] =	stream.linear.scatter [tilespmem:s26], [sflag:$0x3], $0x4800, $0x38;
	[tilespmem:$0x1FC00] =	vst v63  }
0x47: {  	_ =	swait.ge [sflag:s20], $0x4800  }
0x48: {  	[sflag:s20] =	ssyncset.done $0x0  }
0x49: {  	s12 =	rddreg [dreg:$0xb];
	[sflag:s20] =	ssyncadd.s32 $0xFFFFB800  }
0x4a: {  	[spmem:s12] =	stream.linear.scatter [tilespmem:s26], [sflag:$0x3], $0x4800, $0x38;
	[tilespmem:$0x1FC00] =	vst v63  }
0x4b: {  	_ =	swait.ge [sflag:s20], $0x4800  }
0x4c: {  	[sflag:s20] =	ssyncset.done $0x0  }
0x4d: {  	s13 =	simm.s32 $0x0;
	[sflag:s20] =	ssyncadd.s32 $0xFFFFB800  }
0x4e: {  	[tilespmem:s26], [sflag:$0x1] =	stream.indirect.gather [hbm4b:s5+s28], $0x90, s13, s28, $0xb8;
	[tilespmem:$0x1FC00] =	vst v63  }
0x4f: {  	_ = 	snop  }
0x50: {  	[tilespmem:s30], [sflag:$0x2] =	stream.indirect.gather [hbm4b:s5+s28], $0x90, s29, s28, $0xb8;
	[tilespmem:$0x1FC00] =	vst v63  }
0x51: {  	s12 =	sadd.s32 $0x0, s19;
	[bflag:$0x0] =	sbarrier.arrive $0xFFFF  }
0x52: {  	[tilespmem:s31], [sflag:$0x3] =	stream.linear.gather [hbm4b:s12+s4], $0x200, $0x38;
	[tilespmem:$0x1FC00] =	vst v63  }
0x53: {  	_ =	swait.ge [sflag:s20], $0x200  }
0x54: {  	[sflag:s20] =	ssyncset.done $0x0  }
0x55: {  	[sflag:s20] =	ssyncadd.s32 $0xFFFFFE00  }
0x56: {  	_ =	swait.ge [sflag:s0], $0x4800  }
0x57: {  	[sflag:s0] =	ssyncset.done $0x0  }
0x58: {  	[sflag:s0] =	ssyncadd.s32 $0xFFFFB800  }
0x59: {  	[spmem:s2] =	stream.indirect.scatter.add.f32 [tilespmem:s26], [sflag:$0x3], $0x90, s28, s28, $0xb8;
	[tilespmem:$0x1FC00] =	vst v63  }
0x5a: {  	_ =	swait.ge [sflag:s20], $0x4800  }
0x5b: {  	[sflag:s20] =	ssyncset.done $0x0  }
0x5c: {  	[sflag:s20] =	ssyncadd.s32 $0xFFFFB800  }
0x5d: {  	[tilespmem:s26], [sflag:$0x1] =	stream.indirect.gather [hbm4b:s5+s28], $0x90, s31, s28, $0xb8;
	[tilespmem:$0x1FC00] =	vst v63  }
0x5e: {  	_ =	swait.ge [sflag:s3], $0x4800  }
0x5f: {  	[sflag:s3] =	ssyncset.done $0x0  }
0x60: {  	[sflag:s3] =	ssyncadd.s32 $0xFFFFB800  }
0x61: {  	[spmem:s2] =	stream.indirect.scatter.add.f32 [tilespmem:s30], [sflag:$0x3], $0x90, s6, s28, $0xb8;
	[tilespmem:$0x1FC00] =	vst v63  }
0x62: {  	_ =	swait.ge [sflag:s20], $0x4800  }
0x63: {  	[sflag:s20] =	ssyncset.done $0x0  }
0x64: {  	s13 =	sshrl.u32 s18, $0x3;
	[sflag:s20] =	ssyncadd.s32 $0xFFFFB800  }
0x65: {  	[tilespmem:s30], [sflag:$0x2] =	stream.indirect.gather [hbm4b:s5+s28], $0x90, s7, s28, $0xb8;
	[tilespmem:$0x1FC00] =	vst v63  }
0x66: {  	s11 =	sadd.s32 s1, s13  }
0x67: {  	[tilespmem:s4], [sflag:$0x3] =	stream.linear.gather [hbm4b:s11+s4], $0x200, $0x38;
	[tilespmem:$0x1FC00] =	vst v63  }
0x68: {  	_ =	swait.ge [sflag:s20], $0x200  }
0x69: {  	[sflag:s20] =	ssyncset.done $0x0  }
0x6a: {  	[sflag:s20] =	ssyncadd.s32 $0xFFFFFE00  }
0x6b: {  	_ =	swait.ge [sflag:s0], $0x4800  }
0x6c: {  	[sflag:s0] =	ssyncset.done $0x0  }
0x6d: {  	[sflag:s0] =	ssyncadd.s32 $0xFFFFB800  }
0x6e: {  	[spmem:s2] =	stream.indirect.scatter.add.f32 [tilespmem:s26], [sflag:$0x3], $0x90, s8, s28, $0xb8;
	[tilespmem:$0x1FC00] =	vst v63  }
0x6f: {  	_ =	swait.ge [sflag:s20], $0x4800  }
0x70: {  	[sflag:s20] =	ssyncset.done $0x0  }
0x71: {  	[sflag:s20] =	ssyncadd.s32 $0xFFFFB800  }
0x72: {  	[tilespmem:s26], [sflag:$0x1] =	stream.indirect.gather [hbm4b:s5+s28], $0x90, s4, s28, $0xb8;
	[tilespmem:$0x1FC00] =	vst v63  }
0x73: {  	_ =	swait.ge [sflag:s3], $0x4800  }
0x74: {  	[sflag:s3] =	ssyncset.done $0x0  }
0x75: {  	[sflag:s3] =	ssyncadd.s32 $0xFFFFB800  }
0x76: {  	[spmem:s2] =	stream.indirect.scatter.add.f32 [tilespmem:s30], [sflag:$0x3], $0x90, s9, s28, $0xb8;
	[tilespmem:$0x1FC00] =	vst v63  }
0x77: {  	_ =	swait.ge [sflag:s20], $0x4800  }
0x78: {  	[sflag:s20] =	ssyncset.done $0x0  }
0x79: {  	s12 =	sadd.s32 $0x400, s18;
	s11 =	simm.s32 $0x80;
	[sflag:s20] =	ssyncadd.s32 $0xFFFFB800  }
.LBB2_4:
0x7a: {  	[tilespmem:s30], [sflag:$0x2] =	stream.indirect.gather [hbm4b:s5+s28], $0x90, s29, s28, $0xb8;
	[tilespmem:$0x1FC00] =	vst v63  }
0x7b: {  	s13 =	sadd.s32 s11, s19;
	p0 =	sne.s32 s11, $0x980;
	s11 =	sadd.s32 $0x80, s11  }
0x7c: {  	[tilespmem:s31], [sflag:$0x3] =	stream.linear.gather [hbm4b:s13+s4], $0x200, $0x38;
	[tilespmem:$0x1FC00] =	vst v63  }
0x7d: {  	_ =	swait.ge [sflag:s20], $0x200  }
0x7e: {  	[sflag:s20] =	ssyncset.done $0x0  }
0x7f: {  	[sflag:s20] =	ssyncadd.s32 $0xFFFFFE00  }
0x80: {  	_ =	swait.ge [sflag:s0], $0x4800  }
0x81: {  	[sflag:s0] =	ssyncset.done $0x0  }
0x82: {  	[sflag:s0] =	ssyncadd.s32 $0xFFFFB800  }
0x83: {  	[spmem:s2] =	stream.indirect.scatter.add.f32 [tilespmem:s26], [sflag:$0x3], $0x90, s28, s28, $0xb8;
	[tilespmem:$0x1FC00] =	vst v63  }
0x84: {  	_ =	swait.ge [sflag:s20], $0x4800  }
0x85: {  	[sflag:s20] =	ssyncset.done $0x0  }
0x86: {  	[sflag:s20] =	ssyncadd.s32 $0xFFFFB800  }
0x87: {  	[tilespmem:s26], [sflag:$0x1] =	stream.indirect.gather [hbm4b:s5+s28], $0x90, s31, s28, $0xb8;
	[tilespmem:$0x1FC00] =	vst v63  }
0x88: {  	_ =	swait.ge [sflag:s3], $0x4800  }
0x89: {  	[sflag:s3] =	ssyncset.done $0x0  }
0x8a: {  	[sflag:s3] =	ssyncadd.s32 $0xFFFFB800  }
0x8b: {  	[spmem:s2] =	stream.indirect.scatter.add.f32 [tilespmem:s30], [sflag:$0x3], $0x90, s6, s28, $0xb8;
	[tilespmem:$0x1FC00] =	vst v63  }
0x8c: {  	_ =	swait.ge [sflag:s20], $0x4800  }
0x8d: {  	[sflag:s20] =	ssyncset.done $0x0  }
0x8e: {  	s13 =	sshrl.u32 s12, $0x3;
	[sflag:s20] =	ssyncadd.s32 $0xFFFFB800  }
0x8f: {  	[tilespmem:s30], [sflag:$0x2] =	stream.indirect.gather [hbm4b:s5+s28], $0x90, s7, s28, $0xb8;
	[tilespmem:$0x1FC00] =	vst v63  }
0x90: {  	s13 =	sadd.s32 s1, s13  }
0x91: {  	[tilespmem:s4], [sflag:$0x3] =	stream.linear.gather [hbm4b:s13+s4], $0x200, $0x38;
	[tilespmem:$0x1FC00] =	vst v63  }
0x92: {  	_ =	swait.ge [sflag:s20], $0x200  }
0x93: {  	[sflag:s20] =	ssyncset.done $0x0  }
0x94: {  	[sflag:s20] =	ssyncadd.s32 $0xFFFFFE00  }
0x95: {  	_ =	swait.ge [sflag:s0], $0x4800  }
0x96: {  	[sflag:s0] =	ssyncset.done $0x0  }
0x97: {  	[sflag:s0] =	ssyncadd.s32 $0xFFFFB800  }
0x98: {  	[spmem:s2] =	stream.indirect.scatter.add.f32 [tilespmem:s26], [sflag:$0x3], $0x90, s8, s28, $0xb8;
	[tilespmem:$0x1FC00] =	vst v63  }
0x99: {  	_ =	swait.ge [sflag:s20], $0x4800  }
0x9a: {  	[sflag:s20] =	ssyncset.done $0x0  }
0x9b: {  	[sflag:s20] =	ssyncadd.s32 $0xFFFFB800  }
0x9c: {  	[tilespmem:s26], [sflag:$0x1] =	stream.indirect.gather [hbm4b:s5+s28], $0x90, s4, s28, $0xb8;
	[tilespmem:$0x1FC00] =	vst v63  }
0x9d: {  	_ =	swait.ge [sflag:s3], $0x4800  }
0x9e: {  	[sflag:s3] =	ssyncset.done $0x0  }
.Ltmp1:
0x9f: {  	[sflag:s3] =	ssyncadd.s32 $0xFFFFB800;
	(pc) =	sbr.rel @p0 .LBB2_4-.Ltmp1, $4  }
0xa0: {  	[spmem:s2] =	stream.indirect.scatter.add.f32 [tilespmem:s30], [sflag:$0x3], $0x90, s9, s28, $0xb8;
	[tilespmem:$0x1FC00] =	vst v63  }
0xa1: {  	_ =	swait.ge [sflag:s20], $0x4800  }
0xa2: {  	[sflag:s20] =	ssyncset.done $0x0  }
0xa3: {  	s12 =	sadd.s32 $0x400, s12;
	[sflag:s20] =	ssyncadd.s32 $0xFFFFB800  }
0xa4: {  	[tilespmem:s30], [sflag:$0x2] =	stream.indirect.gather [hbm4b:s5+s28], $0x90, s29, s28, $0xb8;
	[tilespmem:$0x1FC00] =	vst v63  }
0xa5: {  	_ =	swait.ge [sflag:s0], $0x4800  }
0xa6: {  	[sflag:s0] =	ssyncset.done $0x0  }
0xa7: {  	[sflag:s0] =	ssyncadd.s32 $0xFFFFB800  }
0xa8: {  	[spmem:s2] =	stream.indirect.scatter.add.f32 [tilespmem:s26], [sflag:$0x3], $0x90, s28, s28, $0xb8;
	[tilespmem:$0x1FC00] =	vst v63  }
0xa9: {  	_ =	swait.ge [sflag:s20], $0x4800  }
0xaa: {  	[sflag:s20] =	ssyncset.done $0x0  }
0xab: {  	[sflag:s20] =	ssyncadd.s32 $0xFFFFB800  }
0xac: {  	_ =	swait.ge [sflag:s3], $0x4800  }
0xad: {  	[sflag:s3] =	ssyncset.done $0x0  }
0xae: {  	[sflag:s3] =	ssyncadd.s32 $0xFFFFB800  }
0xaf: {  	[spmem:s2] =	stream.indirect.scatter.add.f32 [tilespmem:s30], [sflag:$0x3], $0x90, s6, s28, $0xb8;
	[tilespmem:$0x1FC00] =	vst v63  }
0xb0: {  	_ =	swait.ge [sflag:s20], $0x4800  }
0xb1: {  	[sflag:s20] =	ssyncset.done $0x0  }
0xb2: {  	s11 =	stileid.u32;
	[sflag:s20] =	ssyncadd.s32 $0xFFFFB800  }
0xb3: {  	s11 =	sshll.u32 s11, $0x6;
	[bflag:$0x0] =	sbarrier.arrive $0xFFFF  }
0xb4: {  	s11 =	sor.u32 $0x1C03, s11;
	s12 =	rddreg [dreg:$0x5]  }
0xb5: {  	[hbm:s12], [sflag:s11] =	dma.local [spmem:s21], $0x900  }
0xb6: {  	_ =	swait.ge [sflag:s20], $0x900  }
0xb7: {  	[sflag:s20] =	ssyncset.done $0x0  }
0xb8: {  	[sflag:s20] =	ssyncadd.s32 $0xFFFFF700  }
0xb9: {  	[hbm:s14], [sflag:s11] =	dma.local [spmem:s22], $0x900  }
0xba: {  	_ =	swait.ge [sflag:s20], $0x900  }
0xbb: {  	[sflag:s20] =	ssyncset.done $0x0  }
0xbc: {  	[sflag:s20] =	ssyncadd.s32 $0xFFFFF700  }
0xbd: {  	[hbm:s15], [sflag:s11] =	dma.local [spmem:s23], $0x900  }
0xbe: {  	_ =	swait.ge [sflag:s20], $0x900  }
0xbf: {  	[sflag:s20] =	ssyncset.done $0x0  }
0xc0: {  	[sflag:s20] =	ssyncadd.s32 $0xFFFFF700  }
0xc1: {  	[hbm:s16], [sflag:s11] =	dma.local [spmem:s24], $0x900  }
0xc2: {  	_ =	swait.ge [sflag:s20], $0x900  }
0xc3: {  	[sflag:s20] =	ssyncset.done $0x0  }
0xc4: {  	[sflag:s20] =	ssyncadd.s32 $0xFFFFF700  }
0xc5: {  	[hbm:s17], [sflag:s11] =	dma.local [spmem:s25], $0x900  }
0xc6: {  	_ =	swait.ge [sflag:s20], $0x900  }
0xc7: {  	s10 =	sadd.s32 $0x1, s10;
	s13 =	rddreg [dreg:$0x6]  }
0xc8: {  	p0 =	sne.s32 s10, s13  }
.Ltmp2:
0xc9: {  	_ = 	snop;
	(pc) =	sbr.rel @p0 .LBB2_1-.Ltmp2, $3  }
0xca: {  	_ =	sdelay $0x1  }
0xcb: {  	[sflag:s20] =	ssyncset.done $0x0  }
0xcc: {  	[sflag:s20] =	ssyncadd.s32 $0xFFFFF700  }
0xcd: {  	_ =	sfence.sel $0x180000  }
0xce: {  	[bflag:$0x0] =	sbarrier.arrive $0xFFFF  }
0xcf: {  	_ =	strace $0x9000004A  }
0xd0: {  	s0 =	stileid.u32;
	[bflag:$0x2] =	sbarrier.arrive $0xFFFF  }
0xd1: {  	p0 =	sne.s32 s0, $0x0;
	s0 =	rddreg [dreg:$0x3]  }
0xd2: {  	s0 =	sadd.s32 @!p0 $0x100000, s0  }
0xd3: {  	[sflag:s0] =	ssyncadd.tile.s32 @!p0 $0x1;
	_ =	shalt  }
.Lfunc_end2:
_tile_overlayer_lowered:
.L_overlay_start_2:
0xd4: {  	(tag) =	ssettag $0x2  }
0xd5: {  	s0 =	rddreg [dreg:$0x0];
	s2 =	stileid.u32  }
0xd6: {  	s1 =	rddreg [dreg:$0x1];
	p0 =	sne.s32 s2, $0x0  }
0xd7: {  	s3 =	rddreg [dreg:$0x2];
	[bflag:$0x3] =	sbarrier.arrive $0xFFFF;
	s2 =	simm.s32 @!p0 $0x1C03  }
0xd8: {  	[timem:s3], [sflag:s2] =	dma.local @!p0 [hbm:s0], s1  }
0xd9: {  	s0 =	simm.s32 @!p0 $0x3  }
0xda: {  	_ =	swait.ge @!p0 [sflag:s0], s1  }
0xdb: {  	s1 =	ssub.s32 @!p0 $0x0, s1;
	[sflag:s0] =	ssyncset.done @!p0 $0x0  }
0xdc: {  	[sflag:s0] =	ssyncadd.s32 @!p0 s1  }
0xdd: {  	[bflag:$0x3] =	sbarrier.arrive $0xFFFF  }
0xde: {  	_ =	shalt  }

</sc_bundles>
